<compile_context>
chip_gen: v7x
topology: tpu7x:2x2x1
jax: 0.10.2.dev20260603
libtpu: 0.0.44.dev20260713+nightly
codegen_flags: <defaults>
</compile_context>

<pallas_src>
import functools

import jax
import jax.numpy as jnp
from jax import lax
from jax.experimental import pallas as pl
from jax.experimental.pallas import tpu as pltpu
from jax.experimental.pallas import tpu_sc as plsc

NENT = 100000
NREL = 64
STT = 256
ABSD = 128
REL0 = 128
RELL = 256
B = 1024
GAMMA = 12.0

_NC, _NS = 2, 16
_NW = _NC * _NS
_NT = 10


def _sc_gather_fn(bw, idx_s_hbm, idx_o_hbm, e_hbm, *rest):
    tabs = (e_hbm,) + rest[:_NT - 1]
    outs = rest[_NT - 1:_NT - 1 + 2 * _NT]
    scratch = rest[_NT - 1 + 2 * _NT:]
    idx_s_v, idx_o_v = scratch[0], scratch[1]
    bufs = scratch[2:2 + 2 * _NT]
    gsem, ssem = scratch[2 + 2 * _NT], scratch[3 + 2 * _NT]

    wid = lax.axis_index("s") * _NC + lax.axis_index("c")
    base = wid * bw
    pltpu.sync_copy(idx_s_hbm.at[pl.ds(base, bw)], idx_s_v)
    pltpu.sync_copy(idx_o_hbm.at[pl.ds(base, bw)], idx_o_v)

    gathers = []
    for j in range(_NT):
        gathers.append(pltpu.async_copy(tabs[j].at[idx_s_v], bufs[2 * j], gsem))
        gathers.append(pltpu.async_copy(tabs[j].at[idx_o_v], bufs[2 * j + 1], gsem))
    for g in gathers:
        g.wait()
    stores = []
    for j in range(2 * _NT):
        stores.append(pltpu.async_copy(bufs[j], outs[j].at[pl.ds(base, bw)], ssem))
    for s in stores:
        s.wait()


def _sc_gather(idx_s, idx_o, e_emb, abs_tables):
    nb = idx_s.shape[0]
    bw = nb // _NW
    out_type = []
    for j in range(_NT):
        d = STT if j == 0 else ABSD
        out_type += [jax.ShapeDtypeStruct((nb, d), jnp.float32)] * 2
    mesh = plsc.VectorSubcoreMesh(core_axis_name="c", subcore_axis_name="s")
    k = functools.partial(
        pl.kernel, mesh=mesh, out_type=out_type,
        scratch_types=(
            [pltpu.VMEM((bw,), jnp.int32)] * 2
            + [pltpu.VMEM((bw, STT), jnp.float32)] * 2
            + [pltpu.VMEM((bw, ABSD), jnp.float32)] * (2 * _NT - 2)
            + [pltpu.SemaphoreType.DMA, pltpu.SemaphoreType.DMA]
        ),
    )(functools.partial(_sc_gather_fn, bw))
    return k(idx_s, idx_o, e_emb, *abs_tables)


BLK = 256


def _dense_kernel(hbase, x_ref, es_ref, eo_ref, *rest):
    abs_refs = rest[:18]
    (r64_ref, rd_ref, repc_ref, ident_ref,
     fW1_ref, fb1_ref, fW2_ref, fb2_ref,
     pW1_ref, pb1_ref, pW2_ref, pb2_ref,
     aW1_ref, ab1_ref, aW2_ref, ab2_ref,
     out_ref) = rest[18:]
    x = x_ref[...]

    oh_r = _onehot(x[:, 1:2], 64)
    rr = _matmul(oh_r, r64_ref[...])
    es = es_ref[...]
    eo = eo_ref[...]

    t_d = x[:, 3:4].astype(jnp.float32)
    t_m = x[:, 4:5].astype(jnp.float32)
    t_y = x[:, 5:6].astype(jnp.float32)

    def abs_emb(which):
        out = jnp.zeros((BLK, ABSD), jnp.float32)
        for j, t in enumerate((t_d, t_m, t_y)):
            frq = abs_refs[2 * (3 * j + 0) + which][...]
            phi = abs_refs[2 * (3 * j + 1) + which][...]
            amp = abs_refs[2 * (3 * j + 2) + which][...]
            out = out + amp * jnp.sin(t * frq + phi)
        return out

    abs_s = abs_emb(0)
    abs_o = abs_emb(1)

    pid = pl.program_id(0)
    rows_b = (jax.lax.broadcasted_iota(jnp.int32, (BLK, 64), 0)
              + (hbase + pid) * BLK)
    cols_b = jax.lax.broadcasted_iota(jnp.int32, (BLK, 64), 1)
    oh16 = (jax.lax.div(rows_b, 16) == cols_b).astype(jnp.float32)

    rd = rd_ref[...]

    def mlp(d_part, e_rows, W1_ref, b1_ref, W2_ref, b2_ref):
        W1 = W1_ref[...]
        u = _matmul_t(d_part, W1[:, :REL0])
        h = _matmul(oh16, u) + _matmul_t(e_rows, W1[:, REL0:]) + b1_ref[...]
        h = jnp.maximum(h, 0.0)
        h = jnp.maximum(_matmul_t(h, W2_ref[...]) + b2_ref[...], 0.0)
        return h

    a_s = mlp(rd[:, 0 * REL0:1 * REL0], es, fW1_ref, fb1_ref, fW2_ref, fb2_ref)
    f_s = mlp(rd[:, 1 * REL0:2 * REL0], es, pW1_ref, pb1_ref, pW2_ref, pb2_ref)
    p_s = mlp(rd[:, 2 * REL0:3 * REL0], es, aW1_ref, ab1_ref, aW2_ref, ab2_ref)
    a_o = mlp(rd[:, 0 * REL0:1 * REL0], eo, fW1_ref, fb1_ref, fW2_ref, fb2_ref)
    f_o = mlp(rd[:, 1 * REL0:2 * REL0], eo, pW1_ref, pb1_ref, pW2_ref, pb2_ref)
    p_o = mlp(rd[:, 2 * REL0:3 * REL0], eo, aW1_ref, ab1_ref, aW2_ref, ab2_ref)

    ident = ident_ref[...]

    def tr256(a):
        return jax.lax.dot_general(a, ident, (((0,), (0,)), ((), ())),
                                   preferred_element_type=jnp.float32)

    c2 = x[:, 6:6 + 2 * NREL].astype(jnp.bfloat16)
    cb = jax.lax.dot_general(c2, repc_ref[...], (((1,), (0,)), ((), ())),
                             preferred_element_type=jnp.float32)
    lane = jax.lax.broadcasted_iota(jnp.int32, (BLK, 2 * NREL), 1)
    vals = jnp.bitwise_and(lane, NREL - 1).astype(jnp.float32)
    cnt2 = jnp.zeros((BLK, 2 * NREL), jnp.float32)
    for n in range(NREL):
        cnt2 = cnt2 + (cb[:, 128 * n:128 * (n + 1)] == vals).astype(jnp.float32)
    cnt2T = jax.lax.dot_general(cnt2, ident, (((0,), (0,)), ((), ())),
                                preferred_element_type=jnp.float32)

    def sin_sum_T(base, fT, pT):
        zr = jnp.cos(fT)
        zi = jnp.sin(fT)
        pr = [None] * 8
        pi = [None] * 8
        pr[1], pi[1] = zr, zi
        for l in range(2, 8):
            pr[l] = pr[l - 1] * zr - pi[l - 1] * zi
            pi[l] = pr[l - 1] * zi + pi[l - 1] * zr
        z8r = pr[7] * zr - pi[7] * zi
        z8i = pr[7] * zi + pi[7] * zr

        def t_group(h):
            row = cnt2T[base + 8 * h:base + 8 * h + 1, :]
            tr = row + cnt2T[base + 8 * h + 1:base + 8 * h + 2, :] * pr[1]
            ti = cnt2T[base + 8 * h + 1:base + 8 * h + 2, :] * pi[1]
            for l in range(2, 8):
                cc = cnt2T[base + 8 * h + l:base + 8 * h + l + 1, :]
                tr = tr + cc * pr[l]
                ti = ti + cc * pi[l]
            return tr, ti

        sr, si = t_group(7)
        for h in range(6, -1, -1):
            tgr, tgi = t_group(h)
            sr, si = sr * z8r - si * z8i + tgr, sr * z8i + si * z8r + tgi
        return si * jnp.cos(pT) + sr * jnp.sin(pT)

    sim_s = sin_sum_T(0, tr256(f_s), tr256(p_s))
    sim_o = sin_sum_T(NREL, tr256(f_o), tr256(p_o))
    rel_s = a_s * jax.lax.dot_general(sim_s, ident, (((0,), (0,)), ((), ())),
                                      preferred_element_type=jnp.float32)
    rel_o = a_o * jax.lax.dot_general(sim_o, ident, (((0,), (0,)), ((), ())),
                                      preferred_element_type=jnp.float32)

    diff_e = es + rr[:, :STT] - eo
    diff_a = abs_s + rr[:, STT:STT + ABSD] - abs_o
    diff_r = rel_s + rr[:, STT + ABSD:] - rel_o
    total = (jnp.sum(jnp.abs(diff_e), axis=1, keepdims=True)
             + jnp.sum(jnp.abs(diff_a), axis=1, keepdims=True)
             + jnp.sum(jnp.abs(diff_r), axis=1, keepdims=True))
    out_ref[...] = GAMMA - total


def _onehot(idx_col, n):
    cols = jax.lax.broadcasted_iota(jnp.int32, (idx_col.shape[0], n), 1)
    return (idx_col == cols).astype(jnp.float32)


def _matmul_t(a, w):
    return jax.lax.dot_general(a, w, (((1,), (1,)), ((), ())),
                               preferred_element_type=jnp.float32)


def _matmul(a, b):
    return jax.lax.dot_general(a, b, (((1,), (0,)), ((), ())),
                               preferred_element_type=jnp.float32)


@jax.jit
def kernel(x, e_emb, r_emb,
           ad_frq, ad_phi, ad_amp,
           am_frq, am_phi, am_amp,
           ay_frq, ay_phi, ay_amp,
           rd_frq, rd_phi, rd_amp,
           fW1, fb1, fW2, fb2,
           pW1, pb1, pW2, pb2,
           aW1, ab1, aW2, ab2):
    abs_tables = [ad_frq, ad_phi, ad_amp, am_frq, am_phi, am_amp,
                  ay_frq, ay_phi, ay_amp]
    r64 = r_emb[:64]
    rd_cat = jnp.concatenate([rd_amp, rd_frq, rd_phi], axis=1)

    rr_ = jnp.arange(2 * NREL)[:, None]
    jj_ = jnp.arange(128 * NREL)[None, :]
    nn_ = jj_ // 128
    kk_ = jj_ % 128
    repc = (((kk_ < NREL) & (rr_ == nn_))
            | ((kk_ >= NREL) & (rr_ == nn_ + NREL))).astype(jnp.bfloat16)
    ident = jnp.eye(BLK, dtype=jnp.float32)

    def rep(arr):
        return pl.BlockSpec(arr.shape, lambda i: (0, 0))

    NH = 1
    HB = B // NH
    outs = []
    for h in range(NH):
        xh = x[h * HB:(h + 1) * HB]
        g = _sc_gather(xh[:, 0], xh[:, 2], e_emb, abs_tables)
        es, eo = g[0], g[1]
        abs_rows = list(g[2:])

        operands = (xh, es, eo, *abs_rows, r64, rd_cat, repc, ident,
                    fW1, fb1.reshape(1, RELL), fW2, fb2.reshape(1, RELL),
                    pW1, pb1.reshape(1, RELL), pW2, pb2.reshape(1, RELL),
                    aW1, ab1.reshape(1, RELL), aW2, ab2.reshape(1, RELL))
        in_specs = [pl.BlockSpec((BLK, x.shape[1]), lambda i: (i, 0)),
                    pl.BlockSpec((BLK, STT), lambda i: (i, 0)),
                    pl.BlockSpec((BLK, STT), lambda i: (i, 0))]
        in_specs += [pl.BlockSpec((BLK, ABSD), lambda i: (i, 0))
                     for _ in range(18)]
        in_specs += [rep(a) for a in operands[21:]]

        outs.append(pl.pallas_call(
            functools.partial(_dense_kernel, h * (HB // BLK)),
            grid=(HB // BLK,),
            in_specs=in_specs,
            out_specs=pl.BlockSpec((BLK, 1), lambda i: (i, 0)),
            out_shape=jax.ShapeDtypeStruct((HB, 1), jnp.float32),
        )(*operands))
    return jnp.concatenate(outs, axis=0)

# --- scband reference (transcript-rebuilt; emitter-appended) ---
"""Pipeline reference for scband-kgemodel-29472065585768 (READ-ONLY COPY).

The authoritative reference and input builder live on the scoring server;
editing this copy changes nothing except your own understanding.
"""

import jax, jax.numpy as jnp
import numpy as np

NENT = 100000
NREL = 64
STT = 256
ABSD = 128
REL0 = 128
RELL = 256
B = 1024
GAMMA = 12.0


def setup_inputs(seed: int = 0):
    key = jax.random.key(seed)
    ks = iter(jax.random.split(key, 64))
    def nrm(shape, scale=0.05):
        return jax.random.normal(next(ks), shape, dtype=jnp.float32) * scale
    inp = {}
    inp["x"] = jax.random.randint(next(ks), (B, 6 + 2 * NREL), 0, 64, dtype=jnp.int32)
    inp["e_emb"] = nrm((NENT, STT))
    inp["r_emb"] = nrm((NREL, STT + ABSD + RELL))
    for nm in ["ad", "am", "ay"]:
        for sf in ["frq", "phi", "amp"]:
            inp[nm + "_" + sf] = nrm((NENT, ABSD))
    for sf in ["frq", "phi", "amp"]:
        inp["rd_" + sf] = nrm((NREL, REL0))
    for pre in ["f", "p", "a"]:
        inp[pre + "W1"] = nrm((RELL, STT + REL0))
        inp[pre + "b1"] = jnp.zeros((RELL,), jnp.float32)
        inp[pre + "W2"] = nrm((RELL, RELL))
        inp[pre + "b2"] = jnp.zeros((RELL,), jnp.float32)
    return inp


def _fwd(x, P):
    def mlp(h, W1, b1, W2, b2):
        h = jnp.maximum(h @ W1.T + b1, 0.0)
        h = jnp.maximum(h @ W2.T + b2, 0.0)
        return h

    def abs_emb(e, d, m, y):
        out = 0.0
        for nm, t in (("ad", d), ("am", m), ("ay", y)):
            amp = jnp.take(P[nm + "_amp"], e, axis=0)
            frq = jnp.take(P[nm + "_frq"], e, axis=0)
            phi = jnp.take(P[nm + "_phi"], e, axis=0)
            out = out + amp * jnp.sin(t * frq + phi)
        return out

    def rel_emb(e, e_rel):
        Bn = e.shape[0]
        # faithful to torch: emb.repeat(1, B).view(B*nr, d)
        d_amp = jnp.reshape(jnp.tile(P["rd_amp"], (1, Bn)), (Bn * NREL, REL0))
        d_frq = jnp.reshape(jnp.tile(P["rd_frq"], (1, Bn)), (Bn * NREL, REL0))
        d_phi = jnp.reshape(jnp.tile(P["rd_phi"], (1, Bn)), (Bn * NREL, REL0))
        e_ix = jnp.repeat(e, NREL)
        ee = jnp.take(P["e_emb"], e_ix, axis=0)
        # note: original code applies frq_nn to amp input etc. (names swapped); kept faithful
        a = mlp(jnp.concatenate([d_amp, ee], 1), P["fW1"], P["fb1"], P["fW2"], P["fb2"])
        f = mlp(jnp.concatenate([d_frq, ee], 1), P["pW1"], P["pb1"], P["pW2"], P["pb2"])
        p = mlp(jnp.concatenate([d_phi, ee], 1), P["aW1"], P["ab1"], P["aW2"], P["ab2"])
        r = a * jnp.sin(e_rel.reshape(-1, 1).astype(jnp.float32) * f + p)
        return r.reshape(Bn, NREL, RELL).sum(axis=1)

    d = x[:, 3:4].astype(jnp.float32)
    m = x[:, 4:5].astype(jnp.float32)
    y = x[:, 5:6].astype(jnp.float32)

    def t_emb(e, e_rel):
        return jnp.concatenate([abs_emb(e, d, m, y), rel_emb(e, e_rel)], axis=1)

    s = jnp.take(P["e_emb"], x[:, 0], axis=0)[:, None, :]
    s_t = t_emb(x[:, 0], x[:, 6:6 + NREL])[:, None, :]
    r = jnp.take(P["r_emb"], x[:, 1], axis=0)[:, None, :]
    o = jnp.take(P["e_emb"], x[:, 2], axis=0)[:, None, :]
    o_t = t_emb(x[:, 2], x[:, 6 + NREL:])[:, None, :]
    h = jnp.concatenate([s, s_t], axis=2)
    t = jnp.concatenate([o, o_t], axis=2)
    return GAMMA - jnp.sum(jnp.abs(h + r - t), axis=2)


def reference(x, e_emb, r_emb,
              ad_frq, ad_phi, ad_amp,
              am_frq, am_phi, am_amp,
              ay_frq, ay_phi, ay_amp,
              rd_frq, rd_phi, rd_amp,
              fW1, fb1, fW2, fb2,
              pW1, pb1, pW2, pb2,
              aW1, ab1, aW2, ab2):
    P = {k: v for k, v in locals().items() if k != "x"}
    return _fwd(x, P)

if __name__ == "__main__":
    import jax
    _d = setup_inputs()
    print(jax.jit(kernel)(*tuple(_d.values())))

</pallas_src>

<mosaic_0001>
#map = affine_map<(d0, d1) -> (0)>
#map1 = affine_map<(d0, d1) -> (0, 0)>
module attributes {stable_mosaic.version = 14 : i64} {
  func.func @_sc_gather_fn(%arg0: i32, %arg1: i32, %arg2: memref<1024xi32, #tpu.memory_space<hbm>>, %arg3: memref<1024xi32, #tpu.memory_space<hbm>>, %arg4: memref<100000x256xf32, #tpu.memory_space<hbm>>, %arg5: memref<100000x128xf32, #tpu.memory_space<hbm>>, %arg6: memref<100000x128xf32, #tpu.memory_space<hbm>>, %arg7: memref<100000x128xf32, #tpu.memory_space<hbm>>, %arg8: memref<100000x128xf32, #tpu.memory_space<hbm>>, %arg9: memref<100000x128xf32, #tpu.memory_space<hbm>>, %arg10: memref<100000x128xf32, #tpu.memory_space<hbm>>, %arg11: memref<100000x128xf32, #tpu.memory_space<hbm>>, %arg12: memref<100000x128xf32, #tpu.memory_space<hbm>>, %arg13: memref<100000x128xf32, #tpu.memory_space<hbm>>, %arg14: memref<1024x256xf32, #tpu.memory_space<hbm>>, %arg15: memref<1024x256xf32, #tpu.memory_space<hbm>>, %arg16: memref<1024x128xf32, #tpu.memory_space<hbm>>, %arg17: memref<1024x128xf32, #tpu.memory_space<hbm>>, %arg18: memref<1024x128xf32, #tpu.memory_space<hbm>>, %arg19: memref<1024x128xf32, #tpu.memory_space<hbm>>, %arg20: memref<1024x128xf32, #tpu.memory_space<hbm>>, %arg21: memref<1024x128xf32, #tpu.memory_space<hbm>>, %arg22: memref<1024x128xf32, #tpu.memory_space<hbm>>, %arg23: memref<1024x128xf32, #tpu.memory_space<hbm>>, %arg24: memref<1024x128xf32, #tpu.memory_space<hbm>>, %arg25: memref<1024x128xf32, #tpu.memory_space<hbm>>, %arg26: memref<1024x128xf32, #tpu.memory_space<hbm>>, %arg27: memref<1024x128xf32, #tpu.memory_space<hbm>>, %arg28: memref<1024x128xf32, #tpu.memory_space<hbm>>, %arg29: memref<1024x128xf32, #tpu.memory_space<hbm>>, %arg30: memref<1024x128xf32, #tpu.memory_space<hbm>>, %arg31: memref<1024x128xf32, #tpu.memory_space<hbm>>, %arg32: memref<1024x128xf32, #tpu.memory_space<hbm>>, %arg33: memref<1024x128xf32, #tpu.memory_space<hbm>>, %arg34: memref<32xi32, #tpu.memory_space<vmem>>, %arg35: memref<32xi32, #tpu.memory_space<vmem>>, %arg36: memref<32x256xf32, #tpu.memory_space<vmem>>, %arg37: memref<32x256xf32, #tpu.memory_space<vmem>>, %arg38: memref<32x128xf32, #tpu.memory_space<vmem>>, %arg39: memref<32x128xf32, #tpu.memory_space<vmem>>, %arg40: memref<32x128xf32, #tpu.memory_space<vmem>>, %arg41: memref<32x128xf32, #tpu.memory_space<vmem>>, %arg42: memref<32x128xf32, #tpu.memory_space<vmem>>, %arg43: memref<32x128xf32, #tpu.memory_space<vmem>>, %arg44: memref<32x128xf32, #tpu.memory_space<vmem>>, %arg45: memref<32x128xf32, #tpu.memory_space<vmem>>, %arg46: memref<32x128xf32, #tpu.memory_space<vmem>>, %arg47: memref<32x128xf32, #tpu.memory_space<vmem>>, %arg48: memref<32x128xf32, #tpu.memory_space<vmem>>, %arg49: memref<32x128xf32, #tpu.memory_space<vmem>>, %arg50: memref<32x128xf32, #tpu.memory_space<vmem>>, %arg51: memref<32x128xf32, #tpu.memory_space<vmem>>, %arg52: memref<32x128xf32, #tpu.memory_space<vmem>>, %arg53: memref<32x128xf32, #tpu.memory_space<vmem>>, %arg54: memref<32x128xf32, #tpu.memory_space<vmem>>, %arg55: memref<32x128xf32, #tpu.memory_space<vmem>>, %arg56: memref<!tpu.dma_semaphore, #tpu.memory_space<semaphore_mem>>, %arg57: memref<!tpu.dma_semaphore, #tpu.memory_space<semaphore_mem>>) attributes {dimension_semantics = [#tpu.dimension_semantics<core_parallel>, #tpu.dimension_semantics<subcore_parallel>], iteration_bounds = array<i64: 2, 16>, scalar_prefetch = 0 : i64, scratch_operands = 24 : i64, tpu.core_type = #tpu.core_type<sc_vector_subcore>, window_params = [{transform_indices = #map}, {transform_indices = #map}, {transform_indices = #map1}, {transform_indices = #map1}, {transform_indices = #map1}, {transform_indices = #map1}, {transform_indices = #map1}, {transform_indices = #map1}, {transform_indices = #map1}, {transform_indices = #map1}, {transform_indices = #map1}, {transform_indices = #map1}, {transform_indices = #map1}, {transform_indices = #map1}, {transform_indices = #map1}, {transform_indices = #map1}, {transform_indices = #map1}, {transform_indices = #map1}, {transform_indices = #map1}, {transform_indices = #map1}, {transform_indices = #map1}, {transform_indices = #map1}, {transform_indices = #map1}, {transform_indices = #map1}, {transform_indices = #map1}, {transform_indices = #map1}, {transform_indices = #map1}, {transform_indices = #map1}, {transform_indices = #map1}, {transform_indices = #map1}, {transform_indices = #map1}, {transform_indices = #map1}]} {
    %mul3A = arith.constant 2 : i32
    %mul3A_0 = arith.muli %arg1, %mul3A : i32
    %add3A = arith.addi %mul3A_0, %arg0 : i32
    %mul3A_1 = arith.constant 32 : i32
    %mul3A_2 = arith.muli %add3A, %mul3A_1 : i32
    "tpu.region"() ({
      %run_scoped3A = tpu.sem_alloc : memref<!tpu.dma_semaphore, #tpu.memory_space<semaphore_mem>>
      %dma_start3A_281 = tpu.memref_slice %arg2[%mul3A_2] : memref<1024xi32, #tpu.memory_space<hbm>> -> memref<32xi32, #tpu.memory_space<hbm>>
      %dma_start3A_282 = tpu.memref_slice %arg2[%mul3A_2] : memref<1024xi32, #tpu.memory_space<hbm>> -> memref<32xi32, #tpu.memory_space<hbm>>
      tpu.enqueue_dma source(%dma_start3A_282 : memref<32xi32, #tpu.memory_space<hbm>>) target(%arg34 : memref<32xi32, #tpu.memory_space<vmem>>) target_semaphore(%run_scoped3A : memref<!tpu.dma_semaphore, #tpu.memory_space<semaphore_mem>>)
      %dma_wait3A_283 = tpu.memref_slice %arg2[%mul3A_2] : memref<1024xi32, #tpu.memory_space<hbm>> -> memref<32xi32, #tpu.memory_space<hbm>>
      %dma_wait3A_284 = tpu.memref_slice %arg2[%mul3A_2] : memref<1024xi32, #tpu.memory_space<hbm>> -> memref<32xi32, #tpu.memory_space<hbm>>
      tpu.wait_dma2 semaphore(%run_scoped3A : memref<!tpu.dma_semaphore, #tpu.memory_space<semaphore_mem>>) src(%dma_wait3A_284 : memref<32xi32, #tpu.memory_space<hbm>>) dst(%arg34 : memref<32xi32, #tpu.memory_space<vmem>>)
      tpu.yield
    }) : () -> ()
    "tpu.region"() ({
      %run_scoped3A = tpu.sem_alloc : memref<!tpu.dma_semaphore, #tpu.memory_space<semaphore_mem>>
      %dma_start3A_281 = tpu.memref_slice %arg3[%mul3A_2] : memref<1024xi32, #tpu.memory_space<hbm>> -> memref<32xi32, #tpu.memory_space<hbm>>
      %dma_start3A_282 = tpu.memref_slice %arg3[%mul3A_2] : memref<1024xi32, #tpu.memory_space<hbm>> -> memref<32xi32, #tpu.memory_space<hbm>>
      tpu.enqueue_dma source(%dma_start3A_282 : memref<32xi32, #tpu.memory_space<hbm>>) target(%arg35 : memref<32xi32, #tpu.memory_space<vmem>>) target_semaphore(%run_scoped3A : memref<!tpu.dma_semaphore, #tpu.memory_space<semaphore_mem>>)
      %dma_wait3A_283 = tpu.memref_slice %arg3[%mul3A_2] : memref<1024xi32, #tpu.memory_space<hbm>> -> memref<32xi32, #tpu.memory_space<hbm>>
      %dma_wait3A_284 = tpu.memref_slice %arg3[%mul3A_2] : memref<1024xi32, #tpu.memory_space<hbm>> -> memref<32xi32, #tpu.memory_space<hbm>>
      tpu.wait_dma2 semaphore(%run_scoped3A : memref<!tpu.dma_semaphore, #tpu.memory_space<semaphore_mem>>) src(%dma_wait3A_284 : memref<32xi32, #tpu.memory_space<hbm>>) dst(%arg35 : memref<32xi32, #tpu.memory_space<vmem>>)
      tpu.yield
    }) : () -> ()
    %dma_start3A = arith.constant 0 : i32
    %dma_start3A_3 = arith.constant 0 : i32
    %dma_start3A_4 = tpu.memref_slice %arg4[%dma_start3A, %dma_start3A_3] : memref<100000x256xf32, #tpu.memory_space<hbm>> -> memref<100000x256xf32, #tpu.memory_space<hbm>>
    tpu.enqueue_indirect_dma source(%dma_start3A_4 : memref<100000x256xf32, #tpu.memory_space<hbm>>) target(%arg36 : memref<32x256xf32, #tpu.memory_space<vmem>>) offsets(%arg34 : memref<32xi32, #tpu.memory_space<vmem>>) semaphore(%arg56 : memref<!tpu.dma_semaphore, #tpu.memory_space<semaphore_mem>>)
    %dma_start3A_5 = arith.constant 0 : i32
    %dma_start3A_6 = arith.constant 0 : i32
    %dma_start3A_7 = tpu.memref_slice %arg4[%dma_start3A_5, %dma_start3A_6] : memref<100000x256xf32, #tpu.memory_space<hbm>> -> memref<100000x256xf32, #tpu.memory_space<hbm>>
    tpu.enqueue_indirect_dma source(%dma_start3A_7 : memref<100000x256xf32, #tpu.memory_space<hbm>>) target(%arg37 : memref<32x256xf32, #tpu.memory_space<vmem>>) offsets(%arg35 : memref<32xi32, #tpu.memory_space<vmem>>) semaphore(%arg56 : memref<!tpu.dma_semaphore, #tpu.memory_space<semaphore_mem>>)
    %dma_start3A_8 = arith.constant 0 : i32
    %dma_start3A_9 = arith.constant 0 : i32
    %dma_start3A_10 = tpu.memref_slice %arg5[%dma_start3A_8, %dma_start3A_9] : memref<100000x128xf32, #tpu.memory_space<hbm>> -> memref<100000x128xf32, #tpu.memory_space<hbm>>
    tpu.enqueue_indirect_dma source(%dma_start3A_10 : memref<100000x128xf32, #tpu.memory_space<hbm>>) target(%arg38 : memref<32x128xf32, #tpu.memory_space<vmem>>) offsets(%arg34 : memref<32xi32, #tpu.memory_space<vmem>>) semaphore(%arg56 : memref<!tpu.dma_semaphore, #tpu.memory_space<semaphore_mem>>)
    %dma_start3A_11 = arith.constant 0 : i32
    %dma_start3A_12 = arith.constant 0 : i32
    %dma_start3A_13 = tpu.memref_slice %arg5[%dma_start3A_11, %dma_start3A_12] : memref<100000x128xf32, #tpu.memory_space<hbm>> -> memref<100000x128xf32, #tpu.memory_space<hbm>>
    tpu.enqueue_indirect_dma source(%dma_start3A_13 : memref<100000x128xf32, #tpu.memory_space<hbm>>) target(%arg39 : memref<32x128xf32, #tpu.memory_space<vmem>>) offsets(%arg35 : memref<32xi32, #tpu.memory_space<vmem>>) semaphore(%arg56 : memref<!tpu.dma_semaphore, #tpu.memory_space<semaphore_mem>>)
    %dma_start3A_14 = arith.constant 0 : i32
    %dma_start3A_15 = arith.constant 0 : i32
    %dma_start3A_16 = tpu.memref_slice %arg6[%dma_start3A_14, %dma_start3A_15] : memref<100000x128xf32, #tpu.memory_space<hbm>> -> memref<100000x128xf32, #tpu.memory_space<hbm>>
    tpu.enqueue_indirect_dma source(%dma_start3A_16 : memref<100000x128xf32, #tpu.memory_space<hbm>>) target(%arg40 : memref<32x128xf32, #tpu.memory_space<vmem>>) offsets(%arg34 : memref<32xi32, #tpu.memory_space<vmem>>) semaphore(%arg56 : memref<!tpu.dma_semaphore, #tpu.memory_space<semaphore_mem>>)
    %dma_start3A_17 = arith.constant 0 : i32
    %dma_start3A_18 = arith.constant 0 : i32
    %dma_start3A_19 = tpu.memref_slice %arg6[%dma_start3A_17, %dma_start3A_18] : memref<100000x128xf32, #tpu.memory_space<hbm>> -> memref<100000x128xf32, #tpu.memory_space<hbm>>
    tpu.enqueue_indirect_dma source(%dma_start3A_19 : memref<100000x128xf32, #tpu.memory_space<hbm>>) target(%arg41 : memref<32x128xf32, #tpu.memory_space<vmem>>) offsets(%arg35 : memref<32xi32, #tpu.memory_space<vmem>>) semaphore(%arg56 : memref<!tpu.dma_semaphore, #tpu.memory_space<semaphore_mem>>)
    %dma_start3A_20 = arith.constant 0 : i32
    %dma_start3A_21 = arith.constant 0 : i32
    %dma_start3A_22 = tpu.memref_slice %arg7[%dma_start3A_20, %dma_start3A_21] : memref<100000x128xf32, #tpu.memory_space<hbm>> -> memref<100000x128xf32, #tpu.memory_space<hbm>>
    tpu.enqueue_indirect_dma source(%dma_start3A_22 : memref<100000x128xf32, #tpu.memory_space<hbm>>) target(%arg42 : memref<32x128xf32, #tpu.memory_space<vmem>>) offsets(%arg34 : memref<32xi32, #tpu.memory_space<vmem>>) semaphore(%arg56 : memref<!tpu.dma_semaphore, #tpu.memory_space<semaphore_mem>>)
    %dma_start3A_23 = arith.constant 0 : i32
    %dma_start3A_24 = arith.constant 0 : i32
    %dma_start3A_25 = tpu.memref_slice %arg7[%dma_start3A_23, %dma_start3A_24] : memref<100000x128xf32, #tpu.memory_space<hbm>> -> memref<100000x128xf32, #tpu.memory_space<hbm>>
    tpu.enqueue_indirect_dma source(%dma_start3A_25 : memref<100000x128xf32, #tpu.memory_space<hbm>>) target(%arg43 : memref<32x128xf32, #tpu.memory_space<vmem>>) offsets(%arg35 : memref<32xi32, #tpu.memory_space<vmem>>) semaphore(%arg56 : memref<!tpu.dma_semaphore, #tpu.memory_space<semaphore_mem>>)
    %dma_start3A_26 = arith.constant 0 : i32
    %dma_start3A_27 = arith.constant 0 : i32
    %dma_start3A_28 = tpu.memref_slice %arg8[%dma_start3A_26, %dma_start3A_27] : memref<100000x128xf32, #tpu.memory_space<hbm>> -> memref<100000x128xf32, #tpu.memory_space<hbm>>
    tpu.enqueue_indirect_dma source(%dma_start3A_28 : memref<100000x128xf32, #tpu.memory_space<hbm>>) target(%arg44 : memref<32x128xf32, #tpu.memory_space<vmem>>) offsets(%arg34 : memref<32xi32, #tpu.memory_space<vmem>>) semaphore(%arg56 : memref<!tpu.dma_semaphore, #tpu.memory_space<semaphore_mem>>)
    %dma_start3A_29 = arith.constant 0 : i32
    %dma_start3A_30 = arith.constant 0 : i32
    %dma_start3A_31 = tpu.memref_slice %arg8[%dma_start3A_29, %dma_start3A_30] : memref<100000x128xf32, #tpu.memory_space<hbm>> -> memref<100000x128xf32, #tpu.memory_space<hbm>>
    tpu.enqueue_indirect_dma source(%dma_start3A_31 : memref<100000x128xf32, #tpu.memory_space<hbm>>) target(%arg45 : memref<32x128xf32, #tpu.memory_space<vmem>>) offsets(%arg35 : memref<32xi32, #tpu.memory_space<vmem>>) semaphore(%arg56 : memref<!tpu.dma_semaphore, #tpu.memory_space<semaphore_mem>>)
    %dma_start3A_32 = arith.constant 0 : i32
    %dma_start3A_33 = arith.constant 0 : i32
    %dma_start3A_34 = tpu.memref_slice %arg9[%dma_start3A_32, %dma_start3A_33] : memref<100000x128xf32, #tpu.memory_space<hbm>> -> memref<100000x128xf32, #tpu.memory_space<hbm>>
    tpu.enqueue_indirect_dma source(%dma_start3A_34 : memref<100000x128xf32, #tpu.memory_space<hbm>>) target(%arg46 : memref<32x128xf32, #tpu.memory_space<vmem>>) offsets(%arg34 : memref<32xi32, #tpu.memory_space<vmem>>) semaphore(%arg56 : memref<!tpu.dma_semaphore, #tpu.memory_space<semaphore_mem>>)
    %dma_start3A_35 = arith.constant 0 : i32
    %dma_start3A_36 = arith.constant 0 : i32
    %dma_start3A_37 = tpu.memref_slice %arg9[%dma_start3A_35, %dma_start3A_36] : memref<100000x128xf32, #tpu.memory_space<hbm>> -> memref<100000x128xf32, #tpu.memory_space<hbm>>
    tpu.enqueue_indirect_dma source(%dma_start3A_37 : memref<100000x128xf32, #tpu.memory_space<hbm>>) target(%arg47 : memref<32x128xf32, #tpu.memory_space<vmem>>) offsets(%arg35 : memref<32xi32, #tpu.memory_space<vmem>>) semaphore(%arg56 : memref<!tpu.dma_semaphore, #tpu.memory_space<semaphore_mem>>)
    %dma_start3A_38 = arith.constant 0 : i32
    %dma_start3A_39 = arith.constant 0 : i32
    %dma_start3A_40 = tpu.memref_slice %arg10[%dma_start3A_38, %dma_start3A_39] : memref<100000x128xf32, #tpu.memory_space<hbm>> -> memref<100000x128xf32, #tpu.memory_space<hbm>>
    tpu.enqueue_indirect_dma source(%dma_start3A_40 : memref<100000x128xf32, #tpu.memory_space<hbm>>) target(%arg48 : memref<32x128xf32, #tpu.memory_space<vmem>>) offsets(%arg34 : memref<32xi32, #tpu.memory_space<vmem>>) semaphore(%arg56 : memref<!tpu.dma_semaphore, #tpu.memory_space<semaphore_mem>>)
    %dma_start3A_41 = arith.constant 0 : i32
    %dma_start3A_42 = arith.constant 0 : i32
    %dma_start3A_43 = tpu.memref_slice %arg10[%dma_start3A_41, %dma_start3A_42] : memref<100000x128xf32, #tpu.memory_space<hbm>> -> memref<100000x128xf32, #tpu.memory_space<hbm>>
    tpu.enqueue_indirect_dma source(%dma_start3A_43 : memref<100000x128xf32, #tpu.memory_space<hbm>>) target(%arg49 : memref<32x128xf32, #tpu.memory_space<vmem>>) offsets(%arg35 : memref<32xi32, #tpu.memory_space<vmem>>) semaphore(%arg56 : memref<!tpu.dma_semaphore, #tpu.memory_space<semaphore_mem>>)
    %dma_start3A_44 = arith.constant 0 : i32
    %dma_start3A_45 = arith.constant 0 : i32
    %dma_start3A_46 = tpu.memref_slice %arg11[%dma_start3A_44, %dma_start3A_45] : memref<100000x128xf32, #tpu.memory_space<hbm>> -> memref<100000x128xf32, #tpu.memory_space<hbm>>
    tpu.enqueue_indirect_dma source(%dma_start3A_46 : memref<100000x128xf32, #tpu.memory_space<hbm>>) target(%arg50 : memref<32x128xf32, #tpu.memory_space<vmem>>) offsets(%arg34 : memref<32xi32, #tpu.memory_space<vmem>>) semaphore(%arg56 : memref<!tpu.dma_semaphore, #tpu.memory_space<semaphore_mem>>)
    %dma_start3A_47 = arith.constant 0 : i32
    %dma_start3A_48 = arith.constant 0 : i32
    %dma_start3A_49 = tpu.memref_slice %arg11[%dma_start3A_47, %dma_start3A_48] : memref<100000x128xf32, #tpu.memory_space<hbm>> -> memref<100000x128xf32, #tpu.memory_space<hbm>>
    tpu.enqueue_indirect_dma source(%dma_start3A_49 : memref<100000x128xf32, #tpu.memory_space<hbm>>) target(%arg51 : memref<32x128xf32, #tpu.memory_space<vmem>>) offsets(%arg35 : memref<32xi32, #tpu.memory_space<vmem>>) semaphore(%arg56 : memref<!tpu.dma_semaphore, #tpu.memory_space<semaphore_mem>>)
    %dma_start3A_50 = arith.constant 0 : i32
    %dma_start3A_51 = arith.constant 0 : i32
    %dma_start3A_52 = tpu.memref_slice %arg12[%dma_start3A_50, %dma_start3A_51] : memref<100000x128xf32, #tpu.memory_space<hbm>> -> memref<100000x128xf32, #tpu.memory_space<hbm>>
    tpu.enqueue_indirect_dma source(%dma_start3A_52 : memref<100000x128xf32, #tpu.memory_space<hbm>>) target(%arg52 : memref<32x128xf32, #tpu.memory_space<vmem>>) offsets(%arg34 : memref<32xi32, #tpu.memory_space<vmem>>) semaphore(%arg56 : memref<!tpu.dma_semaphore, #tpu.memory_space<semaphore_mem>>)
    %dma_start3A_53 = arith.constant 0 : i32
    %dma_start3A_54 = arith.constant 0 : i32
    %dma_start3A_55 = tpu.memref_slice %arg12[%dma_start3A_53, %dma_start3A_54] : memref<100000x128xf32, #tpu.memory_space<hbm>> -> memref<100000x128xf32, #tpu.memory_space<hbm>>
    tpu.enqueue_indirect_dma source(%dma_start3A_55 : memref<100000x128xf32, #tpu.memory_space<hbm>>) target(%arg53 : memref<32x128xf32, #tpu.memory_space<vmem>>) offsets(%arg35 : memref<32xi32, #tpu.memory_space<vmem>>) semaphore(%arg56 : memref<!tpu.dma_semaphore, #tpu.memory_space<semaphore_mem>>)
    %dma_start3A_56 = arith.constant 0 : i32
    %dma_start3A_57 = arith.constant 0 : i32
    %dma_start3A_58 = tpu.memref_slice %arg13[%dma_start3A_56, %dma_start3A_57] : memref<100000x128xf32, #tpu.memory_space<hbm>> -> memref<100000x128xf32, #tpu.memory_space<hbm>>
    tpu.enqueue_indirect_dma source(%dma_start3A_58 : memref<100000x128xf32, #tpu.memory_space<hbm>>) target(%arg54 : memref<32x128xf32, #tpu.memory_space<vmem>>) offsets(%arg34 : memref<32xi32, #tpu.memory_space<vmem>>) semaphore(%arg56 : memref<!tpu.dma_semaphore, #tpu.memory_space<semaphore_mem>>)
    %dma_start3A_59 = arith.constant 0 : i32
    %dma_start3A_60 = arith.constant 0 : i32
    %dma_start3A_61 = tpu.memref_slice %arg13[%dma_start3A_59, %dma_start3A_60] : memref<100000x128xf32, #tpu.memory_space<hbm>> -> memref<100000x128xf32, #tpu.memory_space<hbm>>
    tpu.enqueue_indirect_dma source(%dma_start3A_61 : memref<100000x128xf32, #tpu.memory_space<hbm>>) target(%arg55 : memref<32x128xf32, #tpu.memory_space<vmem>>) offsets(%arg35 : memref<32xi32, #tpu.memory_space<vmem>>) semaphore(%arg56 : memref<!tpu.dma_semaphore, #tpu.memory_space<semaphore_mem>>)
    %dma_wait3A = arith.constant 0 : i32
    %dma_wait3A_62 = arith.constant 0 : i32
    %dma_wait3A_63 = tpu.memref_slice %arg4[%dma_wait3A, %dma_wait3A_62] : memref<100000x256xf32, #tpu.memory_space<hbm>> -> memref<100000x256xf32, #tpu.memory_space<hbm>>
    tpu.wait_indirect_dma semaphore(%arg56 : memref<!tpu.dma_semaphore, #tpu.memory_space<semaphore_mem>>) src(%dma_wait3A_63 : memref<100000x256xf32, #tpu.memory_space<hbm>>) dst(%arg36 : memref<32x256xf32, #tpu.memory_space<vmem>>)
    %dma_wait3A_64 = arith.constant 0 : i32
    %dma_wait3A_65 = arith.constant 0 : i32
    %dma_wait3A_66 = tpu.memref_slice %arg4[%dma_wait3A_64, %dma_wait3A_65] : memref<100000x256xf32, #tpu.memory_space<hbm>> -> memref<100000x256xf32, #tpu.memory_space<hbm>>
    tpu.wait_indirect_dma semaphore(%arg56 : memref<!tpu.dma_semaphore, #tpu.memory_space<semaphore_mem>>) src(%dma_wait3A_66 : memref<100000x256xf32, #tpu.memory_space<hbm>>) dst(%arg37 : memref<32x256xf32, #tpu.memory_space<vmem>>)
    %dma_wait3A_67 = arith.constant 0 : i32
    %dma_wait3A_68 = arith.constant 0 : i32
    %dma_wait3A_69 = tpu.memref_slice %arg5[%dma_wait3A_67, %dma_wait3A_68] : memref<100000x128xf32, #tpu.memory_space<hbm>> -> memref<100000x128xf32, #tpu.memory_space<hbm>>
    tpu.wait_indirect_dma semaphore(%arg56 : memref<!tpu.dma_semaphore, #tpu.memory_space<semaphore_mem>>) src(%dma_wait3A_69 : memref<100000x128xf32, #tpu.memory_space<hbm>>) dst(%arg38 : memref<32x128xf32, #tpu.memory_space<vmem>>)
    %dma_wait3A_70 = arith.constant 0 : i32
    %dma_wait3A_71 = arith.constant 0 : i32
    %dma_wait3A_72 = tpu.memref_slice %arg5[%dma_wait3A_70, %dma_wait3A_71] : memref<100000x128xf32, #tpu.memory_space<hbm>> -> memref<100000x128xf32, #tpu.memory_space<hbm>>
    tpu.wait_indirect_dma semaphore(%arg56 : memref<!tpu.dma_semaphore, #tpu.memory_space<semaphore_mem>>) src(%dma_wait3A_72 : memref<100000x128xf32, #tpu.memory_space<hbm>>) dst(%arg39 : memref<32x128xf32, #tpu.memory_space<vmem>>)
    %dma_wait3A_73 = arith.constant 0 : i32
    %dma_wait3A_74 = arith.constant 0 : i32
    %dma_wait3A_75 = tpu.memref_slice %arg6[%dma_wait3A_73, %dma_wait3A_74] : memref<100000x128xf32, #tpu.memory_space<hbm>> -> memref<100000x128xf32, #tpu.memory_space<hbm>>
    tpu.wait_indirect_dma semaphore(%arg56 : memref<!tpu.dma_semaphore, #tpu.memory_space<semaphore_mem>>) src(%dma_wait3A_75 : memref<100000x128xf32, #tpu.memory_space<hbm>>) dst(%arg40 : memref<32x128xf32, #tpu.memory_space<vmem>>)
    %dma_wait3A_76 = arith.constant 0 : i32
    %dma_wait3A_77 = arith.constant 0 : i32
    %dma_wait3A_78 = tpu.memref_slice %arg6[%dma_wait3A_76, %dma_wait3A_77] : memref<100000x128xf32, #tpu.memory_space<hbm>> -> memref<100000x128xf32, #tpu.memory_space<hbm>>
    tpu.wait_indirect_dma semaphore(%arg56 : memref<!tpu.dma_semaphore, #tpu.memory_space<semaphore_mem>>) src(%dma_wait3A_78 : memref<100000x128xf32, #tpu.memory_space<hbm>>) dst(%arg41 : memref<32x128xf32, #tpu.memory_space<vmem>>)
    %dma_wait3A_79 = arith.constant 0 : i32
    %dma_wait3A_80 = arith.constant 0 : i32
    %dma_wait3A_81 = tpu.memref_slice %arg7[%dma_wait3A_79, %dma_wait3A_80] : memref<100000x128xf32, #tpu.memory_space<hbm>> -> memref<100000x128xf32, #tpu.memory_space<hbm>>
    tpu.wait_indirect_dma semaphore(%arg56 : memref<!tpu.dma_semaphore, #tpu.memory_space<semaphore_mem>>) src(%dma_wait3A_81 : memref<100000x128xf32, #tpu.memory_space<hbm>>) dst(%arg42 : memref<32x128xf32, #tpu.memory_space<vmem>>)
    %dma_wait3A_82 = arith.constant 0 : i32
    %dma_wait3A_83 = arith.constant 0 : i32
    %dma_wait3A_84 = tpu.memref_slice %arg7[%dma_wait3A_82, %dma_wait3A_83] : memref<100000x128xf32, #tpu.memory_space<hbm>> -> memref<100000x128xf32, #tpu.memory_space<hbm>>
    tpu.wait_indirect_dma semaphore(%arg56 : memref<!tpu.dma_semaphore, #tpu.memory_space<semaphore_mem>>) src(%dma_wait3A_84 : memref<100000x128xf32, #tpu.memory_space<hbm>>) dst(%arg43 : memref<32x128xf32, #tpu.memory_space<vmem>>)
    %dma_wait3A_85 = arith.constant 0 : i32
    %dma_wait3A_86 = arith.constant 0 : i32
    %dma_wait3A_87 = tpu.memref_slice %arg8[%dma_wait3A_85, %dma_wait3A_86] : memref<100000x128xf32, #tpu.memory_space<hbm>> -> memref<100000x128xf32, #tpu.memory_space<hbm>>
    tpu.wait_indirect_dma semaphore(%arg56 : memref<!tpu.dma_semaphore, #tpu.memory_space<semaphore_mem>>) src(%dma_wait3A_87 : memref<100000x128xf32, #tpu.memory_space<hbm>>) dst(%arg44 : memref<32x128xf32, #tpu.memory_space<vmem>>)
    %dma_wait3A_88 = arith.constant 0 : i32
    %dma_wait3A_89 = arith.constant 0 : i32
    %dma_wait3A_90 = tpu.memref_slice %arg8[%dma_wait3A_88, %dma_wait3A_89] : memref<100000x128xf32, #tpu.memory_space<hbm>> -> memref<100000x128xf32, #tpu.memory_space<hbm>>
    tpu.wait_indirect_dma semaphore(%arg56 : memref<!tpu.dma_semaphore, #tpu.memory_space<semaphore_mem>>) src(%dma_wait3A_90 : memref<100000x128xf32, #tpu.memory_space<hbm>>) dst(%arg45 : memref<32x128xf32, #tpu.memory_space<vmem>>)
    %dma_wait3A_91 = arith.constant 0 : i32
    %dma_wait3A_92 = arith.constant 0 : i32
    %dma_wait3A_93 = tpu.memref_slice %arg9[%dma_wait3A_91, %dma_wait3A_92] : memref<100000x128xf32, #tpu.memory_space<hbm>> -> memref<100000x128xf32, #tpu.memory_space<hbm>>
    tpu.wait_indirect_dma semaphore(%arg56 : memref<!tpu.dma_semaphore, #tpu.memory_space<semaphore_mem>>) src(%dma_wait3A_93 : memref<100000x128xf32, #tpu.memory_space<hbm>>) dst(%arg46 : memref<32x128xf32, #tpu.memory_space<vmem>>)
    %dma_wait3A_94 = arith.constant 0 : i32
    %dma_wait3A_95 = arith.constant 0 : i32
    %dma_wait3A_96 = tpu.memref_slice %arg9[%dma_wait3A_94, %dma_wait3A_95] : memref<100000x128xf32, #tpu.memory_space<hbm>> -> memref<100000x128xf32, #tpu.memory_space<hbm>>
    tpu.wait_indirect_dma semaphore(%arg56 : memref<!tpu.dma_semaphore, #tpu.memory_space<semaphore_mem>>) src(%dma_wait3A_96 : memref<100000x128xf32, #tpu.memory_space<hbm>>) dst(%arg47 : memref<32x128xf32, #tpu.memory_space<vmem>>)
    %dma_wait3A_97 = arith.constant 0 : i32
    %dma_wait3A_98 = arith.constant 0 : i32
    %dma_wait3A_99 = tpu.memref_slice %arg10[%dma_wait3A_97, %dma_wait3A_98] : memref<100000x128xf32, #tpu.memory_space<hbm>> -> memref<100000x128xf32, #tpu.memory_space<hbm>>
    tpu.wait_indirect_dma semaphore(%arg56 : memref<!tpu.dma_semaphore, #tpu.memory_space<semaphore_mem>>) src(%dma_wait3A_99 : memref<100000x128xf32, #tpu.memory_space<hbm>>) dst(%arg48 : memref<32x128xf32, #tpu.memory_space<vmem>>)
    %dma_wait3A_100 = arith.constant 0 : i32
    %dma_wait3A_101 = arith.constant 0 : i32
    %dma_wait3A_102 = tpu.memref_slice %arg10[%dma_wait3A_100, %dma_wait3A_101] : memref<100000x128xf32, #tpu.memory_space<hbm>> -> memref<100000x128xf32, #tpu.memory_space<hbm>>
    tpu.wait_indirect_dma semaphore(%arg56 : memref<!tpu.dma_semaphore, #tpu.memory_space<semaphore_mem>>) src(%dma_wait3A_102 : memref<100000x128xf32, #tpu.memory_space<hbm>>) dst(%arg49 : memref<32x128xf32, #tpu.memory_space<vmem>>)
    %dma_wait3A_103 = arith.constant 0 : i32
    %dma_wait3A_104 = arith.constant 0 : i32
    %dma_wait3A_105 = tpu.memref_slice %arg11[%dma_wait3A_103, %dma_wait3A_104] : memref<100000x128xf32, #tpu.memory_space<hbm>> -> memref<100000x128xf32, #tpu.memory_space<hbm>>
    tpu.wait_indirect_dma semaphore(%arg56 : memref<!tpu.dma_semaphore, #tpu.memory_space<semaphore_mem>>) src(%dma_wait3A_105 : memref<100000x128xf32, #tpu.memory_space<hbm>>) dst(%arg50 : memref<32x128xf32, #tpu.memory_space<vmem>>)
    %dma_wait3A_106 = arith.constant 0 : i32
    %dma_wait3A_107 = arith.constant 0 : i32
    %dma_wait3A_108 = tpu.memref_slice %arg11[%dma_wait3A_106, %dma_wait3A_107] : memref<100000x128xf32, #tpu.memory_space<hbm>> -> memref<100000x128xf32, #tpu.memory_space<hbm>>
    tpu.wait_indirect_dma semaphore(%arg56 : memref<!tpu.dma_semaphore, #tpu.memory_space<semaphore_mem>>) src(%dma_wait3A_108 : memref<100000x128xf32, #tpu.memory_space<hbm>>) dst(%arg51 : memref<32x128xf32, #tpu.memory_space<vmem>>)
    %dma_wait3A_109 = arith.constant 0 : i32
    %dma_wait3A_110 = arith.constant 0 : i32
    %dma_wait3A_111 = tpu.memref_slice %arg12[%dma_wait3A_109, %dma_wait3A_110] : memref<100000x128xf32, #tpu.memory_space<hbm>> -> memref<100000x128xf32, #tpu.memory_space<hbm>>
    tpu.wait_indirect_dma semaphore(%arg56 : memref<!tpu.dma_semaphore, #tpu.memory_space<semaphore_mem>>) src(%dma_wait3A_111 : memref<100000x128xf32, #tpu.memory_space<hbm>>) dst(%arg52 : memref<32x128xf32, #tpu.memory_space<vmem>>)
    %dma_wait3A_112 = arith.constant 0 : i32
    %dma_wait3A_113 = arith.constant 0 : i32
    %dma_wait3A_114 = tpu.memref_slice %arg12[%dma_wait3A_112, %dma_wait3A_113] : memref<100000x128xf32, #tpu.memory_space<hbm>> -> memref<100000x128xf32, #tpu.memory_space<hbm>>
    tpu.wait_indirect_dma semaphore(%arg56 : memref<!tpu.dma_semaphore, #tpu.memory_space<semaphore_mem>>) src(%dma_wait3A_114 : memref<100000x128xf32, #tpu.memory_space<hbm>>) dst(%arg53 : memref<32x128xf32, #tpu.memory_space<vmem>>)
    %dma_wait3A_115 = arith.constant 0 : i32
    %dma_wait3A_116 = arith.constant 0 : i32
    %dma_wait3A_117 = tpu.memref_slice %arg13[%dma_wait3A_115, %dma_wait3A_116] : memref<100000x128xf32, #tpu.memory_space<hbm>> -> memref<100000x128xf32, #tpu.memory_space<hbm>>
    tpu.wait_indirect_dma semaphore(%arg56 : memref<!tpu.dma_semaphore, #tpu.memory_space<semaphore_mem>>) src(%dma_wait3A_117 : memref<100000x128xf32, #tpu.memory_space<hbm>>) dst(%arg54 : memref<32x128xf32, #tpu.memory_space<vmem>>)
    %dma_wait3A_118 = arith.constant 0 : i32
    %dma_wait3A_119 = arith.constant 0 : i32
    %dma_wait3A_120 = tpu.memref_slice %arg13[%dma_wait3A_118, %dma_wait3A_119] : memref<100000x128xf32, #tpu.memory_space<hbm>> -> memref<100000x128xf32, #tpu.memory_space<hbm>>
    tpu.wait_indirect_dma semaphore(%arg56 : memref<!tpu.dma_semaphore, #tpu.memory_space<semaphore_mem>>) src(%dma_wait3A_120 : memref<100000x128xf32, #tpu.memory_space<hbm>>) dst(%arg55 : memref<32x128xf32, #tpu.memory_space<vmem>>)
    %dma_start3A_121 = arith.constant 0 : i32
    %dma_start3A_122 = tpu.memref_slice %arg14[%mul3A_2, %dma_start3A_121] : memref<1024x256xf32, #tpu.memory_space<hbm>> -> memref<32x256xf32, #tpu.memory_space<hbm>>
    %dma_start3A_123 = arith.constant 0 : i32
    %dma_start3A_124 = tpu.memref_slice %arg14[%mul3A_2, %dma_start3A_123] : memref<1024x256xf32, #tpu.memory_space<hbm>> -> memref<32x256xf32, #tpu.memory_space<hbm>>
    tpu.enqueue_dma source(%arg36 : memref<32x256xf32, #tpu.memory_space<vmem>>) target(%dma_start3A_124 : memref<32x256xf32, #tpu.memory_space<hbm>>) target_semaphore(%arg57 : memref<!tpu.dma_semaphore, #tpu.memory_space<semaphore_mem>>)
    %dma_start3A_125 = arith.constant 0 : i32
    %dma_start3A_126 = tpu.memref_slice %arg15[%mul3A_2, %dma_start3A_125] : memref<1024x256xf32, #tpu.memory_space<hbm>> -> memref<32x256xf32, #tpu.memory_space<hbm>>
    %dma_start3A_127 = arith.constant 0 : i32
    %dma_start3A_128 = tpu.memref_slice %arg15[%mul3A_2, %dma_start3A_127] : memref<1024x256xf32, #tpu.memory_space<hbm>> -> memref<32x256xf32, #tpu.memory_space<hbm>>
    tpu.enqueue_dma source(%arg37 : memref<32x256xf32, #tpu.memory_space<vmem>>) target(%dma_start3A_128 : memref<32x256xf32, #tpu.memory_space<hbm>>) target_semaphore(%arg57 : memref<!tpu.dma_semaphore, #tpu.memory_space<semaphore_mem>>)
    %dma_start3A_129 = arith.constant 0 : i32
    %dma_start3A_130 = tpu.memref_slice %arg16[%mul3A_2, %dma_start3A_129] : memref<1024x128xf32, #tpu.memory_space<hbm>> -> memref<32x128xf32, #tpu.memory_space<hbm>>
    %dma_start3A_131 = arith.constant 0 : i32
    %dma_start3A_132 = tpu.memref_slice %arg16[%mul3A_2, %dma_start3A_131] : memref<1024x128xf32, #tpu.memory_space<hbm>> -> memref<32x128xf32, #tpu.memory_space<hbm>>
    tpu.enqueue_dma source(%arg38 : memref<32x128xf32, #tpu.memory_space<vmem>>) target(%dma_start3A_132 : memref<32x128xf32, #tpu.memory_space<hbm>>) target_semaphore(%arg57 : memref<!tpu.dma_semaphore, #tpu.memory_space<semaphore_mem>>)
    %dma_start3A_133 = arith.constant 0 : i32
    %dma_start3A_134 = tpu.memref_slice %arg17[%mul3A_2, %dma_start3A_133] : memref<1024x128xf32, #tpu.memory_space<hbm>> -> memref<32x128xf32, #tpu.memory_space<hbm>>
    %dma_start3A_135 = arith.constant 0 : i32
    %dma_start3A_136 = tpu.memref_slice %arg17[%mul3A_2, %dma_start3A_135] : memref<1024x128xf32, #tpu.memory_space<hbm>> -> memref<32x128xf32, #tpu.memory_space<hbm>>
    tpu.enqueue_dma source(%arg39 : memref<32x128xf32, #tpu.memory_space<vmem>>) target(%dma_start3A_136 : memref<32x128xf32, #tpu.memory_space<hbm>>) target_semaphore(%arg57 : memref<!tpu.dma_semaphore, #tpu.memory_space<semaphore_mem>>)
    %dma_start3A_137 = arith.constant 0 : i32
    %dma_start3A_138 = tpu.memref_slice %arg18[%mul3A_2, %dma_start3A_137] : memref<1024x128xf32, #tpu.memory_space<hbm>> -> memref<32x128xf32, #tpu.memory_space<hbm>>
    %dma_start3A_139 = arith.constant 0 : i32
    %dma_start3A_140 = tpu.memref_slice %arg18[%mul3A_2, %dma_start3A_139] : memref<1024x128xf32, #tpu.memory_space<hbm>> -> memref<32x128xf32, #tpu.memory_space<hbm>>
    tpu.enqueue_dma source(%arg40 : memref<32x128xf32, #tpu.memory_space<vmem>>) target(%dma_start3A_140 : memref<32x128xf32, #tpu.memory_space<hbm>>) target_semaphore(%arg57 : memref<!tpu.dma_semaphore, #tpu.memory_space<semaphore_mem>>)
    %dma_start3A_141 = arith.constant 0 : i32
    %dma_start3A_142 = tpu.memref_slice %arg19[%mul3A_2, %dma_start3A_141] : memref<1024x128xf32, #tpu.memory_space<hbm>> -> memref<32x128xf32, #tpu.memory_space<hbm>>
    %dma_start3A_143 = arith.constant 0 : i32
    %dma_start3A_144 = tpu.memref_slice %arg19[%mul3A_2, %dma_start3A_143] : memref<1024x128xf32, #tpu.memory_space<hbm>> -> memref<32x128xf32, #tpu.memory_space<hbm>>
    tpu.enqueue_dma source(%arg41 : memref<32x128xf32, #tpu.memory_space<vmem>>) target(%dma_start3A_144 : memref<32x128xf32, #tpu.memory_space<hbm>>) target_semaphore(%arg57 : memref<!tpu.dma_semaphore, #tpu.memory_space<semaphore_mem>>)
    %dma_start3A_145 = arith.constant 0 : i32
    %dma_start3A_146 = tpu.memref_slice %arg20[%mul3A_2, %dma_start3A_145] : memref<1024x128xf32, #tpu.memory_space<hbm>> -> memref<32x128xf32, #tpu.memory_space<hbm>>
    %dma_start3A_147 = arith.constant 0 : i32
    %dma_start3A_148 = tpu.memref_slice %arg20[%mul3A_2, %dma_start3A_147] : memref<1024x128xf32, #tpu.memory_space<hbm>> -> memref<32x128xf32, #tpu.memory_space<hbm>>
    tpu.enqueue_dma source(%arg42 : memref<32x128xf32, #tpu.memory_space<vmem>>) target(%dma_start3A_148 : memref<32x128xf32, #tpu.memory_space<hbm>>) target_semaphore(%arg57 : memref<!tpu.dma_semaphore, #tpu.memory_space<semaphore_mem>>)
    %dma_start3A_149 = arith.constant 0 : i32
    %dma_start3A_150 = tpu.memref_slice %arg21[%mul3A_2, %dma_start3A_149] : memref<1024x128xf32, #tpu.memory_space<hbm>> -> memref<32x128xf32, #tpu.memory_space<hbm>>
    %dma_start3A_151 = arith.constant 0 : i32
    %dma_start3A_152 = tpu.memref_slice %arg21[%mul3A_2, %dma_start3A_151] : memref<1024x128xf32, #tpu.memory_space<hbm>> -> memref<32x128xf32, #tpu.memory_space<hbm>>
    tpu.enqueue_dma source(%arg43 : memref<32x128xf32, #tpu.memory_space<vmem>>) target(%dma_start3A_152 : memref<32x128xf32, #tpu.memory_space<hbm>>) target_semaphore(%arg57 : memref<!tpu.dma_semaphore, #tpu.memory_space<semaphore_mem>>)
    %dma_start3A_153 = arith.constant 0 : i32
    %dma_start3A_154 = tpu.memref_slice %arg22[%mul3A_2, %dma_start3A_153] : memref<1024x128xf32, #tpu.memory_space<hbm>> -> memref<32x128xf32, #tpu.memory_space<hbm>>
    %dma_start3A_155 = arith.constant 0 : i32
    %dma_start3A_156 = tpu.memref_slice %arg22[%mul3A_2, %dma_start3A_155] : memref<1024x128xf32, #tpu.memory_space<hbm>> -> memref<32x128xf32, #tpu.memory_space<hbm>>
    tpu.enqueue_dma source(%arg44 : memref<32x128xf32, #tpu.memory_space<vmem>>) target(%dma_start3A_156 : memref<32x128xf32, #tpu.memory_space<hbm>>) target_semaphore(%arg57 : memref<!tpu.dma_semaphore, #tpu.memory_space<semaphore_mem>>)
    %dma_start3A_157 = arith.constant 0 : i32
    %dma_start3A_158 = tpu.memref_slice %arg23[%mul3A_2, %dma_start3A_157] : memref<1024x128xf32, #tpu.memory_space<hbm>> -> memref<32x128xf32, #tpu.memory_space<hbm>>
    %dma_start3A_159 = arith.constant 0 : i32
    %dma_start3A_160 = tpu.memref_slice %arg23[%mul3A_2, %dma_start3A_159] : memref<1024x128xf32, #tpu.memory_space<hbm>> -> memref<32x128xf32, #tpu.memory_space<hbm>>
    tpu.enqueue_dma source(%arg45 : memref<32x128xf32, #tpu.memory_space<vmem>>) target(%dma_start3A_160 : memref<32x128xf32, #tpu.memory_space<hbm>>) target_semaphore(%arg57 : memref<!tpu.dma_semaphore, #tpu.memory_space<semaphore_mem>>)
    %dma_start3A_161 = arith.constant 0 : i32
    %dma_start3A_162 = tpu.memref_slice %arg24[%mul3A_2, %dma_start3A_161] : memref<1024x128xf32, #tpu.memory_space<hbm>> -> memref<32x128xf32, #tpu.memory_space<hbm>>
    %dma_start3A_163 = arith.constant 0 : i32
    %dma_start3A_164 = tpu.memref_slice %arg24[%mul3A_2, %dma_start3A_163] : memref<1024x128xf32, #tpu.memory_space<hbm>> -> memref<32x128xf32, #tpu.memory_space<hbm>>
    tpu.enqueue_dma source(%arg46 : memref<32x128xf32, #tpu.memory_space<vmem>>) target(%dma_start3A_164 : memref<32x128xf32, #tpu.memory_space<hbm>>) target_semaphore(%arg57 : memref<!tpu.dma_semaphore, #tpu.memory_space<semaphore_mem>>)
    %dma_start3A_165 = arith.constant 0 : i32
    %dma_start3A_166 = tpu.memref_slice %arg25[%mul3A_2, %dma_start3A_165] : memref<1024x128xf32, #tpu.memory_space<hbm>> -> memref<32x128xf32, #tpu.memory_space<hbm>>
    %dma_start3A_167 = arith.constant 0 : i32
    %dma_start3A_168 = tpu.memref_slice %arg25[%mul3A_2, %dma_start3A_167] : memref<1024x128xf32, #tpu.memory_space<hbm>> -> memref<32x128xf32, #tpu.memory_space<hbm>>
    tpu.enqueue_dma source(%arg47 : memref<32x128xf32, #tpu.memory_space<vmem>>) target(%dma_start3A_168 : memref<32x128xf32, #tpu.memory_space<hbm>>) target_semaphore(%arg57 : memref<!tpu.dma_semaphore, #tpu.memory_space<semaphore_mem>>)
    %dma_start3A_169 = arith.constant 0 : i32
    %dma_start3A_170 = tpu.memref_slice %arg26[%mul3A_2, %dma_start3A_169] : memref<1024x128xf32, #tpu.memory_space<hbm>> -> memref<32x128xf32, #tpu.memory_space<hbm>>
    %dma_start3A_171 = arith.constant 0 : i32
    %dma_start3A_172 = tpu.memref_slice %arg26[%mul3A_2, %dma_start3A_171] : memref<1024x128xf32, #tpu.memory_space<hbm>> -> memref<32x128xf32, #tpu.memory_space<hbm>>
    tpu.enqueue_dma source(%arg48 : memref<32x128xf32, #tpu.memory_space<vmem>>) target(%dma_start3A_172 : memref<32x128xf32, #tpu.memory_space<hbm>>) target_semaphore(%arg57 : memref<!tpu.dma_semaphore, #tpu.memory_space<semaphore_mem>>)
    %dma_start3A_173 = arith.constant 0 : i32
    %dma_start3A_174 = tpu.memref_slice %arg27[%mul3A_2, %dma_start3A_173] : memref<1024x128xf32, #tpu.memory_space<hbm>> -> memref<32x128xf32, #tpu.memory_space<hbm>>
    %dma_start3A_175 = arith.constant 0 : i32
    %dma_start3A_176 = tpu.memref_slice %arg27[%mul3A_2, %dma_start3A_175] : memref<1024x128xf32, #tpu.memory_space<hbm>> -> memref<32x128xf32, #tpu.memory_space<hbm>>
    tpu.enqueue_dma source(%arg49 : memref<32x128xf32, #tpu.memory_space<vmem>>) target(%dma_start3A_176 : memref<32x128xf32, #tpu.memory_space<hbm>>) target_semaphore(%arg57 : memref<!tpu.dma_semaphore, #tpu.memory_space<semaphore_mem>>)
    %dma_start3A_177 = arith.constant 0 : i32
    %dma_start3A_178 = tpu.memref_slice %arg28[%mul3A_2, %dma_start3A_177] : memref<1024x128xf32, #tpu.memory_space<hbm>> -> memref<32x128xf32, #tpu.memory_space<hbm>>
    %dma_start3A_179 = arith.constant 0 : i32
    %dma_start3A_180 = tpu.memref_slice %arg28[%mul3A_2, %dma_start3A_179] : memref<1024x128xf32, #tpu.memory_space<hbm>> -> memref<32x128xf32, #tpu.memory_space<hbm>>
    tpu.enqueue_dma source(%arg50 : memref<32x128xf32, #tpu.memory_space<vmem>>) target(%dma_start3A_180 : memref<32x128xf32, #tpu.memory_space<hbm>>) target_semaphore(%arg57 : memref<!tpu.dma_semaphore, #tpu.memory_space<semaphore_mem>>)
    %dma_start3A_181 = arith.constant 0 : i32
    %dma_start3A_182 = tpu.memref_slice %arg29[%mul3A_2, %dma_start3A_181] : memref<1024x128xf32, #tpu.memory_space<hbm>> -> memref<32x128xf32, #tpu.memory_space<hbm>>
    %dma_start3A_183 = arith.constant 0 : i32
    %dma_start3A_184 = tpu.memref_slice %arg29[%mul3A_2, %dma_start3A_183] : memref<1024x128xf32, #tpu.memory_space<hbm>> -> memref<32x128xf32, #tpu.memory_space<hbm>>
    tpu.enqueue_dma source(%arg51 : memref<32x128xf32, #tpu.memory_space<vmem>>) target(%dma_start3A_184 : memref<32x128xf32, #tpu.memory_space<hbm>>) target_semaphore(%arg57 : memref<!tpu.dma_semaphore, #tpu.memory_space<semaphore_mem>>)
    %dma_start3A_185 = arith.constant 0 : i32
    %dma_start3A_186 = tpu.memref_slice %arg30[%mul3A_2, %dma_start3A_185] : memref<1024x128xf32, #tpu.memory_space<hbm>> -> memref<32x128xf32, #tpu.memory_space<hbm>>
    %dma_start3A_187 = arith.constant 0 : i32
    %dma_start3A_188 = tpu.memref_slice %arg30[%mul3A_2, %dma_start3A_187] : memref<1024x128xf32, #tpu.memory_space<hbm>> -> memref<32x128xf32, #tpu.memory_space<hbm>>
    tpu.enqueue_dma source(%arg52 : memref<32x128xf32, #tpu.memory_space<vmem>>) target(%dma_start3A_188 : memref<32x128xf32, #tpu.memory_space<hbm>>) target_semaphore(%arg57 : memref<!tpu.dma_semaphore, #tpu.memory_space<semaphore_mem>>)
    %dma_start3A_189 = arith.constant 0 : i32
    %dma_start3A_190 = tpu.memref_slice %arg31[%mul3A_2, %dma_start3A_189] : memref<1024x128xf32, #tpu.memory_space<hbm>> -> memref<32x128xf32, #tpu.memory_space<hbm>>
    %dma_start3A_191 = arith.constant 0 : i32
    %dma_start3A_192 = tpu.memref_slice %arg31[%mul3A_2, %dma_start3A_191] : memref<1024x128xf32, #tpu.memory_space<hbm>> -> memref<32x128xf32, #tpu.memory_space<hbm>>
    tpu.enqueue_dma source(%arg53 : memref<32x128xf32, #tpu.memory_space<vmem>>) target(%dma_start3A_192 : memref<32x128xf32, #tpu.memory_space<hbm>>) target_semaphore(%arg57 : memref<!tpu.dma_semaphore, #tpu.memory_space<semaphore_mem>>)
    %dma_start3A_193 = arith.constant 0 : i32
    %dma_start3A_194 = tpu.memref_slice %arg32[%mul3A_2, %dma_start3A_193] : memref<1024x128xf32, #tpu.memory_space<hbm>> -> memref<32x128xf32, #tpu.memory_space<hbm>>
    %dma_start3A_195 = arith.constant 0 : i32
    %dma_start3A_196 = tpu.memref_slice %arg32[%mul3A_2, %dma_start3A_195] : memref<1024x128xf32, #tpu.memory_space<hbm>> -> memref<32x128xf32, #tpu.memory_space<hbm>>
    tpu.enqueue_dma source(%arg54 : memref<32x128xf32, #tpu.memory_space<vmem>>) target(%dma_start3A_196 : memref<32x128xf32, #tpu.memory_space<hbm>>) target_semaphore(%arg57 : memref<!tpu.dma_semaphore, #tpu.memory_space<semaphore_mem>>)
    %dma_start3A_197 = arith.constant 0 : i32
    %dma_start3A_198 = tpu.memref_slice %arg33[%mul3A_2, %dma_start3A_197] : memref<1024x128xf32, #tpu.memory_space<hbm>> -> memref<32x128xf32, #tpu.memory_space<hbm>>
    %dma_start3A_199 = arith.constant 0 : i32
    %dma_start3A_200 = tpu.memref_slice %arg33[%mul3A_2, %dma_start3A_199] : memref<1024x128xf32, #tpu.memory_space<hbm>> -> memref<32x128xf32, #tpu.memory_space<hbm>>
    tpu.enqueue_dma source(%arg55 : memref<32x128xf32, #tpu.memory_space<vmem>>) target(%dma_start3A_200 : memref<32x128xf32, #tpu.memory_space<hbm>>) target_semaphore(%arg57 : memref<!tpu.dma_semaphore, #tpu.memory_space<semaphore_mem>>)
    %dma_wait3A_201 = arith.constant 0 : i32
    %dma_wait3A_202 = tpu.memref_slice %arg14[%mul3A_2, %dma_wait3A_201] : memref<1024x256xf32, #tpu.memory_space<hbm>> -> memref<32x256xf32, #tpu.memory_space<hbm>>
    %dma_wait3A_203 = arith.constant 0 : i32
    %dma_wait3A_204 = tpu.memref_slice %arg14[%mul3A_2, %dma_wait3A_203] : memref<1024x256xf32, #tpu.memory_space<hbm>> -> memref<32x256xf32, #tpu.memory_space<hbm>>
    tpu.wait_dma2 semaphore(%arg57 : memref<!tpu.dma_semaphore, #tpu.memory_space<semaphore_mem>>) src(%arg36 : memref<32x256xf32, #tpu.memory_space<vmem>>) dst(%dma_wait3A_204 : memref<32x256xf32, #tpu.memory_space<hbm>>)
    %dma_wait3A_205 = arith.constant 0 : i32
    %dma_wait3A_206 = tpu.memref_slice %arg15[%mul3A_2, %dma_wait3A_205] : memref<1024x256xf32, #tpu.memory_space<hbm>> -> memref<32x256xf32, #tpu.memory_space<hbm>>
    %dma_wait3A_207 = arith.constant 0 : i32
    %dma_wait3A_208 = tpu.memref_slice %arg15[%mul3A_2, %dma_wait3A_207] : memref<1024x256xf32, #tpu.memory_space<hbm>> -> memref<32x256xf32, #tpu.memory_space<hbm>>
    tpu.wait_dma2 semaphore(%arg57 : memref<!tpu.dma_semaphore, #tpu.memory_space<semaphore_mem>>) src(%arg37 : memref<32x256xf32, #tpu.memory_space<vmem>>) dst(%dma_wait3A_208 : memref<32x256xf32, #tpu.memory_space<hbm>>)
    %dma_wait3A_209 = arith.constant 0 : i32
    %dma_wait3A_210 = tpu.memref_slice %arg16[%mul3A_2, %dma_wait3A_209] : memref<1024x128xf32, #tpu.memory_space<hbm>> -> memref<32x128xf32, #tpu.memory_space<hbm>>
    %dma_wait3A_211 = arith.constant 0 : i32
    %dma_wait3A_212 = tpu.memref_slice %arg16[%mul3A_2, %dma_wait3A_211] : memref<1024x128xf32, #tpu.memory_space<hbm>> -> memref<32x128xf32, #tpu.memory_space<hbm>>
    tpu.wait_dma2 semaphore(%arg57 : memref<!tpu.dma_semaphore, #tpu.memory_space<semaphore_mem>>) src(%arg38 : memref<32x128xf32, #tpu.memory_space<vmem>>) dst(%dma_wait3A_212 : memref<32x128xf32, #tpu.memory_space<hbm>>)
    %dma_wait3A_213 = arith.constant 0 : i32
    %dma_wait3A_214 = tpu.memref_slice %arg17[%mul3A_2, %dma_wait3A_213] : memref<1024x128xf32, #tpu.memory_space<hbm>> -> memref<32x128xf32, #tpu.memory_space<hbm>>
    %dma_wait3A_215 = arith.constant 0 : i32
    %dma_wait3A_216 = tpu.memref_slice %arg17[%mul3A_2, %dma_wait3A_215] : memref<1024x128xf32, #tpu.memory_space<hbm>> -> memref<32x128xf32, #tpu.memory_space<hbm>>
    tpu.wait_dma2 semaphore(%arg57 : memref<!tpu.dma_semaphore, #tpu.memory_space<semaphore_mem>>) src(%arg39 : memref<32x128xf32, #tpu.memory_space<vmem>>) dst(%dma_wait3A_216 : memref<32x128xf32, #tpu.memory_space<hbm>>)
    %dma_wait3A_217 = arith.constant 0 : i32
    %dma_wait3A_218 = tpu.memref_slice %arg18[%mul3A_2, %dma_wait3A_217] : memref<1024x128xf32, #tpu.memory_space<hbm>> -> memref<32x128xf32, #tpu.memory_space<hbm>>
    %dma_wait3A_219 = arith.constant 0 : i32
    %dma_wait3A_220 = tpu.memref_slice %arg18[%mul3A_2, %dma_wait3A_219] : memref<1024x128xf32, #tpu.memory_space<hbm>> -> memref<32x128xf32, #tpu.memory_space<hbm>>
    tpu.wait_dma2 semaphore(%arg57 : memref<!tpu.dma_semaphore, #tpu.memory_space<semaphore_mem>>) src(%arg40 : memref<32x128xf32, #tpu.memory_space<vmem>>) dst(%dma_wait3A_220 : memref<32x128xf32, #tpu.memory_space<hbm>>)
    %dma_wait3A_221 = arith.constant 0 : i32
    %dma_wait3A_222 = tpu.memref_slice %arg19[%mul3A_2, %dma_wait3A_221] : memref<1024x128xf32, #tpu.memory_space<hbm>> -> memref<32x128xf32, #tpu.memory_space<hbm>>
    %dma_wait3A_223 = arith.constant 0 : i32
    %dma_wait3A_224 = tpu.memref_slice %arg19[%mul3A_2, %dma_wait3A_223] : memref<1024x128xf32, #tpu.memory_space<hbm>> -> memref<32x128xf32, #tpu.memory_space<hbm>>
    tpu.wait_dma2 semaphore(%arg57 : memref<!tpu.dma_semaphore, #tpu.memory_space<semaphore_mem>>) src(%arg41 : memref<32x128xf32, #tpu.memory_space<vmem>>) dst(%dma_wait3A_224 : memref<32x128xf32, #tpu.memory_space<hbm>>)
    %dma_wait3A_225 = arith.constant 0 : i32
    %dma_wait3A_226 = tpu.memref_slice %arg20[%mul3A_2, %dma_wait3A_225] : memref<1024x128xf32, #tpu.memory_space<hbm>> -> memref<32x128xf32, #tpu.memory_space<hbm>>
    %dma_wait3A_227 = arith.constant 0 : i32
    %dma_wait3A_228 = tpu.memref_slice %arg20[%mul3A_2, %dma_wait3A_227] : memref<1024x128xf32, #tpu.memory_space<hbm>> -> memref<32x128xf32, #tpu.memory_space<hbm>>
    tpu.wait_dma2 semaphore(%arg57 : memref<!tpu.dma_semaphore, #tpu.memory_space<semaphore_mem>>) src(%arg42 : memref<32x128xf32, #tpu.memory_space<vmem>>) dst(%dma_wait3A_228 : memref<32x128xf32, #tpu.memory_space<hbm>>)
    %dma_wait3A_229 = arith.constant 0 : i32
    %dma_wait3A_230 = tpu.memref_slice %arg21[%mul3A_2, %dma_wait3A_229] : memref<1024x128xf32, #tpu.memory_space<hbm>> -> memref<32x128xf32, #tpu.memory_space<hbm>>
    %dma_wait3A_231 = arith.constant 0 : i32
    %dma_wait3A_232 = tpu.memref_slice %arg21[%mul3A_2, %dma_wait3A_231] : memref<1024x128xf32, #tpu.memory_space<hbm>> -> memref<32x128xf32, #tpu.memory_space<hbm>>
    tpu.wait_dma2 semaphore(%arg57 : memref<!tpu.dma_semaphore, #tpu.memory_space<semaphore_mem>>) src(%arg43 : memref<32x128xf32, #tpu.memory_space<vmem>>) dst(%dma_wait3A_232 : memref<32x128xf32, #tpu.memory_space<hbm>>)
    %dma_wait3A_233 = arith.constant 0 : i32
    %dma_wait3A_234 = tpu.memref_slice %arg22[%mul3A_2, %dma_wait3A_233] : memref<1024x128xf32, #tpu.memory_space<hbm>> -> memref<32x128xf32, #tpu.memory_space<hbm>>
    %dma_wait3A_235 = arith.constant 0 : i32
    %dma_wait3A_236 = tpu.memref_slice %arg22[%mul3A_2, %dma_wait3A_235] : memref<1024x128xf32, #tpu.memory_space<hbm>> -> memref<32x128xf32, #tpu.memory_space<hbm>>
    tpu.wait_dma2 semaphore(%arg57 : memref<!tpu.dma_semaphore, #tpu.memory_space<semaphore_mem>>) src(%arg44 : memref<32x128xf32, #tpu.memory_space<vmem>>) dst(%dma_wait3A_236 : memref<32x128xf32, #tpu.memory_space<hbm>>)
    %dma_wait3A_237 = arith.constant 0 : i32
    %dma_wait3A_238 = tpu.memref_slice %arg23[%mul3A_2, %dma_wait3A_237] : memref<1024x128xf32, #tpu.memory_space<hbm>> -> memref<32x128xf32, #tpu.memory_space<hbm>>
    %dma_wait3A_239 = arith.constant 0 : i32
    %dma_wait3A_240 = tpu.memref_slice %arg23[%mul3A_2, %dma_wait3A_239] : memref<1024x128xf32, #tpu.memory_space<hbm>> -> memref<32x128xf32, #tpu.memory_space<hbm>>
    tpu.wait_dma2 semaphore(%arg57 : memref<!tpu.dma_semaphore, #tpu.memory_space<semaphore_mem>>) src(%arg45 : memref<32x128xf32, #tpu.memory_space<vmem>>) dst(%dma_wait3A_240 : memref<32x128xf32, #tpu.memory_space<hbm>>)
    %dma_wait3A_241 = arith.constant 0 : i32
    %dma_wait3A_242 = tpu.memref_slice %arg24[%mul3A_2, %dma_wait3A_241] : memref<1024x128xf32, #tpu.memory_space<hbm>> -> memref<32x128xf32, #tpu.memory_space<hbm>>
    %dma_wait3A_243 = arith.constant 0 : i32
    %dma_wait3A_244 = tpu.memref_slice %arg24[%mul3A_2, %dma_wait3A_243] : memref<1024x128xf32, #tpu.memory_space<hbm>> -> memref<32x128xf32, #tpu.memory_space<hbm>>
    tpu.wait_dma2 semaphore(%arg57 : memref<!tpu.dma_semaphore, #tpu.memory_space<semaphore_mem>>) src(%arg46 : memref<32x128xf32, #tpu.memory_space<vmem>>) dst(%dma_wait3A_244 : memref<32x128xf32, #tpu.memory_space<hbm>>)
    %dma_wait3A_245 = arith.constant 0 : i32
    %dma_wait3A_246 = tpu.memref_slice %arg25[%mul3A_2, %dma_wait3A_245] : memref<1024x128xf32, #tpu.memory_space<hbm>> -> memref<32x128xf32, #tpu.memory_space<hbm>>
    %dma_wait3A_247 = arith.constant 0 : i32
    %dma_wait3A_248 = tpu.memref_slice %arg25[%mul3A_2, %dma_wait3A_247] : memref<1024x128xf32, #tpu.memory_space<hbm>> -> memref<32x128xf32, #tpu.memory_space<hbm>>
    tpu.wait_dma2 semaphore(%arg57 : memref<!tpu.dma_semaphore, #tpu.memory_space<semaphore_mem>>) src(%arg47 : memref<32x128xf32, #tpu.memory_space<vmem>>) dst(%dma_wait3A_248 : memref<32x128xf32, #tpu.memory_space<hbm>>)
    %dma_wait3A_249 = arith.constant 0 : i32
    %dma_wait3A_250 = tpu.memref_slice %arg26[%mul3A_2, %dma_wait3A_249] : memref<1024x128xf32, #tpu.memory_space<hbm>> -> memref<32x128xf32, #tpu.memory_space<hbm>>
    %dma_wait3A_251 = arith.constant 0 : i32
    %dma_wait3A_252 = tpu.memref_slice %arg26[%mul3A_2, %dma_wait3A_251] : memref<1024x128xf32, #tpu.memory_space<hbm>> -> memref<32x128xf32, #tpu.memory_space<hbm>>
    tpu.wait_dma2 semaphore(%arg57 : memref<!tpu.dma_semaphore, #tpu.memory_space<semaphore_mem>>) src(%arg48 : memref<32x128xf32, #tpu.memory_space<vmem>>) dst(%dma_wait3A_252 : memref<32x128xf32, #tpu.memory_space<hbm>>)
    %dma_wait3A_253 = arith.constant 0 : i32
    %dma_wait3A_254 = tpu.memref_slice %arg27[%mul3A_2, %dma_wait3A_253] : memref<1024x128xf32, #tpu.memory_space<hbm>> -> memref<32x128xf32, #tpu.memory_space<hbm>>
    %dma_wait3A_255 = arith.constant 0 : i32
    %dma_wait3A_256 = tpu.memref_slice %arg27[%mul3A_2, %dma_wait3A_255] : memref<1024x128xf32, #tpu.memory_space<hbm>> -> memref<32x128xf32, #tpu.memory_space<hbm>>
    tpu.wait_dma2 semaphore(%arg57 : memref<!tpu.dma_semaphore, #tpu.memory_space<semaphore_mem>>) src(%arg49 : memref<32x128xf32, #tpu.memory_space<vmem>>) dst(%dma_wait3A_256 : memref<32x128xf32, #tpu.memory_space<hbm>>)
    %dma_wait3A_257 = arith.constant 0 : i32
    %dma_wait3A_258 = tpu.memref_slice %arg28[%mul3A_2, %dma_wait3A_257] : memref<1024x128xf32, #tpu.memory_space<hbm>> -> memref<32x128xf32, #tpu.memory_space<hbm>>
    %dma_wait3A_259 = arith.constant 0 : i32
    %dma_wait3A_260 = tpu.memref_slice %arg28[%mul3A_2, %dma_wait3A_259] : memref<1024x128xf32, #tpu.memory_space<hbm>> -> memref<32x128xf32, #tpu.memory_space<hbm>>
    tpu.wait_dma2 semaphore(%arg57 : memref<!tpu.dma_semaphore, #tpu.memory_space<semaphore_mem>>) src(%arg50 : memref<32x128xf32, #tpu.memory_space<vmem>>) dst(%dma_wait3A_260 : memref<32x128xf32, #tpu.memory_space<hbm>>)
    %dma_wait3A_261 = arith.constant 0 : i32
    %dma_wait3A_262 = tpu.memref_slice %arg29[%mul3A_2, %dma_wait3A_261] : memref<1024x128xf32, #tpu.memory_space<hbm>> -> memref<32x128xf32, #tpu.memory_space<hbm>>
    %dma_wait3A_263 = arith.constant 0 : i32
    %dma_wait3A_264 = tpu.memref_slice %arg29[%mul3A_2, %dma_wait3A_263] : memref<1024x128xf32, #tpu.memory_space<hbm>> -> memref<32x128xf32, #tpu.memory_space<hbm>>
    tpu.wait_dma2 semaphore(%arg57 : memref<!tpu.dma_semaphore, #tpu.memory_space<semaphore_mem>>) src(%arg51 : memref<32x128xf32, #tpu.memory_space<vmem>>) dst(%dma_wait3A_264 : memref<32x128xf32, #tpu.memory_space<hbm>>)
    %dma_wait3A_265 = arith.constant 0 : i32
    %dma_wait3A_266 = tpu.memref_slice %arg30[%mul3A_2, %dma_wait3A_265] : memref<1024x128xf32, #tpu.memory_space<hbm>> -> memref<32x128xf32, #tpu.memory_space<hbm>>
    %dma_wait3A_267 = arith.constant 0 : i32
    %dma_wait3A_268 = tpu.memref_slice %arg30[%mul3A_2, %dma_wait3A_267] : memref<1024x128xf32, #tpu.memory_space<hbm>> -> memref<32x128xf32, #tpu.memory_space<hbm>>
    tpu.wait_dma2 semaphore(%arg57 : memref<!tpu.dma_semaphore, #tpu.memory_space<semaphore_mem>>) src(%arg52 : memref<32x128xf32, #tpu.memory_space<vmem>>) dst(%dma_wait3A_268 : memref<32x128xf32, #tpu.memory_space<hbm>>)
    %dma_wait3A_269 = arith.constant 0 : i32
    %dma_wait3A_270 = tpu.memref_slice %arg31[%mul3A_2, %dma_wait3A_269] : memref<1024x128xf32, #tpu.memory_space<hbm>> -> memref<32x128xf32, #tpu.memory_space<hbm>>
    %dma_wait3A_271 = arith.constant 0 : i32
    %dma_wait3A_272 = tpu.memref_slice %arg31[%mul3A_2, %dma_wait3A_271] : memref<1024x128xf32, #tpu.memory_space<hbm>> -> memref<32x128xf32, #tpu.memory_space<hbm>>
    tpu.wait_dma2 semaphore(%arg57 : memref<!tpu.dma_semaphore, #tpu.memory_space<semaphore_mem>>) src(%arg53 : memref<32x128xf32, #tpu.memory_space<vmem>>) dst(%dma_wait3A_272 : memref<32x128xf32, #tpu.memory_space<hbm>>)
    %dma_wait3A_273 = arith.constant 0 : i32
    %dma_wait3A_274 = tpu.memref_slice %arg32[%mul3A_2, %dma_wait3A_273] : memref<1024x128xf32, #tpu.memory_space<hbm>> -> memref<32x128xf32, #tpu.memory_space<hbm>>
    %dma_wait3A_275 = arith.constant 0 : i32
    %dma_wait3A_276 = tpu.memref_slice %arg32[%mul3A_2, %dma_wait3A_275] : memref<1024x128xf32, #tpu.memory_space<hbm>> -> memref<32x128xf32, #tpu.memory_space<hbm>>
    tpu.wait_dma2 semaphore(%arg57 : memref<!tpu.dma_semaphore, #tpu.memory_space<semaphore_mem>>) src(%arg54 : memref<32x128xf32, #tpu.memory_space<vmem>>) dst(%dma_wait3A_276 : memref<32x128xf32, #tpu.memory_space<hbm>>)
    %dma_wait3A_277 = arith.constant 0 : i32
    %dma_wait3A_278 = tpu.memref_slice %arg33[%mul3A_2, %dma_wait3A_277] : memref<1024x128xf32, #tpu.memory_space<hbm>> -> memref<32x128xf32, #tpu.memory_space<hbm>>
    %dma_wait3A_279 = arith.constant 0 : i32
    %dma_wait3A_280 = tpu.memref_slice %arg33[%mul3A_2, %dma_wait3A_279] : memref<1024x128xf32, #tpu.memory_space<hbm>> -> memref<32x128xf32, #tpu.memory_space<hbm>>
    tpu.wait_dma2 semaphore(%arg57 : memref<!tpu.dma_semaphore, #tpu.memory_space<semaphore_mem>>) src(%arg55 : memref<32x128xf32, #tpu.memory_space<vmem>>) dst(%dma_wait3A_280 : memref<32x128xf32, #tpu.memory_space<hbm>>)
    return
  }
}

module attributes {stable_mosaic.version = 14 : i64} {
  func.func @_dense_kernel(%arg0: i32, %arg1: memref<256x134xi32, #tpu.memory_space<vmem>>, %arg2: memref<256x256xf32, #tpu.memory_space<vmem>>, %arg3: memref<256x256xf32, #tpu.memory_space<vmem>>, %arg4: memref<256x128xf32, #tpu.memory_space<vmem>>, %arg5: memref<256x128xf32, #tpu.memory_space<vmem>>, %arg6: memref<256x128xf32, #tpu.memory_space<vmem>>, %arg7: memref<256x128xf32, #tpu.memory_space<vmem>>, %arg8: memref<256x128xf32, #tpu.memory_space<vmem>>, %arg9: memref<256x128xf32, #tpu.memory_space<vmem>>, %arg10: memref<256x128xf32, #tpu.memory_space<vmem>>, %arg11: memref<256x128xf32, #tpu.memory_space<vmem>>, %arg12: memref<256x128xf32, #tpu.memory_space<vmem>>, %arg13: memref<256x128xf32, #tpu.memory_space<vmem>>, %arg14: memref<256x128xf32, #tpu.memory_space<vmem>>, %arg15: memref<256x128xf32, #tpu.memory_space<vmem>>, %arg16: memref<256x128xf32, #tpu.memory_space<vmem>>, %arg17: memref<256x128xf32, #tpu.memory_space<vmem>>, %arg18: memref<256x128xf32, #tpu.memory_space<vmem>>, %arg19: memref<256x128xf32, #tpu.memory_space<vmem>>, %arg20: memref<256x128xf32, #tpu.memory_space<vmem>>, %arg21: memref<256x128xf32, #tpu.memory_space<vmem>>, %arg22: memref<64x640xf32, #tpu.memory_space<vmem>>, %arg23: memref<64x384xf32, #tpu.memory_space<vmem>>, %arg24: memref<128x8192xbf16, #tpu.memory_space<vmem>>, %arg25: memref<256x256xf32, #tpu.memory_space<vmem>>, %arg26: memref<256x384xf32, #tpu.memory_space<vmem>>, %arg27: memref<1x256xf32, #tpu.memory_space<vmem>>, %arg28: memref<256x256xf32, #tpu.memory_space<vmem>>, %arg29: memref<1x256xf32, #tpu.memory_space<vmem>>, %arg30: memref<256x384xf32, #tpu.memory_space<vmem>>, %arg31: memref<1x256xf32, #tpu.memory_space<vmem>>, %arg32: memref<256x256xf32, #tpu.memory_space<vmem>>, %arg33: memref<1x256xf32, #tpu.memory_space<vmem>>, %arg34: memref<256x384xf32, #tpu.memory_space<vmem>>, %arg35: memref<1x256xf32, #tpu.memory_space<vmem>>, %arg36: memref<256x256xf32, #tpu.memory_space<vmem>>, %arg37: memref<1x256xf32, #tpu.memory_space<vmem>>, %arg38: memref<256x1xf32, #tpu.memory_space<vmem>>) attributes {dimension_semantics = [#tpu.dimension_semantics<arbitrary>], iteration_bounds = array<i64: 4>, scalar_prefetch = 0 : i64, scratch_operands = 0 : i64, tpu.core_type = #tpu.core_type<tc>, window_params = [{transform_indices = @transform_0, window_bounds = array<i64: 256, 134>}, {transform_indices = @transform_1, window_bounds = array<i64: 256, 256>}, {transform_indices = @transform_2, window_bounds = array<i64: 256, 256>}, {transform_indices = @transform_3, window_bounds = array<i64: 256, 128>}, {transform_indices = @transform_4, window_bounds = array<i64: 256, 128>}, {transform_indices = @transform_5, window_bounds = array<i64: 256, 128>}, {transform_indices = @transform_6, window_bounds = array<i64: 256, 128>}, {transform_indices = @transform_7, window_bounds = array<i64: 256, 128>}, {transform_indices = @transform_8, window_bounds = array<i64: 256, 128>}, {transform_indices = @transform_9, window_bounds = array<i64: 256, 128>}, {transform_indices = @transform_10, window_bounds = array<i64: 256, 128>}, {transform_indices = @transform_11, window_bounds = array<i64: 256, 128>}, {transform_indices = @transform_12, window_bounds = array<i64: 256, 128>}, {transform_indices = @transform_13, window_bounds = array<i64: 256, 128>}, {transform_indices = @transform_14, window_bounds = array<i64: 256, 128>}, {transform_indices = @transform_15, window_bounds = array<i64: 256, 128>}, {transform_indices = @transform_16, window_bounds = array<i64: 256, 128>}, {transform_indices = @transform_17, window_bounds = array<i64: 256, 128>}, {transform_indices = @transform_18, window_bounds = array<i64: 256, 128>}, {transform_indices = @transform_19, window_bounds = array<i64: 256, 128>}, {transform_indices = @transform_20, window_bounds = array<i64: 256, 128>}, {pipeline_mode = #tpu.pipeline_mode<synchronous>, transform_indices = @transform_21, window_bounds = array<i64: 64, 640>}, {pipeline_mode = #tpu.pipeline_mode<synchronous>, transform_indices = @transform_22, window_bounds = array<i64: 64, 384>}, {pipeline_mode = #tpu.pipeline_mode<synchronous>, transform_indices = @transform_23, window_bounds = array<i64: 128, 8192>}, {pipeline_mode = #tpu.pipeline_mode<synchronous>, transform_indices = @transform_24, window_bounds = array<i64: 256, 256>}, {pipeline_mode = #tpu.pipeline_mode<synchronous>, transform_indices = @transform_25, window_bounds = array<i64: 256, 384>}, {pipeline_mode = #tpu.pipeline_mode<synchronous>, transform_indices = @transform_26, window_bounds = array<i64: 1, 256>}, {pipeline_mode = #tpu.pipeline_mode<synchronous>, transform_indices = @transform_27, window_bounds = array<i64: 256, 256>}, {pipeline_mode = #tpu.pipeline_mode<synchronous>, transform_indices = @transform_28, window_bounds = array<i64: 1, 256>}, {pipeline_mode = #tpu.pipeline_mode<synchronous>, transform_indices = @transform_29, window_bounds = array<i64: 256, 384>}, {pipeline_mode = #tpu.pipeline_mode<synchronous>, transform_indices = @transform_30, window_bounds = array<i64: 1, 256>}, {pipeline_mode = #tpu.pipeline_mode<synchronous>, transform_indices = @transform_31, window_bounds = array<i64: 256, 256>}, {pipeline_mode = #tpu.pipeline_mode<synchronous>, transform_indices = @transform_32, window_bounds = array<i64: 1, 256>}, {pipeline_mode = #tpu.pipeline_mode<synchronous>, transform_indices = @transform_33, window_bounds = array<i64: 256, 384>}, {pipeline_mode = #tpu.pipeline_mode<synchronous>, transform_indices = @transform_34, window_bounds = array<i64: 1, 256>}, {pipeline_mode = #tpu.pipeline_mode<synchronous>, transform_indices = @transform_35, window_bounds = array<i64: 256, 256>}, {pipeline_mode = #tpu.pipeline_mode<synchronous>, transform_indices = @transform_36, window_bounds = array<i64: 1, 256>}, {transform_indices = @transform_37, window_bounds = array<i64: 256, 1>}]} {
    %get3A = arith.constant 0 : index
    %get3A_0 = arith.constant 0 : index
    %get3A_1 = vector.load %arg1[%get3A, %get3A_0] : memref<256x134xi32, #tpu.memory_space<vmem>>, vector<256x134xi32>
    %slice3A = vector.extract_strided_slice %get3A_1 {offsets = [0, 1], sizes = [256, 1], strides = [1, 1]} : vector<256x134xi32> to vector<256x1xi32>
    %iota3A = tpu.iota {dimensions = array<i32: 1>} : vector<256x64xi32>
    %eq3A = vector.broadcast %slice3A : vector<256x1xi32> to vector<256x64xi32>
    %eq3A_2 = arith.cmpi eq, %eq3A, %iota3A : vector<256x64xi32>
    %convert_element_type3A = arith.extui %eq3A_2 : vector<256x64xi1> to vector<256x64xi32>
    %convert_element_type3A_3 = arith.sitofp %convert_element_type3A : vector<256x64xi32> to vector<256x64xf32>
    %get3A_4 = arith.constant 0 : index
    %get3A_5 = arith.constant 0 : index
    %get3A_6 = vector.load %arg22[%get3A_4, %get3A_5] : memref<64x640xf32, #tpu.memory_space<vmem>>, vector<64x640xf32>
    %dot_general3A = arith.constant dense<0.000000e+00> : vector<256x640xf32>
    %dot_general3A_7 = tpu.matmul %convert_element_type3A_3, %get3A_6, %dot_general3A {dimension_numbers = #tpu.dot_dimension_numbers<[1], [0], [0], [1], [0, 0, 1, 1], [], []>, transpose_lhs_hint = false} : vector<256x64xf32>, vector<64x640xf32>, vector<256x640xf32> -> vector<256x640xf32>
    %get3A_8 = arith.constant 0 : index
    %get3A_9 = arith.constant 0 : index
    %get3A_10 = vector.load %arg2[%get3A_8, %get3A_9] : memref<256x256xf32, #tpu.memory_space<vmem>>, vector<256x256xf32>
    %get3A_11 = arith.constant 0 : index
    %get3A_12 = arith.constant 0 : index
    %get3A_13 = vector.load %arg3[%get3A_11, %get3A_12] : memref<256x256xf32, #tpu.memory_space<vmem>>, vector<256x256xf32>
    %slice3A_14 = vector.extract_strided_slice %get3A_1 {offsets = [0, 3], sizes = [256, 1], strides = [1, 1]} : vector<256x134xi32> to vector<256x1xi32>
    %convert_element_type3A_15 = arith.sitofp %slice3A_14 : vector<256x1xi32> to vector<256x1xf32>
    %slice3A_16 = vector.extract_strided_slice %get3A_1 {offsets = [0, 4], sizes = [256, 1], strides = [1, 1]} : vector<256x134xi32> to vector<256x1xi32>
    %convert_element_type3A_17 = arith.sitofp %slice3A_16 : vector<256x1xi32> to vector<256x1xf32>
    %slice3A_18 = vector.extract_strided_slice %get3A_1 {offsets = [0, 5], sizes = [256, 1], strides = [1, 1]} : vector<256x134xi32> to vector<256x1xi32>
    %convert_element_type3A_19 = arith.sitofp %slice3A_18 : vector<256x1xi32> to vector<256x1xf32>
    %broadcast_in_dim3A = arith.constant 0.000000e+00 : f32
    %broadcast_in_dim3A_20 = vector.broadcast %broadcast_in_dim3A : f32 to vector<256x128xf32>
    %get3A_21 = arith.constant 0 : index
    %get3A_22 = arith.constant 0 : index
    %get3A_23 = vector.load %arg4[%get3A_21, %get3A_22] : memref<256x128xf32, #tpu.memory_space<vmem>>, vector<256x128xf32>
    %get3A_24 = arith.constant 0 : index
    %get3A_25 = arith.constant 0 : index
    %get3A_26 = vector.load %arg6[%get3A_24, %get3A_25] : memref<256x128xf32, #tpu.memory_space<vmem>>, vector<256x128xf32>
    %get3A_27 = arith.constant 0 : index
    %get3A_28 = arith.constant 0 : index
    %get3A_29 = vector.load %arg8[%get3A_27, %get3A_28] : memref<256x128xf32, #tpu.memory_space<vmem>>, vector<256x128xf32>
    %mul3A = vector.broadcast %convert_element_type3A_15 : vector<256x1xf32> to vector<256x128xf32>
    %mul3A_30 = arith.mulf %mul3A, %get3A_23 : vector<256x128xf32>
    %add3A = arith.addf %mul3A_30, %get3A_26 : vector<256x128xf32>
    %sin3A = math.sin %add3A : vector<256x128xf32>
    %mul3A_31 = arith.mulf %get3A_29, %sin3A : vector<256x128xf32>
    %add3A_32 = arith.addf %broadcast_in_dim3A_20, %mul3A_31 : vector<256x128xf32>
    %get3A_33 = arith.constant 0 : index
    %get3A_34 = arith.constant 0 : index
    %get3A_35 = vector.load %arg10[%get3A_33, %get3A_34] : memref<256x128xf32, #tpu.memory_space<vmem>>, vector<256x128xf32>
    %get3A_36 = arith.constant 0 : index
    %get3A_37 = arith.constant 0 : index
    %get3A_38 = vector.load %arg12[%get3A_36, %get3A_37] : memref<256x128xf32, #tpu.memory_space<vmem>>, vector<256x128xf32>
    %get3A_39 = arith.constant 0 : index
    %get3A_40 = arith.constant 0 : index
    %get3A_41 = vector.load %arg14[%get3A_39, %get3A_40] : memref<256x128xf32, #tpu.memory_space<vmem>>, vector<256x128xf32>
    %mul3A_42 = vector.broadcast %convert_element_type3A_17 : vector<256x1xf32> to vector<256x128xf32>
    %mul3A_43 = arith.mulf %mul3A_42, %get3A_35 : vector<256x128xf32>
    %add3A_44 = arith.addf %mul3A_43, %get3A_38 : vector<256x128xf32>
    %sin3A_45 = math.sin %add3A_44 : vector<256x128xf32>
    %mul3A_46 = arith.mulf %get3A_41, %sin3A_45 : vector<256x128xf32>
    %add3A_47 = arith.addf %add3A_32, %mul3A_46 : vector<256x128xf32>
    %get3A_48 = arith.constant 0 : index
    %get3A_49 = arith.constant 0 : index
    %get3A_50 = vector.load %arg16[%get3A_48, %get3A_49] : memref<256x128xf32, #tpu.memory_space<vmem>>, vector<256x128xf32>
    %get3A_51 = arith.constant 0 : index
    %get3A_52 = arith.constant 0 : index
    %get3A_53 = vector.load %arg18[%get3A_51, %get3A_52] : memref<256x128xf32, #tpu.memory_space<vmem>>, vector<256x128xf32>
    %get3A_54 = arith.constant 0 : index
    %get3A_55 = arith.constant 0 : index
    %get3A_56 = vector.load %arg20[%get3A_54, %get3A_55] : memref<256x128xf32, #tpu.memory_space<vmem>>, vector<256x128xf32>
    %mul3A_57 = vector.broadcast %convert_element_type3A_19 : vector<256x1xf32> to vector<256x128xf32>
    %mul3A_58 = arith.mulf %mul3A_57, %get3A_50 : vector<256x128xf32>
    %add3A_59 = arith.addf %mul3A_58, %get3A_53 : vector<256x128xf32>
    %sin3A_60 = math.sin %add3A_59 : vector<256x128xf32>
    %mul3A_61 = arith.mulf %get3A_56, %sin3A_60 : vector<256x128xf32>
    %add3A_62 = arith.addf %add3A_47, %mul3A_61 : vector<256x128xf32>
    %broadcast_in_dim3A_63 = arith.constant 0.000000e+00 : f32
    %broadcast_in_dim3A_64 = vector.broadcast %broadcast_in_dim3A_63 : f32 to vector<256x128xf32>
    %get3A_65 = arith.constant 0 : index
    %get3A_66 = arith.constant 0 : index
    %get3A_67 = vector.load %arg5[%get3A_65, %get3A_66] : memref<256x128xf32, #tpu.memory_space<vmem>>, vector<256x128xf32>
    %get3A_68 = arith.constant 0 : index
    %get3A_69 = arith.constant 0 : index
    %get3A_70 = vector.load %arg7[%get3A_68, %get3A_69] : memref<256x128xf32, #tpu.memory_space<vmem>>, vector<256x128xf32>
    %get3A_71 = arith.constant 0 : index
    %get3A_72 = arith.constant 0 : index
    %get3A_73 = vector.load %arg9[%get3A_71, %get3A_72] : memref<256x128xf32, #tpu.memory_space<vmem>>, vector<256x128xf32>
    %mul3A_74 = vector.broadcast %convert_element_type3A_15 : vector<256x1xf32> to vector<256x128xf32>
    %mul3A_75 = arith.mulf %mul3A_74, %get3A_67 : vector<256x128xf32>
    %add3A_76 = arith.addf %mul3A_75, %get3A_70 : vector<256x128xf32>
    %sin3A_77 = math.sin %add3A_76 : vector<256x128xf32>
    %mul3A_78 = arith.mulf %get3A_73, %sin3A_77 : vector<256x128xf32>
    %add3A_79 = arith.addf %broadcast_in_dim3A_64, %mul3A_78 : vector<256x128xf32>
    %get3A_80 = arith.constant 0 : index
    %get3A_81 = arith.constant 0 : index
    %get3A_82 = vector.load %arg11[%get3A_80, %get3A_81] : memref<256x128xf32, #tpu.memory_space<vmem>>, vector<256x128xf32>
    %get3A_83 = arith.constant 0 : index
    %get3A_84 = arith.constant 0 : index
    %get3A_85 = vector.load %arg13[%get3A_83, %get3A_84] : memref<256x128xf32, #tpu.memory_space<vmem>>, vector<256x128xf32>
    %get3A_86 = arith.constant 0 : index
    %get3A_87 = arith.constant 0 : index
    %get3A_88 = vector.load %arg15[%get3A_86, %get3A_87] : memref<256x128xf32, #tpu.memory_space<vmem>>, vector<256x128xf32>
    %mul3A_89 = vector.broadcast %convert_element_type3A_17 : vector<256x1xf32> to vector<256x128xf32>
    %mul3A_90 = arith.mulf %mul3A_89, %get3A_82 : vector<256x128xf32>
    %add3A_91 = arith.addf %mul3A_90, %get3A_85 : vector<256x128xf32>
    %sin3A_92 = math.sin %add3A_91 : vector<256x128xf32>
    %mul3A_93 = arith.mulf %get3A_88, %sin3A_92 : vector<256x128xf32>
    %add3A_94 = arith.addf %add3A_79, %mul3A_93 : vector<256x128xf32>
    %get3A_95 = arith.constant 0 : index
    %get3A_96 = arith.constant 0 : index
    %get3A_97 = vector.load %arg17[%get3A_95, %get3A_96] : memref<256x128xf32, #tpu.memory_space<vmem>>, vector<256x128xf32>
    %get3A_98 = arith.constant 0 : index
    %get3A_99 = arith.constant 0 : index
    %get3A_100 = vector.load %arg19[%get3A_98, %get3A_99] : memref<256x128xf32, #tpu.memory_space<vmem>>, vector<256x128xf32>
    %get3A_101 = arith.constant 0 : index
    %get3A_102 = arith.constant 0 : index
    %get3A_103 = vector.load %arg21[%get3A_101, %get3A_102] : memref<256x128xf32, #tpu.memory_space<vmem>>, vector<256x128xf32>
    %mul3A_104 = vector.broadcast %convert_element_type3A_19 : vector<256x1xf32> to vector<256x128xf32>
    %mul3A_105 = arith.mulf %mul3A_104, %get3A_97 : vector<256x128xf32>
    %add3A_106 = arith.addf %mul3A_105, %get3A_100 : vector<256x128xf32>
    %sin3A_107 = math.sin %add3A_106 : vector<256x128xf32>
    %mul3A_108 = arith.mulf %get3A_103, %sin3A_107 : vector<256x128xf32>
    %add3A_109 = arith.addf %add3A_94, %mul3A_108 : vector<256x128xf32>
    %iota3A_110 = tpu.iota {dimensions = array<i32: 0>} : vector<256x64xi32>
    %add3A_111 = arith.constant 0 : i32
    %add3A_112 = arith.addi %add3A_111, %arg0 : i32
    %mul3A_113 = arith.constant 256 : i32
    %mul3A_114 = arith.muli %add3A_112, %mul3A_113 : i32
    %add3A_115 = vector.broadcast %mul3A_114 : i32 to vector<256x64xi32>
    %add3A_116 = arith.addi %iota3A_110, %add3A_115 : vector<256x64xi32>
    %iota3A_117 = tpu.iota {dimensions = array<i32: 1>} : vector<256x64xi32>
    %div3A = arith.constant 16 : i32
    %div3A_118 = vector.broadcast %div3A : i32 to vector<256x64xi32>
    %div3A_119 = arith.divsi %add3A_116, %div3A_118 : vector<256x64xi32>
    %eq3A_120 = arith.cmpi eq, %div3A_119, %iota3A_117 : vector<256x64xi32>
    %convert_element_type3A_121 = arith.extui %eq3A_120 : vector<256x64xi1> to vector<256x64xi32>
    %convert_element_type3A_122 = arith.sitofp %convert_element_type3A_121 : vector<256x64xi32> to vector<256x64xf32>
    %get3A_123 = arith.constant 0 : index
    %get3A_124 = arith.constant 0 : index
    %get3A_125 = vector.load %arg23[%get3A_123, %get3A_124] : memref<64x384xf32, #tpu.memory_space<vmem>>, vector<64x384xf32>
    %slice3A_126 = vector.extract_strided_slice %get3A_125 {offsets = [0, 0], sizes = [64, 128], strides = [1, 1]} : vector<64x384xf32> to vector<64x128xf32>
    %get3A_127 = arith.constant 0 : index
    %get3A_128 = arith.constant 0 : index
    %get3A_129 = vector.load %arg26[%get3A_127, %get3A_128] : memref<256x384xf32, #tpu.memory_space<vmem>>, vector<256x384xf32>
    %slice3A_130 = vector.extract_strided_slice %get3A_129 {offsets = [0, 0], sizes = [256, 128], strides = [1, 1]} : vector<256x384xf32> to vector<256x128xf32>
    %dot_general3A_131 = arith.constant dense<0.000000e+00> : vector<64x256xf32>
    %dot_general3A_132 = tpu.matmul %slice3A_126, %slice3A_130, %dot_general3A_131 {dimension_numbers = #tpu.dot_dimension_numbers<[1], [1], [0], [0], [0, 0, 1, 0], [], []>, transpose_lhs_hint = false} : vector<64x128xf32>, vector<256x128xf32>, vector<64x256xf32> -> vector<64x256xf32>
    %dot_general3A_133 = arith.constant dense<0.000000e+00> : vector<256x256xf32>
    %dot_general3A_134 = tpu.matmul %convert_element_type3A_122, %dot_general3A_132, %dot_general3A_133 {dimension_numbers = #tpu.dot_dimension_numbers<[1], [0], [0], [1], [0, 0, 1, 1], [], []>, transpose_lhs_hint = false} : vector<256x64xf32>, vector<64x256xf32>, vector<256x256xf32> -> vector<256x256xf32>
    %slice3A_135 = vector.extract_strided_slice %get3A_129 {offsets = [0, 128], sizes = [256, 256], strides = [1, 1]} : vector<256x384xf32> to vector<256x256xf32>
    %dot_general3A_136 = arith.constant dense<0.000000e+00> : vector<256x256xf32>
    %dot_general3A_137 = tpu.matmul %get3A_10, %slice3A_135, %dot_general3A_136 {dimension_numbers = #tpu.dot_dimension_numbers<[1], [1], [0], [0], [0, 0, 1, 0], [], []>, transpose_lhs_hint = false} : vector<256x256xf32>, vector<256x256xf32>, vector<256x256xf32> -> vector<256x256xf32>
    %add3A_138 = arith.addf %dot_general3A_134, %dot_general3A_137 : vector<256x256xf32>
    %get3A_139 = arith.constant 0 : index
    %get3A_140 = arith.constant 0 : index
    %get3A_141 = vector.load %arg27[%get3A_139, %get3A_140] : memref<1x256xf32, #tpu.memory_space<vmem>>, vector<1x256xf32>
    %add3A_142 = vector.broadcast %get3A_141 : vector<1x256xf32> to vector<256x256xf32>
    %add3A_143 = arith.addf %add3A_138, %add3A_142 : vector<256x256xf32>
    %max3A = arith.constant 0.000000e+00 : f32
    %max3A_144 = vector.broadcast %max3A : f32 to vector<256x256xf32>
    %max3A_145 = arith.maximumf %add3A_143, %max3A_144 : vector<256x256xf32>
    %get3A_146 = arith.constant 0 : index
    %get3A_147 = arith.constant 0 : index
    %get3A_148 = vector.load %arg28[%get3A_146, %get3A_147] : memref<256x256xf32, #tpu.memory_space<vmem>>, vector<256x256xf32>
    %dot_general3A_149 = arith.constant dense<0.000000e+00> : vector<256x256xf32>
    %dot_general3A_150 = tpu.matmul %max3A_145, %get3A_148, %dot_general3A_149 {dimension_numbers = #tpu.dot_dimension_numbers<[1], [1], [0], [0], [0, 0, 1, 0], [], []>, transpose_lhs_hint = false} : vector<256x256xf32>, vector<256x256xf32>, vector<256x256xf32> -> vector<256x256xf32>
    %get3A_151 = arith.constant 0 : index
    %get3A_152 = arith.constant 0 : index
    %get3A_153 = vector.load %arg29[%get3A_151, %get3A_152] : memref<1x256xf32, #tpu.memory_space<vmem>>, vector<1x256xf32>
    %add3A_154 = vector.broadcast %get3A_153 : vector<1x256xf32> to vector<256x256xf32>
    %add3A_155 = arith.addf %dot_general3A_150, %add3A_154 : vector<256x256xf32>
    %max3A_156 = arith.constant 0.000000e+00 : f32
    %max3A_157 = vector.broadcast %max3A_156 : f32 to vector<256x256xf32>
    %max3A_158 = arith.maximumf %add3A_155, %max3A_157 : vector<256x256xf32>
    %slice3A_159 = vector.extract_strided_slice %get3A_125 {offsets = [0, 128], sizes = [64, 128], strides = [1, 1]} : vector<64x384xf32> to vector<64x128xf32>
    %get3A_160 = arith.constant 0 : index
    %get3A_161 = arith.constant 0 : index
    %get3A_162 = vector.load %arg30[%get3A_160, %get3A_161] : memref<256x384xf32, #tpu.memory_space<vmem>>, vector<256x384xf32>
    %slice3A_163 = vector.extract_strided_slice %get3A_162 {offsets = [0, 0], sizes = [256, 128], strides = [1, 1]} : vector<256x384xf32> to vector<256x128xf32>
    %dot_general3A_164 = arith.constant dense<0.000000e+00> : vector<64x256xf32>
    %dot_general3A_165 = tpu.matmul %slice3A_159, %slice3A_163, %dot_general3A_164 {dimension_numbers = #tpu.dot_dimension_numbers<[1], [1], [0], [0], [0, 0, 1, 0], [], []>, transpose_lhs_hint = false} : vector<64x128xf32>, vector<256x128xf32>, vector<64x256xf32> -> vector<64x256xf32>
    %dot_general3A_166 = arith.constant dense<0.000000e+00> : vector<256x256xf32>
    %dot_general3A_167 = tpu.matmul %convert_element_type3A_122, %dot_general3A_165, %dot_general3A_166 {dimension_numbers = #tpu.dot_dimension_numbers<[1], [0], [0], [1], [0, 0, 1, 1], [], []>, transpose_lhs_hint = false} : vector<256x64xf32>, vector<64x256xf32>, vector<256x256xf32> -> vector<256x256xf32>
    %slice3A_168 = vector.extract_strided_slice %get3A_162 {offsets = [0, 128], sizes = [256, 256], strides = [1, 1]} : vector<256x384xf32> to vector<256x256xf32>
    %dot_general3A_169 = arith.constant dense<0.000000e+00> : vector<256x256xf32>
    %dot_general3A_170 = tpu.matmul %get3A_10, %slice3A_168, %dot_general3A_169 {dimension_numbers = #tpu.dot_dimension_numbers<[1], [1], [0], [0], [0, 0, 1, 0], [], []>, transpose_lhs_hint = false} : vector<256x256xf32>, vector<256x256xf32>, vector<256x256xf32> -> vector<256x256xf32>
    %add3A_171 = arith.addf %dot_general3A_167, %dot_general3A_170 : vector<256x256xf32>
    %get3A_172 = arith.constant 0 : index
    %get3A_173 = arith.constant 0 : index
    %get3A_174 = vector.load %arg31[%get3A_172, %get3A_173] : memref<1x256xf32, #tpu.memory_space<vmem>>, vector<1x256xf32>
    %add3A_175 = vector.broadcast %get3A_174 : vector<1x256xf32> to vector<256x256xf32>
    %add3A_176 = arith.addf %add3A_171, %add3A_175 : vector<256x256xf32>
    %max3A_177 = arith.constant 0.000000e+00 : f32
    %max3A_178 = vector.broadcast %max3A_177 : f32 to vector<256x256xf32>
    %max3A_179 = arith.maximumf %add3A_176, %max3A_178 : vector<256x256xf32>
    %get3A_180 = arith.constant 0 : index
    %get3A_181 = arith.constant 0 : index
    %get3A_182 = vector.load %arg32[%get3A_180, %get3A_181] : memref<256x256xf32, #tpu.memory_space<vmem>>, vector<256x256xf32>
    %dot_general3A_183 = arith.constant dense<0.000000e+00> : vector<256x256xf32>
    %dot_general3A_184 = tpu.matmul %max3A_179, %get3A_182, %dot_general3A_183 {dimension_numbers = #tpu.dot_dimension_numbers<[1], [1], [0], [0], [0, 0, 1, 0], [], []>, transpose_lhs_hint = false} : vector<256x256xf32>, vector<256x256xf32>, vector<256x256xf32> -> vector<256x256xf32>
    %get3A_185 = arith.constant 0 : index
    %get3A_186 = arith.constant 0 : index
    %get3A_187 = vector.load %arg33[%get3A_185, %get3A_186] : memref<1x256xf32, #tpu.memory_space<vmem>>, vector<1x256xf32>
    %add3A_188 = vector.broadcast %get3A_187 : vector<1x256xf32> to vector<256x256xf32>
    %add3A_189 = arith.addf %dot_general3A_184, %add3A_188 : vector<256x256xf32>
    %max3A_190 = arith.constant 0.000000e+00 : f32
    %max3A_191 = vector.broadcast %max3A_190 : f32 to vector<256x256xf32>
    %max3A_192 = arith.maximumf %add3A_189, %max3A_191 : vector<256x256xf32>
    %slice3A_193 = vector.extract_strided_slice %get3A_125 {offsets = [0, 256], sizes = [64, 128], strides = [1, 1]} : vector<64x384xf32> to vector<64x128xf32>
    %get3A_194 = arith.constant 0 : index
    %get3A_195 = arith.constant 0 : index
    %get3A_196 = vector.load %arg34[%get3A_194, %get3A_195] : memref<256x384xf32, #tpu.memory_space<vmem>>, vector<256x384xf32>
    %slice3A_197 = vector.extract_strided_slice %get3A_196 {offsets = [0, 0], sizes = [256, 128], strides = [1, 1]} : vector<256x384xf32> to vector<256x128xf32>
    %dot_general3A_198 = arith.constant dense<0.000000e+00> : vector<64x256xf32>
    %dot_general3A_199 = tpu.matmul %slice3A_193, %slice3A_197, %dot_general3A_198 {dimension_numbers = #tpu.dot_dimension_numbers<[1], [1], [0], [0], [0, 0, 1, 0], [], []>, transpose_lhs_hint = false} : vector<64x128xf32>, vector<256x128xf32>, vector<64x256xf32> -> vector<64x256xf32>
    %dot_general3A_200 = arith.constant dense<0.000000e+00> : vector<256x256xf32>
    %dot_general3A_201 = tpu.matmul %convert_element_type3A_122, %dot_general3A_199, %dot_general3A_200 {dimension_numbers = #tpu.dot_dimension_numbers<[1], [0], [0], [1], [0, 0, 1, 1], [], []>, transpose_lhs_hint = false} : vector<256x64xf32>, vector<64x256xf32>, vector<256x256xf32> -> vector<256x256xf32>
    %slice3A_202 = vector.extract_strided_slice %get3A_196 {offsets = [0, 128], sizes = [256, 256], strides = [1, 1]} : vector<256x384xf32> to vector<256x256xf32>
    %dot_general3A_203 = arith.constant dense<0.000000e+00> : vector<256x256xf32>
    %dot_general3A_204 = tpu.matmul %get3A_10, %slice3A_202, %dot_general3A_203 {dimension_numbers = #tpu.dot_dimension_numbers<[1], [1], [0], [0], [0, 0, 1, 0], [], []>, transpose_lhs_hint = false} : vector<256x256xf32>, vector<256x256xf32>, vector<256x256xf32> -> vector<256x256xf32>
    %add3A_205 = arith.addf %dot_general3A_201, %dot_general3A_204 : vector<256x256xf32>
    %get3A_206 = arith.constant 0 : index
    %get3A_207 = arith.constant 0 : index
    %get3A_208 = vector.load %arg35[%get3A_206, %get3A_207] : memref<1x256xf32, #tpu.memory_space<vmem>>, vector<1x256xf32>
    %add3A_209 = vector.broadcast %get3A_208 : vector<1x256xf32> to vector<256x256xf32>
    %add3A_210 = arith.addf %add3A_205, %add3A_209 : vector<256x256xf32>
    %max3A_211 = arith.constant 0.000000e+00 : f32
    %max3A_212 = vector.broadcast %max3A_211 : f32 to vector<256x256xf32>
    %max3A_213 = arith.maximumf %add3A_210, %max3A_212 : vector<256x256xf32>
    %get3A_214 = arith.constant 0 : index
    %get3A_215 = arith.constant 0 : index
    %get3A_216 = vector.load %arg36[%get3A_214, %get3A_215] : memref<256x256xf32, #tpu.memory_space<vmem>>, vector<256x256xf32>
    %dot_general3A_217 = arith.constant dense<0.000000e+00> : vector<256x256xf32>
    %dot_general3A_218 = tpu.matmul %max3A_213, %get3A_216, %dot_general3A_217 {dimension_numbers = #tpu.dot_dimension_numbers<[1], [1], [0], [0], [0, 0, 1, 0], [], []>, transpose_lhs_hint = false} : vector<256x256xf32>, vector<256x256xf32>, vector<256x256xf32> -> vector<256x256xf32>
    %get3A_219 = arith.constant 0 : index
    %get3A_220 = arith.constant 0 : index
    %get3A_221 = vector.load %arg37[%get3A_219, %get3A_220] : memref<1x256xf32, #tpu.memory_space<vmem>>, vector<1x256xf32>
    %add3A_222 = vector.broadcast %get3A_221 : vector<1x256xf32> to vector<256x256xf32>
    %add3A_223 = arith.addf %dot_general3A_218, %add3A_222 : vector<256x256xf32>
    %max3A_224 = arith.constant 0.000000e+00 : f32
    %max3A_225 = vector.broadcast %max3A_224 : f32 to vector<256x256xf32>
    %max3A_226 = arith.maximumf %add3A_223, %max3A_225 : vector<256x256xf32>
    %slice3A_227 = vector.extract_strided_slice %get3A_125 {offsets = [0, 0], sizes = [64, 128], strides = [1, 1]} : vector<64x384xf32> to vector<64x128xf32>
    %get3A_228 = arith.constant 0 : index
    %get3A_229 = arith.constant 0 : index
    %get3A_230 = vector.load %arg26[%get3A_228, %get3A_229] : memref<256x384xf32, #tpu.memory_space<vmem>>, vector<256x384xf32>
    %slice3A_231 = vector.extract_strided_slice %get3A_230 {offsets = [0, 0], sizes = [256, 128], strides = [1, 1]} : vector<256x384xf32> to vector<256x128xf32>
    %dot_general3A_232 = arith.constant dense<0.000000e+00> : vector<64x256xf32>
    %dot_general3A_233 = tpu.matmul %slice3A_227, %slice3A_231, %dot_general3A_232 {dimension_numbers = #tpu.dot_dimension_numbers<[1], [1], [0], [0], [0, 0, 1, 0], [], []>, transpose_lhs_hint = false} : vector<64x128xf32>, vector<256x128xf32>, vector<64x256xf32> -> vector<64x256xf32>
    %dot_general3A_234 = arith.constant dense<0.000000e+00> : vector<256x256xf32>
    %dot_general3A_235 = tpu.matmul %convert_element_type3A_122, %dot_general3A_233, %dot_general3A_234 {dimension_numbers = #tpu.dot_dimension_numbers<[1], [0], [0], [1], [0, 0, 1, 1], [], []>, transpose_lhs_hint = false} : vector<256x64xf32>, vector<64x256xf32>, vector<256x256xf32> -> vector<256x256xf32>
    %slice3A_236 = vector.extract_strided_slice %get3A_230 {offsets = [0, 128], sizes = [256, 256], strides = [1, 1]} : vector<256x384xf32> to vector<256x256xf32>
    %dot_general3A_237 = arith.constant dense<0.000000e+00> : vector<256x256xf32>
    %dot_general3A_238 = tpu.matmul %get3A_13, %slice3A_236, %dot_general3A_237 {dimension_numbers = #tpu.dot_dimension_numbers<[1], [1], [0], [0], [0, 0, 1, 0], [], []>, transpose_lhs_hint = false} : vector<256x256xf32>, vector<256x256xf32>, vector<256x256xf32> -> vector<256x256xf32>
    %add3A_239 = arith.addf %dot_general3A_235, %dot_general3A_238 : vector<256x256xf32>
    %get3A_240 = arith.constant 0 : index
    %get3A_241 = arith.constant 0 : index
    %get3A_242 = vector.load %arg27[%get3A_240, %get3A_241] : memref<1x256xf32, #tpu.memory_space<vmem>>, vector<1x256xf32>
    %add3A_243 = vector.broadcast %get3A_242 : vector<1x256xf32> to vector<256x256xf32>
    %add3A_244 = arith.addf %add3A_239, %add3A_243 : vector<256x256xf32>
    %max3A_245 = arith.constant 0.000000e+00 : f32
    %max3A_246 = vector.broadcast %max3A_245 : f32 to vector<256x256xf32>
    %max3A_247 = arith.maximumf %add3A_244, %max3A_246 : vector<256x256xf32>
    %get3A_248 = arith.constant 0 : index
    %get3A_249 = arith.constant 0 : index
    %get3A_250 = vector.load %arg28[%get3A_248, %get3A_249] : memref<256x256xf32, #tpu.memory_space<vmem>>, vector<256x256xf32>
    %dot_general3A_251 = arith.constant dense<0.000000e+00> : vector<256x256xf32>
    %dot_general3A_252 = tpu.matmul %max3A_247, %get3A_250, %dot_general3A_251 {dimension_numbers = #tpu.dot_dimension_numbers<[1], [1], [0], [0], [0, 0, 1, 0], [], []>, transpose_lhs_hint = false} : vector<256x256xf32>, vector<256x256xf32>, vector<256x256xf32> -> vector<256x256xf32>
    %get3A_253 = arith.constant 0 : index
    %get3A_254 = arith.constant 0 : index
    %get3A_255 = vector.load %arg29[%get3A_253, %get3A_254] : memref<1x256xf32, #tpu.memory_space<vmem>>, vector<1x256xf32>
    %add3A_256 = vector.broadcast %get3A_255 : vector<1x256xf32> to vector<256x256xf32>
    %add3A_257 = arith.addf %dot_general3A_252, %add3A_256 : vector<256x256xf32>
    %max3A_258 = arith.constant 0.000000e+00 : f32
    %max3A_259 = vector.broadcast %max3A_258 : f32 to vector<256x256xf32>
    %max3A_260 = arith.maximumf %add3A_257, %max3A_259 : vector<256x256xf32>
    %slice3A_261 = vector.extract_strided_slice %get3A_125 {offsets = [0, 128], sizes = [64, 128], strides = [1, 1]} : vector<64x384xf32> to vector<64x128xf32>
    %get3A_262 = arith.constant 0 : index
    %get3A_263 = arith.constant 0 : index
    %get3A_264 = vector.load %arg30[%get3A_262, %get3A_263] : memref<256x384xf32, #tpu.memory_space<vmem>>, vector<256x384xf32>
    %slice3A_265 = vector.extract_strided_slice %get3A_264 {offsets = [0, 0], sizes = [256, 128], strides = [1, 1]} : vector<256x384xf32> to vector<256x128xf32>
    %dot_general3A_266 = arith.constant dense<0.000000e+00> : vector<64x256xf32>
    %dot_general3A_267 = tpu.matmul %slice3A_261, %slice3A_265, %dot_general3A_266 {dimension_numbers = #tpu.dot_dimension_numbers<[1], [1], [0], [0], [0, 0, 1, 0], [], []>, transpose_lhs_hint = false} : vector<64x128xf32>, vector<256x128xf32>, vector<64x256xf32> -> vector<64x256xf32>
    %dot_general3A_268 = arith.constant dense<0.000000e+00> : vector<256x256xf32>
    %dot_general3A_269 = tpu.matmul %convert_element_type3A_122, %dot_general3A_267, %dot_general3A_268 {dimension_numbers = #tpu.dot_dimension_numbers<[1], [0], [0], [1], [0, 0, 1, 1], [], []>, transpose_lhs_hint = false} : vector<256x64xf32>, vector<64x256xf32>, vector<256x256xf32> -> vector<256x256xf32>
    %slice3A_270 = vector.extract_strided_slice %get3A_264 {offsets = [0, 128], sizes = [256, 256], strides = [1, 1]} : vector<256x384xf32> to vector<256x256xf32>
    %dot_general3A_271 = arith.constant dense<0.000000e+00> : vector<256x256xf32>
    %dot_general3A_272 = tpu.matmul %get3A_13, %slice3A_270, %dot_general3A_271 {dimension_numbers = #tpu.dot_dimension_numbers<[1], [1], [0], [0], [0, 0, 1, 0], [], []>, transpose_lhs_hint = false} : vector<256x256xf32>, vector<256x256xf32>, vector<256x256xf32> -> vector<256x256xf32>
    %add3A_273 = arith.addf %dot_general3A_269, %dot_general3A_272 : vector<256x256xf32>
    %get3A_274 = arith.constant 0 : index
    %get3A_275 = arith.constant 0 : index
    %get3A_276 = vector.load %arg31[%get3A_274, %get3A_275] : memref<1x256xf32, #tpu.memory_space<vmem>>, vector<1x256xf32>
    %add3A_277 = vector.broadcast %get3A_276 : vector<1x256xf32> to vector<256x256xf32>
    %add3A_278 = arith.addf %add3A_273, %add3A_277 : vector<256x256xf32>
    %max3A_279 = arith.constant 0.000000e+00 : f32
    %max3A_280 = vector.broadcast %max3A_279 : f32 to vector<256x256xf32>
    %max3A_281 = arith.maximumf %add3A_278, %max3A_280 : vector<256x256xf32>
    %get3A_282 = arith.constant 0 : index
    %get3A_283 = arith.constant 0 : index
    %get3A_284 = vector.load %arg32[%get3A_282, %get3A_283] : memref<256x256xf32, #tpu.memory_space<vmem>>, vector<256x256xf32>
    %dot_general3A_285 = arith.constant dense<0.000000e+00> : vector<256x256xf32>
    %dot_general3A_286 = tpu.matmul %max3A_281, %get3A_284, %dot_general3A_285 {dimension_numbers = #tpu.dot_dimension_numbers<[1], [1], [0], [0], [0, 0, 1, 0], [], []>, transpose_lhs_hint = false} : vector<256x256xf32>, vector<256x256xf32>, vector<256x256xf32> -> vector<256x256xf32>
    %get3A_287 = arith.constant 0 : index
    %get3A_288 = arith.constant 0 : index
    %get3A_289 = vector.load %arg33[%get3A_287, %get3A_288] : memref<1x256xf32, #tpu.memory_space<vmem>>, vector<1x256xf32>
    %add3A_290 = vector.broadcast %get3A_289 : vector<1x256xf32> to vector<256x256xf32>
    %add3A_291 = arith.addf %dot_general3A_286, %add3A_290 : vector<256x256xf32>
    %max3A_292 = arith.constant 0.000000e+00 : f32
    %max3A_293 = vector.broadcast %max3A_292 : f32 to vector<256x256xf32>
    %max3A_294 = arith.maximumf %add3A_291, %max3A_293 : vector<256x256xf32>
    %slice3A_295 = vector.extract_strided_slice %get3A_125 {offsets = [0, 256], sizes = [64, 128], strides = [1, 1]} : vector<64x384xf32> to vector<64x128xf32>
    %get3A_296 = arith.constant 0 : index
    %get3A_297 = arith.constant 0 : index
    %get3A_298 = vector.load %arg34[%get3A_296, %get3A_297] : memref<256x384xf32, #tpu.memory_space<vmem>>, vector<256x384xf32>
    %slice3A_299 = vector.extract_strided_slice %get3A_298 {offsets = [0, 0], sizes = [256, 128], strides = [1, 1]} : vector<256x384xf32> to vector<256x128xf32>
    %dot_general3A_300 = arith.constant dense<0.000000e+00> : vector<64x256xf32>
    %dot_general3A_301 = tpu.matmul %slice3A_295, %slice3A_299, %dot_general3A_300 {dimension_numbers = #tpu.dot_dimension_numbers<[1], [1], [0], [0], [0, 0, 1, 0], [], []>, transpose_lhs_hint = false} : vector<64x128xf32>, vector<256x128xf32>, vector<64x256xf32> -> vector<64x256xf32>
    %dot_general3A_302 = arith.constant dense<0.000000e+00> : vector<256x256xf32>
    %dot_general3A_303 = tpu.matmul %convert_element_type3A_122, %dot_general3A_301, %dot_general3A_302 {dimension_numbers = #tpu.dot_dimension_numbers<[1], [0], [0], [1], [0, 0, 1, 1], [], []>, transpose_lhs_hint = false} : vector<256x64xf32>, vector<64x256xf32>, vector<256x256xf32> -> vector<256x256xf32>
    %slice3A_304 = vector.extract_strided_slice %get3A_298 {offsets = [0, 128], sizes = [256, 256], strides = [1, 1]} : vector<256x384xf32> to vector<256x256xf32>
    %dot_general3A_305 = arith.constant dense<0.000000e+00> : vector<256x256xf32>
    %dot_general3A_306 = tpu.matmul %get3A_13, %slice3A_304, %dot_general3A_305 {dimension_numbers = #tpu.dot_dimension_numbers<[1], [1], [0], [0], [0, 0, 1, 0], [], []>, transpose_lhs_hint = false} : vector<256x256xf32>, vector<256x256xf32>, vector<256x256xf32> -> vector<256x256xf32>
    %add3A_307 = arith.addf %dot_general3A_303, %dot_general3A_306 : vector<256x256xf32>
    %get3A_308 = arith.constant 0 : index
    %get3A_309 = arith.constant 0 : index
    %get3A_310 = vector.load %arg35[%get3A_308, %get3A_309] : memref<1x256xf32, #tpu.memory_space<vmem>>, vector<1x256xf32>
    %add3A_311 = vector.broadcast %get3A_310 : vector<1x256xf32> to vector<256x256xf32>
    %add3A_312 = arith.addf %add3A_307, %add3A_311 : vector<256x256xf32>
    %max3A_313 = arith.constant 0.000000e+00 : f32
    %max3A_314 = vector.broadcast %max3A_313 : f32 to vector<256x256xf32>
    %max3A_315 = arith.maximumf %add3A_312, %max3A_314 : vector<256x256xf32>
    %get3A_316 = arith.constant 0 : index
    %get3A_317 = arith.constant 0 : index
    %get3A_318 = vector.load %arg36[%get3A_316, %get3A_317] : memref<256x256xf32, #tpu.memory_space<vmem>>, vector<256x256xf32>
    %dot_general3A_319 = arith.constant dense<0.000000e+00> : vector<256x256xf32>
    %dot_general3A_320 = tpu.matmul %max3A_315, %get3A_318, %dot_general3A_319 {dimension_numbers = #tpu.dot_dimension_numbers<[1], [1], [0], [0], [0, 0, 1, 0], [], []>, transpose_lhs_hint = false} : vector<256x256xf32>, vector<256x256xf32>, vector<256x256xf32> -> vector<256x256xf32>
    %get3A_321 = arith.constant 0 : index
    %get3A_322 = arith.constant 0 : index
    %get3A_323 = vector.load %arg37[%get3A_321, %get3A_322] : memref<1x256xf32, #tpu.memory_space<vmem>>, vector<1x256xf32>
    %add3A_324 = vector.broadcast %get3A_323 : vector<1x256xf32> to vector<256x256xf32>
    %add3A_325 = arith.addf %dot_general3A_320, %add3A_324 : vector<256x256xf32>
    %max3A_326 = arith.constant 0.000000e+00 : f32
    %max3A_327 = vector.broadcast %max3A_326 : f32 to vector<256x256xf32>
    %max3A_328 = arith.maximumf %add3A_325, %max3A_327 : vector<256x256xf32>
    %get3A_329 = arith.constant 0 : index
    %get3A_330 = arith.constant 0 : index
    %get3A_331 = vector.load %arg25[%get3A_329, %get3A_330] : memref<256x256xf32, #tpu.memory_space<vmem>>, vector<256x256xf32>
    %slice3A_332 = vector.extract_strided_slice %get3A_1 {offsets = [0, 6], sizes = [256, 128], strides = [1, 1]} : vector<256x134xi32> to vector<256x128xi32>
    %convert_element_type3A_333 = arith.sitofp %slice3A_332 : vector<256x128xi32> to vector<256x128xbf16>
    %get3A_334 = arith.constant 0 : index
    %get3A_335 = arith.constant 0 : index
    %get3A_336 = vector.load %arg24[%get3A_334, %get3A_335] : memref<128x8192xbf16, #tpu.memory_space<vmem>>, vector<128x8192xbf16>
    %dot_general3A_337 = arith.constant dense<0.000000e+00> : vector<256x8192xf32>
    %dot_general3A_338 = tpu.matmul %convert_element_type3A_333, %get3A_336, %dot_general3A_337 {dimension_numbers = #tpu.dot_dimension_numbers<[1], [0], [0], [1], [0, 0, 1, 1], [], []>, transpose_lhs_hint = false} : vector<256x128xbf16>, vector<128x8192xbf16>, vector<256x8192xf32> -> vector<256x8192xf32>
    %iota3A_339 = tpu.iota {dimensions = array<i32: 1>} : vector<256x128xi32>
    %and3A = arith.constant 63 : i32
    %and3A_340 = vector.broadcast %and3A : i32 to vector<256x128xi32>
    %and3A_341 = arith.andi %iota3A_339, %and3A_340 : vector<256x128xi32>
    %convert_element_type3A_342 = arith.sitofp %and3A_341 : vector<256x128xi32> to vector<256x128xf32>
    %broadcast_in_dim3A_343 = arith.constant 0.000000e+00 : f32
    %broadcast_in_dim3A_344 = vector.broadcast %broadcast_in_dim3A_343 : f32 to vector<256x128xf32>
    %slice3A_345 = vector.extract_strided_slice %dot_general3A_338 {offsets = [0, 0], sizes = [256, 128], strides = [1, 1]} : vector<256x8192xf32> to vector<256x128xf32>
    %eq3A_346 = arith.cmpf oeq, %slice3A_345, %convert_element_type3A_342 : vector<256x128xf32>
    %convert_element_type3A_347 = arith.extui %eq3A_346 : vector<256x128xi1> to vector<256x128xi32>
    %convert_element_type3A_348 = arith.sitofp %convert_element_type3A_347 : vector<256x128xi32> to vector<256x128xf32>
    %add3A_349 = arith.addf %broadcast_in_dim3A_344, %convert_element_type3A_348 : vector<256x128xf32>
    %slice3A_350 = vector.extract_strided_slice %dot_general3A_338 {offsets = [0, 128], sizes = [256, 128], strides = [1, 1]} : vector<256x8192xf32> to vector<256x128xf32>
    %eq3A_351 = arith.cmpf oeq, %slice3A_350, %convert_element_type3A_342 : vector<256x128xf32>
    %convert_element_type3A_352 = arith.extui %eq3A_351 : vector<256x128xi1> to vector<256x128xi32>
    %convert_element_type3A_353 = arith.sitofp %convert_element_type3A_352 : vector<256x128xi32> to vector<256x128xf32>
    %add3A_354 = arith.addf %add3A_349, %convert_element_type3A_353 : vector<256x128xf32>
    %slice3A_355 = vector.extract_strided_slice %dot_general3A_338 {offsets = [0, 256], sizes = [256, 128], strides = [1, 1]} : vector<256x8192xf32> to vector<256x128xf32>
    %eq3A_356 = arith.cmpf oeq, %slice3A_355, %convert_element_type3A_342 : vector<256x128xf32>
    %convert_element_type3A_357 = arith.extui %eq3A_356 : vector<256x128xi1> to vector<256x128xi32>
    %convert_element_type3A_358 = arith.sitofp %convert_element_type3A_357 : vector<256x128xi32> to vector<256x128xf32>
    %add3A_359 = arith.addf %add3A_354, %convert_element_type3A_358 : vector<256x128xf32>
    %slice3A_360 = vector.extract_strided_slice %dot_general3A_338 {offsets = [0, 384], sizes = [256, 128], strides = [1, 1]} : vector<256x8192xf32> to vector<256x128xf32>
    %eq3A_361 = arith.cmpf oeq, %slice3A_360, %convert_element_type3A_342 : vector<256x128xf32>
    %convert_element_type3A_362 = arith.extui %eq3A_361 : vector<256x128xi1> to vector<256x128xi32>
    %convert_element_type3A_363 = arith.sitofp %convert_element_type3A_362 : vector<256x128xi32> to vector<256x128xf32>
    %add3A_364 = arith.addf %add3A_359, %convert_element_type3A_363 : vector<256x128xf32>
    %slice3A_365 = vector.extract_strided_slice %dot_general3A_338 {offsets = [0, 512], sizes = [256, 128], strides = [1, 1]} : vector<256x8192xf32> to vector<256x128xf32>
    %eq3A_366 = arith.cmpf oeq, %slice3A_365, %convert_element_type3A_342 : vector<256x128xf32>
    %convert_element_type3A_367 = arith.extui %eq3A_366 : vector<256x128xi1> to vector<256x128xi32>
    %convert_element_type3A_368 = arith.sitofp %convert_element_type3A_367 : vector<256x128xi32> to vector<256x128xf32>
    %add3A_369 = arith.addf %add3A_364, %convert_element_type3A_368 : vector<256x128xf32>
    %slice3A_370 = vector.extract_strided_slice %dot_general3A_338 {offsets = [0, 640], sizes = [256, 128], strides = [1, 1]} : vector<256x8192xf32> to vector<256x128xf32>
    %eq3A_371 = arith.cmpf oeq, %slice3A_370, %convert_element_type3A_342 : vector<256x128xf32>
    %convert_element_type3A_372 = arith.extui %eq3A_371 : vector<256x128xi1> to vector<256x128xi32>
    %convert_element_type3A_373 = arith.sitofp %convert_element_type3A_372 : vector<256x128xi32> to vector<256x128xf32>
    %add3A_374 = arith.addf %add3A_369, %convert_element_type3A_373 : vector<256x128xf32>
    %slice3A_375 = vector.extract_strided_slice %dot_general3A_338 {offsets = [0, 768], sizes = [256, 128], strides = [1, 1]} : vector<256x8192xf32> to vector<256x128xf32>
    %eq3A_376 = arith.cmpf oeq, %slice3A_375, %convert_element_type3A_342 : vector<256x128xf32>
    %convert_element_type3A_377 = arith.extui %eq3A_376 : vector<256x128xi1> to vector<256x128xi32>
    %convert_element_type3A_378 = arith.sitofp %convert_element_type3A_377 : vector<256x128xi32> to vector<256x128xf32>
    %add3A_379 = arith.addf %add3A_374, %convert_element_type3A_378 : vector<256x128xf32>
    %slice3A_380 = vector.extract_strided_slice %dot_general3A_338 {offsets = [0, 896], sizes = [256, 128], strides = [1, 1]} : vector<256x8192xf32> to vector<256x128xf32>
    %eq3A_381 = arith.cmpf oeq, %slice3A_380, %convert_element_type3A_342 : vector<256x128xf32>
    %convert_element_type3A_382 = arith.extui %eq3A_381 : vector<256x128xi1> to vector<256x128xi32>
    %convert_element_type3A_383 = arith.sitofp %convert_element_type3A_382 : vector<256x128xi32> to vector<256x128xf32>
    %add3A_384 = arith.addf %add3A_379, %convert_element_type3A_383 : vector<256x128xf32>
    %slice3A_385 = vector.extract_strided_slice %dot_general3A_338 {offsets = [0, 1024], sizes = [256, 128], strides = [1, 1]} : vector<256x8192xf32> to vector<256x128xf32>
    %eq3A_386 = arith.cmpf oeq, %slice3A_385, %convert_element_type3A_342 : vector<256x128xf32>
    %convert_element_type3A_387 = arith.extui %eq3A_386 : vector<256x128xi1> to vector<256x128xi32>
    %convert_element_type3A_388 = arith.sitofp %convert_element_type3A_387 : vector<256x128xi32> to vector<256x128xf32>
    %add3A_389 = arith.addf %add3A_384, %convert_element_type3A_388 : vector<256x128xf32>
    %slice3A_390 = vector.extract_strided_slice %dot_general3A_338 {offsets = [0, 1152], sizes = [256, 128], strides = [1, 1]} : vector<256x8192xf32> to vector<256x128xf32>
    %eq3A_391 = arith.cmpf oeq, %slice3A_390, %convert_element_type3A_342 : vector<256x128xf32>
    %convert_element_type3A_392 = arith.extui %eq3A_391 : vector<256x128xi1> to vector<256x128xi32>
    %convert_element_type3A_393 = arith.sitofp %convert_element_type3A_392 : vector<256x128xi32> to vector<256x128xf32>
    %add3A_394 = arith.addf %add3A_389, %convert_element_type3A_393 : vector<256x128xf32>
    %slice3A_395 = vector.extract_strided_slice %dot_general3A_338 {offsets = [0, 1280], sizes = [256, 128], strides = [1, 1]} : vector<256x8192xf32> to vector<256x128xf32>
    %eq3A_396 = arith.cmpf oeq, %slice3A_395, %convert_element_type3A_342 : vector<256x128xf32>
    %convert_element_type3A_397 = arith.extui %eq3A_396 : vector<256x128xi1> to vector<256x128xi32>
    %convert_element_type3A_398 = arith.sitofp %convert_element_type3A_397 : vector<256x128xi32> to vector<256x128xf32>
    %add3A_399 = arith.addf %add3A_394, %convert_element_type3A_398 : vector<256x128xf32>
    %slice3A_400 = vector.extract_strided_slice %dot_general3A_338 {offsets = [0, 1408], sizes = [256, 128], strides = [1, 1]} : vector<256x8192xf32> to vector<256x128xf32>
    %eq3A_401 = arith.cmpf oeq, %slice3A_400, %convert_element_type3A_342 : vector<256x128xf32>
    %convert_element_type3A_402 = arith.extui %eq3A_401 : vector<256x128xi1> to vector<256x128xi32>
    %convert_element_type3A_403 = arith.sitofp %convert_element_type3A_402 : vector<256x128xi32> to vector<256x128xf32>
    %add3A_404 = arith.addf %add3A_399, %convert_element_type3A_403 : vector<256x128xf32>
    %slice3A_405 = vector.extract_strided_slice %dot_general3A_338 {offsets = [0, 1536], sizes = [256, 128], strides = [1, 1]} : vector<256x8192xf32> to vector<256x128xf32>
    %eq3A_406 = arith.cmpf oeq, %slice3A_405, %convert_element_type3A_342 : vector<256x128xf32>
    %convert_element_type3A_407 = arith.extui %eq3A_406 : vector<256x128xi1> to vector<256x128xi32>
    %convert_element_type3A_408 = arith.sitofp %convert_element_type3A_407 : vector<256x128xi32> to vector<256x128xf32>
    %add3A_409 = arith.addf %add3A_404, %convert_element_type3A_408 : vector<256x128xf32>
    %slice3A_410 = vector.extract_strided_slice %dot_general3A_338 {offsets = [0, 1664], sizes = [256, 128], strides = [1, 1]} : vector<256x8192xf32> to vector<256x128xf32>
    %eq3A_411 = arith.cmpf oeq, %slice3A_410, %convert_element_type3A_342 : vector<256x128xf32>
    %convert_element_type3A_412 = arith.extui %eq3A_411 : vector<256x128xi1> to vector<256x128xi32>
    %convert_element_type3A_413 = arith.sitofp %convert_element_type3A_412 : vector<256x128xi32> to vector<256x128xf32>
    %add3A_414 = arith.addf %add3A_409, %convert_element_type3A_413 : vector<256x128xf32>
    %slice3A_415 = vector.extract_strided_slice %dot_general3A_338 {offsets = [0, 1792], sizes = [256, 128], strides = [1, 1]} : vector<256x8192xf32> to vector<256x128xf32>
    %eq3A_416 = arith.cmpf oeq, %slice3A_415, %convert_element_type3A_342 : vector<256x128xf32>
    %convert_element_type3A_417 = arith.extui %eq3A_416 : vector<256x128xi1> to vector<256x128xi32>
    %convert_element_type3A_418 = arith.sitofp %convert_element_type3A_417 : vector<256x128xi32> to vector<256x128xf32>
    %add3A_419 = arith.addf %add3A_414, %convert_element_type3A_418 : vector<256x128xf32>
    %slice3A_420 = vector.extract_strided_slice %dot_general3A_338 {offsets = [0, 1920], sizes = [256, 128], strides = [1, 1]} : vector<256x8192xf32> to vector<256x128xf32>
    %eq3A_421 = arith.cmpf oeq, %slice3A_420, %convert_element_type3A_342 : vector<256x128xf32>
    %convert_element_type3A_422 = arith.extui %eq3A_421 : vector<256x128xi1> to vector<256x128xi32>
    %convert_element_type3A_423 = arith.sitofp %convert_element_type3A_422 : vector<256x128xi32> to vector<256x128xf32>
    %add3A_424 = arith.addf %add3A_419, %convert_element_type3A_423 : vector<256x128xf32>
    %slice3A_425 = vector.extract_strided_slice %dot_general3A_338 {offsets = [0, 2048], sizes = [256, 128], strides = [1, 1]} : vector<256x8192xf32> to vector<256x128xf32>
    %eq3A_426 = arith.cmpf oeq, %slice3A_425, %convert_element_type3A_342 : vector<256x128xf32>
    %convert_element_type3A_427 = arith.extui %eq3A_426 : vector<256x128xi1> to vector<256x128xi32>
    %convert_element_type3A_428 = arith.sitofp %convert_element_type3A_427 : vector<256x128xi32> to vector<256x128xf32>
    %add3A_429 = arith.addf %add3A_424, %convert_element_type3A_428 : vector<256x128xf32>
    %slice3A_430 = vector.extract_strided_slice %dot_general3A_338 {offsets = [0, 2176], sizes = [256, 128], strides = [1, 1]} : vector<256x8192xf32> to vector<256x128xf32>
    %eq3A_431 = arith.cmpf oeq, %slice3A_430, %convert_element_type3A_342 : vector<256x128xf32>
    %convert_element_type3A_432 = arith.extui %eq3A_431 : vector<256x128xi1> to vector<256x128xi32>
    %convert_element_type3A_433 = arith.sitofp %convert_element_type3A_432 : vector<256x128xi32> to vector<256x128xf32>
    %add3A_434 = arith.addf %add3A_429, %convert_element_type3A_433 : vector<256x128xf32>
    %slice3A_435 = vector.extract_strided_slice %dot_general3A_338 {offsets = [0, 2304], sizes = [256, 128], strides = [1, 1]} : vector<256x8192xf32> to vector<256x128xf32>
    %eq3A_436 = arith.cmpf oeq, %slice3A_435, %convert_element_type3A_342 : vector<256x128xf32>
    %convert_element_type3A_437 = arith.extui %eq3A_436 : vector<256x128xi1> to vector<256x128xi32>
    %convert_element_type3A_438 = arith.sitofp %convert_element_type3A_437 : vector<256x128xi32> to vector<256x128xf32>
    %add3A_439 = arith.addf %add3A_434, %convert_element_type3A_438 : vector<256x128xf32>
    %slice3A_440 = vector.extract_strided_slice %dot_general3A_338 {offsets = [0, 2432], sizes = [256, 128], strides = [1, 1]} : vector<256x8192xf32> to vector<256x128xf32>
    %eq3A_441 = arith.cmpf oeq, %slice3A_440, %convert_element_type3A_342 : vector<256x128xf32>
    %convert_element_type3A_442 = arith.extui %eq3A_441 : vector<256x128xi1> to vector<256x128xi32>
    %convert_element_type3A_443 = arith.sitofp %convert_element_type3A_442 : vector<256x128xi32> to vector<256x128xf32>
    %add3A_444 = arith.addf %add3A_439, %convert_element_type3A_443 : vector<256x128xf32>
    %slice3A_445 = vector.extract_strided_slice %dot_general3A_338 {offsets = [0, 2560], sizes = [256, 128], strides = [1, 1]} : vector<256x8192xf32> to vector<256x128xf32>
    %eq3A_446 = arith.cmpf oeq, %slice3A_445, %convert_element_type3A_342 : vector<256x128xf32>
    %convert_element_type3A_447 = arith.extui %eq3A_446 : vector<256x128xi1> to vector<256x128xi32>
    %convert_element_type3A_448 = arith.sitofp %convert_element_type3A_447 : vector<256x128xi32> to vector<256x128xf32>
    %add3A_449 = arith.addf %add3A_444, %convert_element_type3A_448 : vector<256x128xf32>
    %slice3A_450 = vector.extract_strided_slice %dot_general3A_338 {offsets = [0, 2688], sizes = [256, 128], strides = [1, 1]} : vector<256x8192xf32> to vector<256x128xf32>
    %eq3A_451 = arith.cmpf oeq, %slice3A_450, %convert_element_type3A_342 : vector<256x128xf32>
    %convert_element_type3A_452 = arith.extui %eq3A_451 : vector<256x128xi1> to vector<256x128xi32>
    %convert_element_type3A_453 = arith.sitofp %convert_element_type3A_452 : vector<256x128xi32> to vector<256x128xf32>
    %add3A_454 = arith.addf %add3A_449, %convert_element_type3A_453 : vector<256x128xf32>
    %slice3A_455 = vector.extract_strided_slice %dot_general3A_338 {offsets = [0, 2816], sizes = [256, 128], strides = [1, 1]} : vector<256x8192xf32> to vector<256x128xf32>
    %eq3A_456 = arith.cmpf oeq, %slice3A_455, %convert_element_type3A_342 : vector<256x128xf32>
    %convert_element_type3A_457 = arith.extui %eq3A_456 : vector<256x128xi1> to vector<256x128xi32>
    %convert_element_type3A_458 = arith.sitofp %convert_element_type3A_457 : vector<256x128xi32> to vector<256x128xf32>
    %add3A_459 = arith.addf %add3A_454, %convert_element_type3A_458 : vector<256x128xf32>
    %slice3A_460 = vector.extract_strided_slice %dot_general3A_338 {offsets = [0, 2944], sizes = [256, 128], strides = [1, 1]} : vector<256x8192xf32> to vector<256x128xf32>
    %eq3A_461 = arith.cmpf oeq, %slice3A_460, %convert_element_type3A_342 : vector<256x128xf32>
    %convert_element_type3A_462 = arith.extui %eq3A_461 : vector<256x128xi1> to vector<256x128xi32>
    %convert_element_type3A_463 = arith.sitofp %convert_element_type3A_462 : vector<256x128xi32> to vector<256x128xf32>
    %add3A_464 = arith.addf %add3A_459, %convert_element_type3A_463 : vector<256x128xf32>
    %slice3A_465 = vector.extract_strided_slice %dot_general3A_338 {offsets = [0, 3072], sizes = [256, 128], strides = [1, 1]} : vector<256x8192xf32> to vector<256x128xf32>
    %eq3A_466 = arith.cmpf oeq, %slice3A_465, %convert_element_type3A_342 : vector<256x128xf32>
    %convert_element_type3A_467 = arith.extui %eq3A_466 : vector<256x128xi1> to vector<256x128xi32>
    %convert_element_type3A_468 = arith.sitofp %convert_element_type3A_467 : vector<256x128xi32> to vector<256x128xf32>
    %add3A_469 = arith.addf %add3A_464, %convert_element_type3A_468 : vector<256x128xf32>
    %slice3A_470 = vector.extract_strided_slice %dot_general3A_338 {offsets = [0, 3200], sizes = [256, 128], strides = [1, 1]} : vector<256x8192xf32> to vector<256x128xf32>
    %eq3A_471 = arith.cmpf oeq, %slice3A_470, %convert_element_type3A_342 : vector<256x128xf32>
    %convert_element_type3A_472 = arith.extui %eq3A_471 : vector<256x128xi1> to vector<256x128xi32>
    %convert_element_type3A_473 = arith.sitofp %convert_element_type3A_472 : vector<256x128xi32> to vector<256x128xf32>
    %add3A_474 = arith.addf %add3A_469, %convert_element_type3A_473 : vector<256x128xf32>
    %slice3A_475 = vector.extract_strided_slice %dot_general3A_338 {offsets = [0, 3328], sizes = [256, 128], strides = [1, 1]} : vector<256x8192xf32> to vector<256x128xf32>
    %eq3A_476 = arith.cmpf oeq, %slice3A_475, %convert_element_type3A_342 : vector<256x128xf32>
    %convert_element_type3A_477 = arith.extui %eq3A_476 : vector<256x128xi1> to vector<256x128xi32>
    %convert_element_type3A_478 = arith.sitofp %convert_element_type3A_477 : vector<256x128xi32> to vector<256x128xf32>
    %add3A_479 = arith.addf %add3A_474, %convert_element_type3A_478 : vector<256x128xf32>
    %slice3A_480 = vector.extract_strided_slice %dot_general3A_338 {offsets = [0, 3456], sizes = [256, 128], strides = [1, 1]} : vector<256x8192xf32> to vector<256x128xf32>
    %eq3A_481 = arith.cmpf oeq, %slice3A_480, %convert_element_type3A_342 : vector<256x128xf32>
    %convert_element_type3A_482 = arith.extui %eq3A_481 : vector<256x128xi1> to vector<256x128xi32>
    %convert_element_type3A_483 = arith.sitofp %convert_element_type3A_482 : vector<256x128xi32> to vector<256x128xf32>
    %add3A_484 = arith.addf %add3A_479, %convert_element_type3A_483 : vector<256x128xf32>
    %slice3A_485 = vector.extract_strided_slice %dot_general3A_338 {offsets = [0, 3584], sizes = [256, 128], strides = [1, 1]} : vector<256x8192xf32> to vector<256x128xf32>
    %eq3A_486 = arith.cmpf oeq, %slice3A_485, %convert_element_type3A_342 : vector<256x128xf32>
    %convert_element_type3A_487 = arith.extui %eq3A_486 : vector<256x128xi1> to vector<256x128xi32>
    %convert_element_type3A_488 = arith.sitofp %convert_element_type3A_487 : vector<256x128xi32> to vector<256x128xf32>
    %add3A_489 = arith.addf %add3A_484, %convert_element_type3A_488 : vector<256x128xf32>
    %slice3A_490 = vector.extract_strided_slice %dot_general3A_338 {offsets = [0, 3712], sizes = [256, 128], strides = [1, 1]} : vector<256x8192xf32> to vector<256x128xf32>
    %eq3A_491 = arith.cmpf oeq, %slice3A_490, %convert_element_type3A_342 : vector<256x128xf32>
    %convert_element_type3A_492 = arith.extui %eq3A_491 : vector<256x128xi1> to vector<256x128xi32>
    %convert_element_type3A_493 = arith.sitofp %convert_element_type3A_492 : vector<256x128xi32> to vector<256x128xf32>
    %add3A_494 = arith.addf %add3A_489, %convert_element_type3A_493 : vector<256x128xf32>
    %slice3A_495 = vector.extract_strided_slice %dot_general3A_338 {offsets = [0, 3840], sizes = [256, 128], strides = [1, 1]} : vector<256x8192xf32> to vector<256x128xf32>
    %eq3A_496 = arith.cmpf oeq, %slice3A_495, %convert_element_type3A_342 : vector<256x128xf32>
    %convert_element_type3A_497 = arith.extui %eq3A_496 : vector<256x128xi1> to vector<256x128xi32>
    %convert_element_type3A_498 = arith.sitofp %convert_element_type3A_497 : vector<256x128xi32> to vector<256x128xf32>
    %add3A_499 = arith.addf %add3A_494, %convert_element_type3A_498 : vector<256x128xf32>
    %slice3A_500 = vector.extract_strided_slice %dot_general3A_338 {offsets = [0, 3968], sizes = [256, 128], strides = [1, 1]} : vector<256x8192xf32> to vector<256x128xf32>
    %eq3A_501 = arith.cmpf oeq, %slice3A_500, %convert_element_type3A_342 : vector<256x128xf32>
    %convert_element_type3A_502 = arith.extui %eq3A_501 : vector<256x128xi1> to vector<256x128xi32>
    %convert_element_type3A_503 = arith.sitofp %convert_element_type3A_502 : vector<256x128xi32> to vector<256x128xf32>
    %add3A_504 = arith.addf %add3A_499, %convert_element_type3A_503 : vector<256x128xf32>
    %slice3A_505 = vector.extract_strided_slice %dot_general3A_338 {offsets = [0, 4096], sizes = [256, 128], strides = [1, 1]} : vector<256x8192xf32> to vector<256x128xf32>
    %eq3A_506 = arith.cmpf oeq, %slice3A_505, %convert_element_type3A_342 : vector<256x128xf32>
    %convert_element_type3A_507 = arith.extui %eq3A_506 : vector<256x128xi1> to vector<256x128xi32>
    %convert_element_type3A_508 = arith.sitofp %convert_element_type3A_507 : vector<256x128xi32> to vector<256x128xf32>
    %add3A_509 = arith.addf %add3A_504, %convert_element_type3A_508 : vector<256x128xf32>
    %slice3A_510 = vector.extract_strided_slice %dot_general3A_338 {offsets = [0, 4224], sizes = [256, 128], strides = [1, 1]} : vector<256x8192xf32> to vector<256x128xf32>
    %eq3A_511 = arith.cmpf oeq, %slice3A_510, %convert_element_type3A_342 : vector<256x128xf32>
    %convert_element_type3A_512 = arith.extui %eq3A_511 : vector<256x128xi1> to vector<256x128xi32>
    %convert_element_type3A_513 = arith.sitofp %convert_element_type3A_512 : vector<256x128xi32> to vector<256x128xf32>
    %add3A_514 = arith.addf %add3A_509, %convert_element_type3A_513 : vector<256x128xf32>
    %slice3A_515 = vector.extract_strided_slice %dot_general3A_338 {offsets = [0, 4352], sizes = [256, 128], strides = [1, 1]} : vector<256x8192xf32> to vector<256x128xf32>
    %eq3A_516 = arith.cmpf oeq, %slice3A_515, %convert_element_type3A_342 : vector<256x128xf32>
    %convert_element_type3A_517 = arith.extui %eq3A_516 : vector<256x128xi1> to vector<256x128xi32>
    %convert_element_type3A_518 = arith.sitofp %convert_element_type3A_517 : vector<256x128xi32> to vector<256x128xf32>
    %add3A_519 = arith.addf %add3A_514, %convert_element_type3A_518 : vector<256x128xf32>
    %slice3A_520 = vector.extract_strided_slice %dot_general3A_338 {offsets = [0, 4480], sizes = [256, 128], strides = [1, 1]} : vector<256x8192xf32> to vector<256x128xf32>
    %eq3A_521 = arith.cmpf oeq, %slice3A_520, %convert_element_type3A_342 : vector<256x128xf32>
    %convert_element_type3A_522 = arith.extui %eq3A_521 : vector<256x128xi1> to vector<256x128xi32>
    %convert_element_type3A_523 = arith.sitofp %convert_element_type3A_522 : vector<256x128xi32> to vector<256x128xf32>
    %add3A_524 = arith.addf %add3A_519, %convert_element_type3A_523 : vector<256x128xf32>
    %slice3A_525 = vector.extract_strided_slice %dot_general3A_338 {offsets = [0, 4608], sizes = [256, 128], strides = [1, 1]} : vector<256x8192xf32> to vector<256x128xf32>
    %eq3A_526 = arith.cmpf oeq, %slice3A_525, %convert_element_type3A_342 : vector<256x128xf32>
    %convert_element_type3A_527 = arith.extui %eq3A_526 : vector<256x128xi1> to vector<256x128xi32>
    %convert_element_type3A_528 = arith.sitofp %convert_element_type3A_527 : vector<256x128xi32> to vector<256x128xf32>
    %add3A_529 = arith.addf %add3A_524, %convert_element_type3A_528 : vector<256x128xf32>
    %slice3A_530 = vector.extract_strided_slice %dot_general3A_338 {offsets = [0, 4736], sizes = [256, 128], strides = [1, 1]} : vector<256x8192xf32> to vector<256x128xf32>
    %eq3A_531 = arith.cmpf oeq, %slice3A_530, %convert_element_type3A_342 : vector<256x128xf32>
    %convert_element_type3A_532 = arith.extui %eq3A_531 : vector<256x128xi1> to vector<256x128xi32>
    %convert_element_type3A_533 = arith.sitofp %convert_element_type3A_532 : vector<256x128xi32> to vector<256x128xf32>
    %add3A_534 = arith.addf %add3A_529, %convert_element_type3A_533 : vector<256x128xf32>
    %slice3A_535 = vector.extract_strided_slice %dot_general3A_338 {offsets = [0, 4864], sizes = [256, 128], strides = [1, 1]} : vector<256x8192xf32> to vector<256x128xf32>
    %eq3A_536 = arith.cmpf oeq, %slice3A_535, %convert_element_type3A_342 : vector<256x128xf32>
    %convert_element_type3A_537 = arith.extui %eq3A_536 : vector<256x128xi1> to vector<256x128xi32>
    %convert_element_type3A_538 = arith.sitofp %convert_element_type3A_537 : vector<256x128xi32> to vector<256x128xf32>
    %add3A_539 = arith.addf %add3A_534, %convert_element_type3A_538 : vector<256x128xf32>
    %slice3A_540 = vector.extract_strided_slice %dot_general3A_338 {offsets = [0, 4992], sizes = [256, 128], strides = [1, 1]} : vector<256x8192xf32> to vector<256x128xf32>
    %eq3A_541 = arith.cmpf oeq, %slice3A_540, %convert_element_type3A_342 : vector<256x128xf32>
    %convert_element_type3A_542 = arith.extui %eq3A_541 : vector<256x128xi1> to vector<256x128xi32>
    %convert_element_type3A_543 = arith.sitofp %convert_element_type3A_542 : vector<256x128xi32> to vector<256x128xf32>
    %add3A_544 = arith.addf %add3A_539, %convert_element_type3A_543 : vector<256x128xf32>
    %slice3A_545 = vector.extract_strided_slice %dot_general3A_338 {offsets = [0, 5120], sizes = [256, 128], strides = [1, 1]} : vector<256x8192xf32> to vector<256x128xf32>
    %eq3A_546 = arith.cmpf oeq, %slice3A_545, %convert_element_type3A_342 : vector<256x128xf32>
    %convert_element_type3A_547 = arith.extui %eq3A_546 : vector<256x128xi1> to vector<256x128xi32>
    %convert_element_type3A_548 = arith.sitofp %convert_element_type3A_547 : vector<256x128xi32> to vector<256x128xf32>
    %add3A_549 = arith.addf %add3A_544, %convert_element_type3A_548 : vector<256x128xf32>
    %slice3A_550 = vector.extract_strided_slice %dot_general3A_338 {offsets = [0, 5248], sizes = [256, 128], strides = [1, 1]} : vector<256x8192xf32> to vector<256x128xf32>
    %eq3A_551 = arith.cmpf oeq, %slice3A_550, %convert_element_type3A_342 : vector<256x128xf32>
    %convert_element_type3A_552 = arith.extui %eq3A_551 : vector<256x128xi1> to vector<256x128xi32>
    %convert_element_type3A_553 = arith.sitofp %convert_element_type3A_552 : vector<256x128xi32> to vector<256x128xf32>
    %add3A_554 = arith.addf %add3A_549, %convert_element_type3A_553 : vector<256x128xf32>
    %slice3A_555 = vector.extract_strided_slice %dot_general3A_338 {offsets = [0, 5376], sizes = [256, 128], strides = [1, 1]} : vector<256x8192xf32> to vector<256x128xf32>
    %eq3A_556 = arith.cmpf oeq, %slice3A_555, %convert_element_type3A_342 : vector<256x128xf32>
    %convert_element_type3A_557 = arith.extui %eq3A_556 : vector<256x128xi1> to vector<256x128xi32>
    %convert_element_type3A_558 = arith.sitofp %convert_element_type3A_557 : vector<256x128xi32> to vector<256x128xf32>
    %add3A_559 = arith.addf %add3A_554, %convert_element_type3A_558 : vector<256x128xf32>
    %slice3A_560 = vector.extract_strided_slice %dot_general3A_338 {offsets = [0, 5504], sizes = [256, 128], strides = [1, 1]} : vector<256x8192xf32> to vector<256x128xf32>
    %eq3A_561 = arith.cmpf oeq, %slice3A_560, %convert_element_type3A_342 : vector<256x128xf32>
    %convert_element_type3A_562 = arith.extui %eq3A_561 : vector<256x128xi1> to vector<256x128xi32>
    %convert_element_type3A_563 = arith.sitofp %convert_element_type3A_562 : vector<256x128xi32> to vector<256x128xf32>
    %add3A_564 = arith.addf %add3A_559, %convert_element_type3A_563 : vector<256x128xf32>
    %slice3A_565 = vector.extract_strided_slice %dot_general3A_338 {offsets = [0, 5632], sizes = [256, 128], strides = [1, 1]} : vector<256x8192xf32> to vector<256x128xf32>
    %eq3A_566 = arith.cmpf oeq, %slice3A_565, %convert_element_type3A_342 : vector<256x128xf32>
    %convert_element_type3A_567 = arith.extui %eq3A_566 : vector<256x128xi1> to vector<256x128xi32>
    %convert_element_type3A_568 = arith.sitofp %convert_element_type3A_567 : vector<256x128xi32> to vector<256x128xf32>
    %add3A_569 = arith.addf %add3A_564, %convert_element_type3A_568 : vector<256x128xf32>
    %slice3A_570 = vector.extract_strided_slice %dot_general3A_338 {offsets = [0, 5760], sizes = [256, 128], strides = [1, 1]} : vector<256x8192xf32> to vector<256x128xf32>
    %eq3A_571 = arith.cmpf oeq, %slice3A_570, %convert_element_type3A_342 : vector<256x128xf32>
    %convert_element_type3A_572 = arith.extui %eq3A_571 : vector<256x128xi1> to vector<256x128xi32>
    %convert_element_type3A_573 = arith.sitofp %convert_element_type3A_572 : vector<256x128xi32> to vector<256x128xf32>
    %add3A_574 = arith.addf %add3A_569, %convert_element_type3A_573 : vector<256x128xf32>
    %slice3A_575 = vector.extract_strided_slice %dot_general3A_338 {offsets = [0, 5888], sizes = [256, 128], strides = [1, 1]} : vector<256x8192xf32> to vector<256x128xf32>
    %eq3A_576 = arith.cmpf oeq, %slice3A_575, %convert_element_type3A_342 : vector<256x128xf32>
    %convert_element_type3A_577 = arith.extui %eq3A_576 : vector<256x128xi1> to vector<256x128xi32>
    %convert_element_type3A_578 = arith.sitofp %convert_element_type3A_577 : vector<256x128xi32> to vector<256x128xf32>
    %add3A_579 = arith.addf %add3A_574, %convert_element_type3A_578 : vector<256x128xf32>
    %slice3A_580 = vector.extract_strided_slice %dot_general3A_338 {offsets = [0, 6016], sizes = [256, 128], strides = [1, 1]} : vector<256x8192xf32> to vector<256x128xf32>
    %eq3A_581 = arith.cmpf oeq, %slice3A_580, %convert_element_type3A_342 : vector<256x128xf32>
    %convert_element_type3A_582 = arith.extui %eq3A_581 : vector<256x128xi1> to vector<256x128xi32>
    %convert_element_type3A_583 = arith.sitofp %convert_element_type3A_582 : vector<256x128xi32> to vector<256x128xf32>
    %add3A_584 = arith.addf %add3A_579, %convert_element_type3A_583 : vector<256x128xf32>
    %slice3A_585 = vector.extract_strided_slice %dot_general3A_338 {offsets = [0, 6144], sizes = [256, 128], strides = [1, 1]} : vector<256x8192xf32> to vector<256x128xf32>
    %eq3A_586 = arith.cmpf oeq, %slice3A_585, %convert_element_type3A_342 : vector<256x128xf32>
    %convert_element_type3A_587 = arith.extui %eq3A_586 : vector<256x128xi1> to vector<256x128xi32>
    %convert_element_type3A_588 = arith.sitofp %convert_element_type3A_587 : vector<256x128xi32> to vector<256x128xf32>
    %add3A_589 = arith.addf %add3A_584, %convert_element_type3A_588 : vector<256x128xf32>
    %slice3A_590 = vector.extract_strided_slice %dot_general3A_338 {offsets = [0, 6272], sizes = [256, 128], strides = [1, 1]} : vector<256x8192xf32> to vector<256x128xf32>
    %eq3A_591 = arith.cmpf oeq, %slice3A_590, %convert_element_type3A_342 : vector<256x128xf32>
    %convert_element_type3A_592 = arith.extui %eq3A_591 : vector<256x128xi1> to vector<256x128xi32>
    %convert_element_type3A_593 = arith.sitofp %convert_element_type3A_592 : vector<256x128xi32> to vector<256x128xf32>
    %add3A_594 = arith.addf %add3A_589, %convert_element_type3A_593 : vector<256x128xf32>
    %slice3A_595 = vector.extract_strided_slice %dot_general3A_338 {offsets = [0, 6400], sizes = [256, 128], strides = [1, 1]} : vector<256x8192xf32> to vector<256x128xf32>
    %eq3A_596 = arith.cmpf oeq, %slice3A_595, %convert_element_type3A_342 : vector<256x128xf32>
    %convert_element_type3A_597 = arith.extui %eq3A_596 : vector<256x128xi1> to vector<256x128xi32>
    %convert_element_type3A_598 = arith.sitofp %convert_element_type3A_597 : vector<256x128xi32> to vector<256x128xf32>
    %add3A_599 = arith.addf %add3A_594, %convert_element_type3A_598 : vector<256x128xf32>
    %slice3A_600 = vector.extract_strided_slice %dot_general3A_338 {offsets = [0, 6528], sizes = [256, 128], strides = [1, 1]} : vector<256x8192xf32> to vector<256x128xf32>
    %eq3A_601 = arith.cmpf oeq, %slice3A_600, %convert_element_type3A_342 : vector<256x128xf32>
    %convert_element_type3A_602 = arith.extui %eq3A_601 : vector<256x128xi1> to vector<256x128xi32>
    %convert_element_type3A_603 = arith.sitofp %convert_element_type3A_602 : vector<256x128xi32> to vector<256x128xf32>
    %add3A_604 = arith.addf %add3A_599, %convert_element_type3A_603 : vector<256x128xf32>
    %slice3A_605 = vector.extract_strided_slice %dot_general3A_338 {offsets = [0, 6656], sizes = [256, 128], strides = [1, 1]} : vector<256x8192xf32> to vector<256x128xf32>
    %eq3A_606 = arith.cmpf oeq, %slice3A_605, %convert_element_type3A_342 : vector<256x128xf32>
    %convert_element_type3A_607 = arith.extui %eq3A_606 : vector<256x128xi1> to vector<256x128xi32>
    %convert_element_type3A_608 = arith.sitofp %convert_element_type3A_607 : vector<256x128xi32> to vector<256x128xf32>
    %add3A_609 = arith.addf %add3A_604, %convert_element_type3A_608 : vector<256x128xf32>
    %slice3A_610 = vector.extract_strided_slice %dot_general3A_338 {offsets = [0, 6784], sizes = [256, 128], strides = [1, 1]} : vector<256x8192xf32> to vector<256x128xf32>
    %eq3A_611 = arith.cmpf oeq, %slice3A_610, %convert_element_type3A_342 : vector<256x128xf32>
    %convert_element_type3A_612 = arith.extui %eq3A_611 : vector<256x128xi1> to vector<256x128xi32>
    %convert_element_type3A_613 = arith.sitofp %convert_element_type3A_612 : vector<256x128xi32> to vector<256x128xf32>
    %add3A_614 = arith.addf %add3A_609, %convert_element_type3A_613 : vector<256x128xf32>
    %slice3A_615 = vector.extract_strided_slice %dot_general3A_338 {offsets = [0, 6912], sizes = [256, 128], strides = [1, 1]} : vector<256x8192xf32> to vector<256x128xf32>
    %eq3A_616 = arith.cmpf oeq, %slice3A_615, %convert_element_type3A_342 : vector<256x128xf32>
    %convert_element_type3A_617 = arith.extui %eq3A_616 : vector<256x128xi1> to vector<256x128xi32>
    %convert_element_type3A_618 = arith.sitofp %convert_element_type3A_617 : vector<256x128xi32> to vector<256x128xf32>
    %add3A_619 = arith.addf %add3A_614, %convert_element_type3A_618 : vector<256x128xf32>
    %slice3A_620 = vector.extract_strided_slice %dot_general3A_338 {offsets = [0, 7040], sizes = [256, 128], strides = [1, 1]} : vector<256x8192xf32> to vector<256x128xf32>
    %eq3A_621 = arith.cmpf oeq, %slice3A_620, %convert_element_type3A_342 : vector<256x128xf32>
    %convert_element_type3A_622 = arith.extui %eq3A_621 : vector<256x128xi1> to vector<256x128xi32>
    %convert_element_type3A_623 = arith.sitofp %convert_element_type3A_622 : vector<256x128xi32> to vector<256x128xf32>
    %add3A_624 = arith.addf %add3A_619, %convert_element_type3A_623 : vector<256x128xf32>
    %slice3A_625 = vector.extract_strided_slice %dot_general3A_338 {offsets = [0, 7168], sizes = [256, 128], strides = [1, 1]} : vector<256x8192xf32> to vector<256x128xf32>
    %eq3A_626 = arith.cmpf oeq, %slice3A_625, %convert_element_type3A_342 : vector<256x128xf32>
    %convert_element_type3A_627 = arith.extui %eq3A_626 : vector<256x128xi1> to vector<256x128xi32>
    %convert_element_type3A_628 = arith.sitofp %convert_element_type3A_627 : vector<256x128xi32> to vector<256x128xf32>
    %add3A_629 = arith.addf %add3A_624, %convert_element_type3A_628 : vector<256x128xf32>
    %slice3A_630 = vector.extract_strided_slice %dot_general3A_338 {offsets = [0, 7296], sizes = [256, 128], strides = [1, 1]} : vector<256x8192xf32> to vector<256x128xf32>
    %eq3A_631 = arith.cmpf oeq, %slice3A_630, %convert_element_type3A_342 : vector<256x128xf32>
    %convert_element_type3A_632 = arith.extui %eq3A_631 : vector<256x128xi1> to vector<256x128xi32>
    %convert_element_type3A_633 = arith.sitofp %convert_element_type3A_632 : vector<256x128xi32> to vector<256x128xf32>
    %add3A_634 = arith.addf %add3A_629, %convert_element_type3A_633 : vector<256x128xf32>
    %slice3A_635 = vector.extract_strided_slice %dot_general3A_338 {offsets = [0, 7424], sizes = [256, 128], strides = [1, 1]} : vector<256x8192xf32> to vector<256x128xf32>
    %eq3A_636 = arith.cmpf oeq, %slice3A_635, %convert_element_type3A_342 : vector<256x128xf32>
    %convert_element_type3A_637 = arith.extui %eq3A_636 : vector<256x128xi1> to vector<256x128xi32>
    %convert_element_type3A_638 = arith.sitofp %convert_element_type3A_637 : vector<256x128xi32> to vector<256x128xf32>
    %add3A_639 = arith.addf %add3A_634, %convert_element_type3A_638 : vector<256x128xf32>
    %slice3A_640 = vector.extract_strided_slice %dot_general3A_338 {offsets = [0, 7552], sizes = [256, 128], strides = [1, 1]} : vector<256x8192xf32> to vector<256x128xf32>
    %eq3A_641 = arith.cmpf oeq, %slice3A_640, %convert_element_type3A_342 : vector<256x128xf32>
    %convert_element_type3A_642 = arith.extui %eq3A_641 : vector<256x128xi1> to vector<256x128xi32>
    %convert_element_type3A_643 = arith.sitofp %convert_element_type3A_642 : vector<256x128xi32> to vector<256x128xf32>
    %add3A_644 = arith.addf %add3A_639, %convert_element_type3A_643 : vector<256x128xf32>
    %slice3A_645 = vector.extract_strided_slice %dot_general3A_338 {offsets = [0, 7680], sizes = [256, 128], strides = [1, 1]} : vector<256x8192xf32> to vector<256x128xf32>
    %eq3A_646 = arith.cmpf oeq, %slice3A_645, %convert_element_type3A_342 : vector<256x128xf32>
    %convert_element_type3A_647 = arith.extui %eq3A_646 : vector<256x128xi1> to vector<256x128xi32>
    %convert_element_type3A_648 = arith.sitofp %convert_element_type3A_647 : vector<256x128xi32> to vector<256x128xf32>
    %add3A_649 = arith.addf %add3A_644, %convert_element_type3A_648 : vector<256x128xf32>
    %slice3A_650 = vector.extract_strided_slice %dot_general3A_338 {offsets = [0, 7808], sizes = [256, 128], strides = [1, 1]} : vector<256x8192xf32> to vector<256x128xf32>
    %eq3A_651 = arith.cmpf oeq, %slice3A_650, %convert_element_type3A_342 : vector<256x128xf32>
    %convert_element_type3A_652 = arith.extui %eq3A_651 : vector<256x128xi1> to vector<256x128xi32>
    %convert_element_type3A_653 = arith.sitofp %convert_element_type3A_652 : vector<256x128xi32> to vector<256x128xf32>
    %add3A_654 = arith.addf %add3A_649, %convert_element_type3A_653 : vector<256x128xf32>
    %slice3A_655 = vector.extract_strided_slice %dot_general3A_338 {offsets = [0, 7936], sizes = [256, 128], strides = [1, 1]} : vector<256x8192xf32> to vector<256x128xf32>
    %eq3A_656 = arith.cmpf oeq, %slice3A_655, %convert_element_type3A_342 : vector<256x128xf32>
    %convert_element_type3A_657 = arith.extui %eq3A_656 : vector<256x128xi1> to vector<256x128xi32>
    %convert_element_type3A_658 = arith.sitofp %convert_element_type3A_657 : vector<256x128xi32> to vector<256x128xf32>
    %add3A_659 = arith.addf %add3A_654, %convert_element_type3A_658 : vector<256x128xf32>
    %slice3A_660 = vector.extract_strided_slice %dot_general3A_338 {offsets = [0, 8064], sizes = [256, 128], strides = [1, 1]} : vector<256x8192xf32> to vector<256x128xf32>
    %eq3A_661 = arith.cmpf oeq, %slice3A_660, %convert_element_type3A_342 : vector<256x128xf32>
    %convert_element_type3A_662 = arith.extui %eq3A_661 : vector<256x128xi1> to vector<256x128xi32>
    %convert_element_type3A_663 = arith.sitofp %convert_element_type3A_662 : vector<256x128xi32> to vector<256x128xf32>
    %add3A_664 = arith.addf %add3A_659, %convert_element_type3A_663 : vector<256x128xf32>
    %dot_general3A_665 = arith.constant dense<0.000000e+00> : vector<128x256xf32>
    %dot_general3A_666 = tpu.matmul %add3A_664, %get3A_331, %dot_general3A_665 {dimension_numbers = #tpu.dot_dimension_numbers<[0], [0], [1], [1], [0, 1, 1, 1], [], []>, transpose_lhs_hint = false} : vector<256x128xf32>, vector<256x256xf32>, vector<128x256xf32> -> vector<128x256xf32>
    %dot_general3A_667 = arith.constant dense<0.000000e+00> : vector<256x256xf32>
    %dot_general3A_668 = tpu.matmul %max3A_192, %get3A_331, %dot_general3A_667 {dimension_numbers = #tpu.dot_dimension_numbers<[0], [0], [1], [1], [0, 1, 1, 1], [], []>, transpose_lhs_hint = false} : vector<256x256xf32>, vector<256x256xf32>, vector<256x256xf32> -> vector<256x256xf32>
    %dot_general3A_669 = arith.constant dense<0.000000e+00> : vector<256x256xf32>
    %dot_general3A_670 = tpu.matmul %max3A_226, %get3A_331, %dot_general3A_669 {dimension_numbers = #tpu.dot_dimension_numbers<[0], [0], [1], [1], [0, 1, 1, 1], [], []>, transpose_lhs_hint = false} : vector<256x256xf32>, vector<256x256xf32>, vector<256x256xf32> -> vector<256x256xf32>
    %cos3A = math.cos %dot_general3A_668 : vector<256x256xf32>
    %sin3A_671 = math.sin %dot_general3A_668 : vector<256x256xf32>
    %mul3A_672 = arith.mulf %cos3A, %cos3A : vector<256x256xf32>
    %mul3A_673 = arith.mulf %sin3A_671, %sin3A_671 : vector<256x256xf32>
    %sub3A = arith.subf %mul3A_672, %mul3A_673 : vector<256x256xf32>
    %mul3A_674 = arith.mulf %cos3A, %sin3A_671 : vector<256x256xf32>
    %mul3A_675 = arith.mulf %sin3A_671, %cos3A : vector<256x256xf32>
    %add3A_676 = arith.addf %mul3A_674, %mul3A_675 : vector<256x256xf32>
    %mul3A_677 = arith.mulf %sub3A, %cos3A : vector<256x256xf32>
    %mul3A_678 = arith.mulf %add3A_676, %sin3A_671 : vector<256x256xf32>
    %sub3A_679 = arith.subf %mul3A_677, %mul3A_678 : vector<256x256xf32>
    %mul3A_680 = arith.mulf %sub3A, %sin3A_671 : vector<256x256xf32>
    %mul3A_681 = arith.mulf %add3A_676, %cos3A : vector<256x256xf32>
    %add3A_682 = arith.addf %mul3A_680, %mul3A_681 : vector<256x256xf32>
    %mul3A_683 = arith.mulf %sub3A_679, %cos3A : vector<256x256xf32>
    %mul3A_684 = arith.mulf %add3A_682, %sin3A_671 : vector<256x256xf32>
    %sub3A_685 = arith.subf %mul3A_683, %mul3A_684 : vector<256x256xf32>
    %mul3A_686 = arith.mulf %sub3A_679, %sin3A_671 : vector<256x256xf32>
    %mul3A_687 = arith.mulf %add3A_682, %cos3A : vector<256x256xf32>
    %add3A_688 = arith.addf %mul3A_686, %mul3A_687 : vector<256x256xf32>
    %mul3A_689 = arith.mulf %sub3A_685, %cos3A : vector<256x256xf32>
    %mul3A_690 = arith.mulf %add3A_688, %sin3A_671 : vector<256x256xf32>
    %sub3A_691 = arith.subf %mul3A_689, %mul3A_690 : vector<256x256xf32>
    %mul3A_692 = arith.mulf %sub3A_685, %sin3A_671 : vector<256x256xf32>
    %mul3A_693 = arith.mulf %add3A_688, %cos3A : vector<256x256xf32>
    %add3A_694 = arith.addf %mul3A_692, %mul3A_693 : vector<256x256xf32>
    %mul3A_695 = arith.mulf %sub3A_691, %cos3A : vector<256x256xf32>
    %mul3A_696 = arith.mulf %add3A_694, %sin3A_671 : vector<256x256xf32>
    %sub3A_697 = arith.subf %mul3A_695, %mul3A_696 : vector<256x256xf32>
    %mul3A_698 = arith.mulf %sub3A_691, %sin3A_671 : vector<256x256xf32>
    %mul3A_699 = arith.mulf %add3A_694, %cos3A : vector<256x256xf32>
    %add3A_700 = arith.addf %mul3A_698, %mul3A_699 : vector<256x256xf32>
    %mul3A_701 = arith.mulf %sub3A_697, %cos3A : vector<256x256xf32>
    %mul3A_702 = arith.mulf %add3A_700, %sin3A_671 : vector<256x256xf32>
    %sub3A_703 = arith.subf %mul3A_701, %mul3A_702 : vector<256x256xf32>
    %mul3A_704 = arith.mulf %sub3A_697, %sin3A_671 : vector<256x256xf32>
    %mul3A_705 = arith.mulf %add3A_700, %cos3A : vector<256x256xf32>
    %add3A_706 = arith.addf %mul3A_704, %mul3A_705 : vector<256x256xf32>
    %mul3A_707 = arith.mulf %sub3A_703, %cos3A : vector<256x256xf32>
    %mul3A_708 = arith.mulf %add3A_706, %sin3A_671 : vector<256x256xf32>
    %sub3A_709 = arith.subf %mul3A_707, %mul3A_708 : vector<256x256xf32>
    %mul3A_710 = arith.mulf %sub3A_703, %sin3A_671 : vector<256x256xf32>
    %mul3A_711 = arith.mulf %add3A_706, %cos3A : vector<256x256xf32>
    %add3A_712 = arith.addf %mul3A_710, %mul3A_711 : vector<256x256xf32>
    %slice3A_713 = vector.extract_strided_slice %dot_general3A_666 {offsets = [56, 0], sizes = [1, 256], strides = [1, 1]} : vector<128x256xf32> to vector<1x256xf32>
    %slice3A_714 = vector.extract_strided_slice %dot_general3A_666 {offsets = [57, 0], sizes = [1, 256], strides = [1, 1]} : vector<128x256xf32> to vector<1x256xf32>
    %mul3A_715 = vector.broadcast %slice3A_714 : vector<1x256xf32> to vector<256x256xf32>
    %mul3A_716 = arith.mulf %mul3A_715, %cos3A : vector<256x256xf32>
    %add3A_717 = vector.broadcast %slice3A_713 : vector<1x256xf32> to vector<256x256xf32>
    %add3A_718 = arith.addf %add3A_717, %mul3A_716 : vector<256x256xf32>
    %slice3A_719 = vector.extract_strided_slice %dot_general3A_666 {offsets = [57, 0], sizes = [1, 256], strides = [1, 1]} : vector<128x256xf32> to vector<1x256xf32>
    %mul3A_720 = vector.broadcast %slice3A_719 : vector<1x256xf32> to vector<256x256xf32>
    %mul3A_721 = arith.mulf %mul3A_720, %sin3A_671 : vector<256x256xf32>
    %slice3A_722 = vector.extract_strided_slice %dot_general3A_666 {offsets = [58, 0], sizes = [1, 256], strides = [1, 1]} : vector<128x256xf32> to vector<1x256xf32>
    %mul3A_723 = vector.broadcast %slice3A_722 : vector<1x256xf32> to vector<256x256xf32>
    %mul3A_724 = arith.mulf %mul3A_723, %sub3A : vector<256x256xf32>
    %add3A_725 = arith.addf %add3A_718, %mul3A_724 : vector<256x256xf32>
    %mul3A_726 = vector.broadcast %slice3A_722 : vector<1x256xf32> to vector<256x256xf32>
    %mul3A_727 = arith.mulf %mul3A_726, %add3A_676 : vector<256x256xf32>
    %add3A_728 = arith.addf %mul3A_721, %mul3A_727 : vector<256x256xf32>
    %slice3A_729 = vector.extract_strided_slice %dot_general3A_666 {offsets = [59, 0], sizes = [1, 256], strides = [1, 1]} : vector<128x256xf32> to vector<1x256xf32>
    %mul3A_730 = vector.broadcast %slice3A_729 : vector<1x256xf32> to vector<256x256xf32>
    %mul3A_731 = arith.mulf %mul3A_730, %sub3A_679 : vector<256x256xf32>
    %add3A_732 = arith.addf %add3A_725, %mul3A_731 : vector<256x256xf32>
    %mul3A_733 = vector.broadcast %slice3A_729 : vector<1x256xf32> to vector<256x256xf32>
    %mul3A_734 = arith.mulf %mul3A_733, %add3A_682 : vector<256x256xf32>
    %add3A_735 = arith.addf %add3A_728, %mul3A_734 : vector<256x256xf32>
    %slice3A_736 = vector.extract_strided_slice %dot_general3A_666 {offsets = [60, 0], sizes = [1, 256], strides = [1, 1]} : vector<128x256xf32> to vector<1x256xf32>
    %mul3A_737 = vector.broadcast %slice3A_736 : vector<1x256xf32> to vector<256x256xf32>
    %mul3A_738 = arith.mulf %mul3A_737, %sub3A_685 : vector<256x256xf32>
    %add3A_739 = arith.addf %add3A_732, %mul3A_738 : vector<256x256xf32>
    %mul3A_740 = vector.broadcast %slice3A_736 : vector<1x256xf32> to vector<256x256xf32>
    %mul3A_741 = arith.mulf %mul3A_740, %add3A_688 : vector<256x256xf32>
    %add3A_742 = arith.addf %add3A_735, %mul3A_741 : vector<256x256xf32>
    %slice3A_743 = vector.extract_strided_slice %dot_general3A_666 {offsets = [61, 0], sizes = [1, 256], strides = [1, 1]} : vector<128x256xf32> to vector<1x256xf32>
    %mul3A_744 = vector.broadcast %slice3A_743 : vector<1x256xf32> to vector<256x256xf32>
    %mul3A_745 = arith.mulf %mul3A_744, %sub3A_691 : vector<256x256xf32>
    %add3A_746 = arith.addf %add3A_739, %mul3A_745 : vector<256x256xf32>
    %mul3A_747 = vector.broadcast %slice3A_743 : vector<1x256xf32> to vector<256x256xf32>
    %mul3A_748 = arith.mulf %mul3A_747, %add3A_694 : vector<256x256xf32>
    %add3A_749 = arith.addf %add3A_742, %mul3A_748 : vector<256x256xf32>
    %slice3A_750 = vector.extract_strided_slice %dot_general3A_666 {offsets = [62, 0], sizes = [1, 256], strides = [1, 1]} : vector<128x256xf32> to vector<1x256xf32>
    %mul3A_751 = vector.broadcast %slice3A_750 : vector<1x256xf32> to vector<256x256xf32>
    %mul3A_752 = arith.mulf %mul3A_751, %sub3A_697 : vector<256x256xf32>
    %add3A_753 = arith.addf %add3A_746, %mul3A_752 : vector<256x256xf32>
    %mul3A_754 = vector.broadcast %slice3A_750 : vector<1x256xf32> to vector<256x256xf32>
    %mul3A_755 = arith.mulf %mul3A_754, %add3A_700 : vector<256x256xf32>
    %add3A_756 = arith.addf %add3A_749, %mul3A_755 : vector<256x256xf32>
    %slice3A_757 = vector.extract_strided_slice %dot_general3A_666 {offsets = [63, 0], sizes = [1, 256], strides = [1, 1]} : vector<128x256xf32> to vector<1x256xf32>
    %mul3A_758 = vector.broadcast %slice3A_757 : vector<1x256xf32> to vector<256x256xf32>
    %mul3A_759 = arith.mulf %mul3A_758, %sub3A_703 : vector<256x256xf32>
    %add3A_760 = arith.addf %add3A_753, %mul3A_759 : vector<256x256xf32>
    %mul3A_761 = vector.broadcast %slice3A_757 : vector<1x256xf32> to vector<256x256xf32>
    %mul3A_762 = arith.mulf %mul3A_761, %add3A_706 : vector<256x256xf32>
    %add3A_763 = arith.addf %add3A_756, %mul3A_762 : vector<256x256xf32>
    %slice3A_764 = vector.extract_strided_slice %dot_general3A_666 {offsets = [48, 0], sizes = [1, 256], strides = [1, 1]} : vector<128x256xf32> to vector<1x256xf32>
    %slice3A_765 = vector.extract_strided_slice %dot_general3A_666 {offsets = [49, 0], sizes = [1, 256], strides = [1, 1]} : vector<128x256xf32> to vector<1x256xf32>
    %mul3A_766 = vector.broadcast %slice3A_765 : vector<1x256xf32> to vector<256x256xf32>
    %mul3A_767 = arith.mulf %mul3A_766, %cos3A : vector<256x256xf32>
    %add3A_768 = vector.broadcast %slice3A_764 : vector<1x256xf32> to vector<256x256xf32>
    %add3A_769 = arith.addf %add3A_768, %mul3A_767 : vector<256x256xf32>
    %slice3A_770 = vector.extract_strided_slice %dot_general3A_666 {offsets = [49, 0], sizes = [1, 256], strides = [1, 1]} : vector<128x256xf32> to vector<1x256xf32>
    %mul3A_771 = vector.broadcast %slice3A_770 : vector<1x256xf32> to vector<256x256xf32>
    %mul3A_772 = arith.mulf %mul3A_771, %sin3A_671 : vector<256x256xf32>
    %slice3A_773 = vector.extract_strided_slice %dot_general3A_666 {offsets = [50, 0], sizes = [1, 256], strides = [1, 1]} : vector<128x256xf32> to vector<1x256xf32>
    %mul3A_774 = vector.broadcast %slice3A_773 : vector<1x256xf32> to vector<256x256xf32>
    %mul3A_775 = arith.mulf %mul3A_774, %sub3A : vector<256x256xf32>
    %add3A_776 = arith.addf %add3A_769, %mul3A_775 : vector<256x256xf32>
    %mul3A_777 = vector.broadcast %slice3A_773 : vector<1x256xf32> to vector<256x256xf32>
    %mul3A_778 = arith.mulf %mul3A_777, %add3A_676 : vector<256x256xf32>
    %add3A_779 = arith.addf %mul3A_772, %mul3A_778 : vector<256x256xf32>
    %slice3A_780 = vector.extract_strided_slice %dot_general3A_666 {offsets = [51, 0], sizes = [1, 256], strides = [1, 1]} : vector<128x256xf32> to vector<1x256xf32>
    %mul3A_781 = vector.broadcast %slice3A_780 : vector<1x256xf32> to vector<256x256xf32>
    %mul3A_782 = arith.mulf %mul3A_781, %sub3A_679 : vector<256x256xf32>
    %add3A_783 = arith.addf %add3A_776, %mul3A_782 : vector<256x256xf32>
    %mul3A_784 = vector.broadcast %slice3A_780 : vector<1x256xf32> to vector<256x256xf32>
    %mul3A_785 = arith.mulf %mul3A_784, %add3A_682 : vector<256x256xf32>
    %add3A_786 = arith.addf %add3A_779, %mul3A_785 : vector<256x256xf32>
    %slice3A_787 = vector.extract_strided_slice %dot_general3A_666 {offsets = [52, 0], sizes = [1, 256], strides = [1, 1]} : vector<128x256xf32> to vector<1x256xf32>
    %mul3A_788 = vector.broadcast %slice3A_787 : vector<1x256xf32> to vector<256x256xf32>
    %mul3A_789 = arith.mulf %mul3A_788, %sub3A_685 : vector<256x256xf32>
    %add3A_790 = arith.addf %add3A_783, %mul3A_789 : vector<256x256xf32>
    %mul3A_791 = vector.broadcast %slice3A_787 : vector<1x256xf32> to vector<256x256xf32>
    %mul3A_792 = arith.mulf %mul3A_791, %add3A_688 : vector<256x256xf32>
    %add3A_793 = arith.addf %add3A_786, %mul3A_792 : vector<256x256xf32>
    %slice3A_794 = vector.extract_strided_slice %dot_general3A_666 {offsets = [53, 0], sizes = [1, 256], strides = [1, 1]} : vector<128x256xf32> to vector<1x256xf32>
    %mul3A_795 = vector.broadcast %slice3A_794 : vector<1x256xf32> to vector<256x256xf32>
    %mul3A_796 = arith.mulf %mul3A_795, %sub3A_691 : vector<256x256xf32>
    %add3A_797 = arith.addf %add3A_790, %mul3A_796 : vector<256x256xf32>
    %mul3A_798 = vector.broadcast %slice3A_794 : vector<1x256xf32> to vector<256x256xf32>
    %mul3A_799 = arith.mulf %mul3A_798, %add3A_694 : vector<256x256xf32>
    %add3A_800 = arith.addf %add3A_793, %mul3A_799 : vector<256x256xf32>
    %slice3A_801 = vector.extract_strided_slice %dot_general3A_666 {offsets = [54, 0], sizes = [1, 256], strides = [1, 1]} : vector<128x256xf32> to vector<1x256xf32>
    %mul3A_802 = vector.broadcast %slice3A_801 : vector<1x256xf32> to vector<256x256xf32>
    %mul3A_803 = arith.mulf %mul3A_802, %sub3A_697 : vector<256x256xf32>
    %add3A_804 = arith.addf %add3A_797, %mul3A_803 : vector<256x256xf32>
    %mul3A_805 = vector.broadcast %slice3A_801 : vector<1x256xf32> to vector<256x256xf32>
    %mul3A_806 = arith.mulf %mul3A_805, %add3A_700 : vector<256x256xf32>
    %add3A_807 = arith.addf %add3A_800, %mul3A_806 : vector<256x256xf32>
    %slice3A_808 = vector.extract_strided_slice %dot_general3A_666 {offsets = [55, 0], sizes = [1, 256], strides = [1, 1]} : vector<128x256xf32> to vector<1x256xf32>
    %mul3A_809 = vector.broadcast %slice3A_808 : vector<1x256xf32> to vector<256x256xf32>
    %mul3A_810 = arith.mulf %mul3A_809, %sub3A_703 : vector<256x256xf32>
    %add3A_811 = arith.addf %add3A_804, %mul3A_810 : vector<256x256xf32>
    %mul3A_812 = vector.broadcast %slice3A_808 : vector<1x256xf32> to vector<256x256xf32>
    %mul3A_813 = arith.mulf %mul3A_812, %add3A_706 : vector<256x256xf32>
    %add3A_814 = arith.addf %add3A_807, %mul3A_813 : vector<256x256xf32>
    %mul3A_815 = arith.mulf %add3A_760, %sub3A_709 : vector<256x256xf32>
    %mul3A_816 = arith.mulf %add3A_763, %add3A_712 : vector<256x256xf32>
    %sub3A_817 = arith.subf %mul3A_815, %mul3A_816 : vector<256x256xf32>
    %add3A_818 = arith.addf %sub3A_817, %add3A_811 : vector<256x256xf32>
    %mul3A_819 = arith.mulf %add3A_760, %add3A_712 : vector<256x256xf32>
    %mul3A_820 = arith.mulf %add3A_763, %sub3A_709 : vector<256x256xf32>
    %add3A_821 = arith.addf %mul3A_819, %mul3A_820 : vector<256x256xf32>
    %add3A_822 = arith.addf %add3A_821, %add3A_814 : vector<256x256xf32>
    %slice3A_823 = vector.extract_strided_slice %dot_general3A_666 {offsets = [40, 0], sizes = [1, 256], strides = [1, 1]} : vector<128x256xf32> to vector<1x256xf32>
    %slice3A_824 = vector.extract_strided_slice %dot_general3A_666 {offsets = [41, 0], sizes = [1, 256], strides = [1, 1]} : vector<128x256xf32> to vector<1x256xf32>
    %mul3A_825 = vector.broadcast %slice3A_824 : vector<1x256xf32> to vector<256x256xf32>
    %mul3A_826 = arith.mulf %mul3A_825, %cos3A : vector<256x256xf32>
    %add3A_827 = vector.broadcast %slice3A_823 : vector<1x256xf32> to vector<256x256xf32>
    %add3A_828 = arith.addf %add3A_827, %mul3A_826 : vector<256x256xf32>
    %slice3A_829 = vector.extract_strided_slice %dot_general3A_666 {offsets = [41, 0], sizes = [1, 256], strides = [1, 1]} : vector<128x256xf32> to vector<1x256xf32>
    %mul3A_830 = vector.broadcast %slice3A_829 : vector<1x256xf32> to vector<256x256xf32>
    %mul3A_831 = arith.mulf %mul3A_830, %sin3A_671 : vector<256x256xf32>
    %slice3A_832 = vector.extract_strided_slice %dot_general3A_666 {offsets = [42, 0], sizes = [1, 256], strides = [1, 1]} : vector<128x256xf32> to vector<1x256xf32>
    %mul3A_833 = vector.broadcast %slice3A_832 : vector<1x256xf32> to vector<256x256xf32>
    %mul3A_834 = arith.mulf %mul3A_833, %sub3A : vector<256x256xf32>
    %add3A_835 = arith.addf %add3A_828, %mul3A_834 : vector<256x256xf32>
    %mul3A_836 = vector.broadcast %slice3A_832 : vector<1x256xf32> to vector<256x256xf32>
    %mul3A_837 = arith.mulf %mul3A_836, %add3A_676 : vector<256x256xf32>
    %add3A_838 = arith.addf %mul3A_831, %mul3A_837 : vector<256x256xf32>
    %slice3A_839 = vector.extract_strided_slice %dot_general3A_666 {offsets = [43, 0], sizes = [1, 256], strides = [1, 1]} : vector<128x256xf32> to vector<1x256xf32>
    %mul3A_840 = vector.broadcast %slice3A_839 : vector<1x256xf32> to vector<256x256xf32>
    %mul3A_841 = arith.mulf %mul3A_840, %sub3A_679 : vector<256x256xf32>
    %add3A_842 = arith.addf %add3A_835, %mul3A_841 : vector<256x256xf32>
    %mul3A_843 = vector.broadcast %slice3A_839 : vector<1x256xf32> to vector<256x256xf32>
    %mul3A_844 = arith.mulf %mul3A_843, %add3A_682 : vector<256x256xf32>
    %add3A_845 = arith.addf %add3A_838, %mul3A_844 : vector<256x256xf32>
    %slice3A_846 = vector.extract_strided_slice %dot_general3A_666 {offsets = [44, 0], sizes = [1, 256], strides = [1, 1]} : vector<128x256xf32> to vector<1x256xf32>
    %mul3A_847 = vector.broadcast %slice3A_846 : vector<1x256xf32> to vector<256x256xf32>
    %mul3A_848 = arith.mulf %mul3A_847, %sub3A_685 : vector<256x256xf32>
    %add3A_849 = arith.addf %add3A_842, %mul3A_848 : vector<256x256xf32>
    %mul3A_850 = vector.broadcast %slice3A_846 : vector<1x256xf32> to vector<256x256xf32>
    %mul3A_851 = arith.mulf %mul3A_850, %add3A_688 : vector<256x256xf32>
    %add3A_852 = arith.addf %add3A_845, %mul3A_851 : vector<256x256xf32>
    %slice3A_853 = vector.extract_strided_slice %dot_general3A_666 {offsets = [45, 0], sizes = [1, 256], strides = [1, 1]} : vector<128x256xf32> to vector<1x256xf32>
    %mul3A_854 = vector.broadcast %slice3A_853 : vector<1x256xf32> to vector<256x256xf32>
    %mul3A_855 = arith.mulf %mul3A_854, %sub3A_691 : vector<256x256xf32>
    %add3A_856 = arith.addf %add3A_849, %mul3A_855 : vector<256x256xf32>
    %mul3A_857 = vector.broadcast %slice3A_853 : vector<1x256xf32> to vector<256x256xf32>
    %mul3A_858 = arith.mulf %mul3A_857, %add3A_694 : vector<256x256xf32>
    %add3A_859 = arith.addf %add3A_852, %mul3A_858 : vector<256x256xf32>
    %slice3A_860 = vector.extract_strided_slice %dot_general3A_666 {offsets = [46, 0], sizes = [1, 256], strides = [1, 1]} : vector<128x256xf32> to vector<1x256xf32>
    %mul3A_861 = vector.broadcast %slice3A_860 : vector<1x256xf32> to vector<256x256xf32>
    %mul3A_862 = arith.mulf %mul3A_861, %sub3A_697 : vector<256x256xf32>
    %add3A_863 = arith.addf %add3A_856, %mul3A_862 : vector<256x256xf32>
    %mul3A_864 = vector.broadcast %slice3A_860 : vector<1x256xf32> to vector<256x256xf32>
    %mul3A_865 = arith.mulf %mul3A_864, %add3A_700 : vector<256x256xf32>
    %add3A_866 = arith.addf %add3A_859, %mul3A_865 : vector<256x256xf32>
    %slice3A_867 = vector.extract_strided_slice %dot_general3A_666 {offsets = [47, 0], sizes = [1, 256], strides = [1, 1]} : vector<128x256xf32> to vector<1x256xf32>
    %mul3A_868 = vector.broadcast %slice3A_867 : vector<1x256xf32> to vector<256x256xf32>
    %mul3A_869 = arith.mulf %mul3A_868, %sub3A_703 : vector<256x256xf32>
    %add3A_870 = arith.addf %add3A_863, %mul3A_869 : vector<256x256xf32>
    %mul3A_871 = vector.broadcast %slice3A_867 : vector<1x256xf32> to vector<256x256xf32>
    %mul3A_872 = arith.mulf %mul3A_871, %add3A_706 : vector<256x256xf32>
    %add3A_873 = arith.addf %add3A_866, %mul3A_872 : vector<256x256xf32>
    %mul3A_874 = arith.mulf %add3A_818, %sub3A_709 : vector<256x256xf32>
    %mul3A_875 = arith.mulf %add3A_822, %add3A_712 : vector<256x256xf32>
    %sub3A_876 = arith.subf %mul3A_874, %mul3A_875 : vector<256x256xf32>
    %add3A_877 = arith.addf %sub3A_876, %add3A_870 : vector<256x256xf32>
    %mul3A_878 = arith.mulf %add3A_818, %add3A_712 : vector<256x256xf32>
    %mul3A_879 = arith.mulf %add3A_822, %sub3A_709 : vector<256x256xf32>
    %add3A_880 = arith.addf %mul3A_878, %mul3A_879 : vector<256x256xf32>
    %add3A_881 = arith.addf %add3A_880, %add3A_873 : vector<256x256xf32>
    %slice3A_882 = vector.extract_strided_slice %dot_general3A_666 {offsets = [32, 0], sizes = [1, 256], strides = [1, 1]} : vector<128x256xf32> to vector<1x256xf32>
    %slice3A_883 = vector.extract_strided_slice %dot_general3A_666 {offsets = [33, 0], sizes = [1, 256], strides = [1, 1]} : vector<128x256xf32> to vector<1x256xf32>
    %mul3A_884 = vector.broadcast %slice3A_883 : vector<1x256xf32> to vector<256x256xf32>
    %mul3A_885 = arith.mulf %mul3A_884, %cos3A : vector<256x256xf32>
    %add3A_886 = vector.broadcast %slice3A_882 : vector<1x256xf32> to vector<256x256xf32>
    %add3A_887 = arith.addf %add3A_886, %mul3A_885 : vector<256x256xf32>
    %slice3A_888 = vector.extract_strided_slice %dot_general3A_666 {offsets = [33, 0], sizes = [1, 256], strides = [1, 1]} : vector<128x256xf32> to vector<1x256xf32>
    %mul3A_889 = vector.broadcast %slice3A_888 : vector<1x256xf32> to vector<256x256xf32>
    %mul3A_890 = arith.mulf %mul3A_889, %sin3A_671 : vector<256x256xf32>
    %slice3A_891 = vector.extract_strided_slice %dot_general3A_666 {offsets = [34, 0], sizes = [1, 256], strides = [1, 1]} : vector<128x256xf32> to vector<1x256xf32>
    %mul3A_892 = vector.broadcast %slice3A_891 : vector<1x256xf32> to vector<256x256xf32>
    %mul3A_893 = arith.mulf %mul3A_892, %sub3A : vector<256x256xf32>
    %add3A_894 = arith.addf %add3A_887, %mul3A_893 : vector<256x256xf32>
    %mul3A_895 = vector.broadcast %slice3A_891 : vector<1x256xf32> to vector<256x256xf32>
    %mul3A_896 = arith.mulf %mul3A_895, %add3A_676 : vector<256x256xf32>
    %add3A_897 = arith.addf %mul3A_890, %mul3A_896 : vector<256x256xf32>
    %slice3A_898 = vector.extract_strided_slice %dot_general3A_666 {offsets = [35, 0], sizes = [1, 256], strides = [1, 1]} : vector<128x256xf32> to vector<1x256xf32>
    %mul3A_899 = vector.broadcast %slice3A_898 : vector<1x256xf32> to vector<256x256xf32>
    %mul3A_900 = arith.mulf %mul3A_899, %sub3A_679 : vector<256x256xf32>
    %add3A_901 = arith.addf %add3A_894, %mul3A_900 : vector<256x256xf32>
    %mul3A_902 = vector.broadcast %slice3A_898 : vector<1x256xf32> to vector<256x256xf32>
    %mul3A_903 = arith.mulf %mul3A_902, %add3A_682 : vector<256x256xf32>
    %add3A_904 = arith.addf %add3A_897, %mul3A_903 : vector<256x256xf32>
    %slice3A_905 = vector.extract_strided_slice %dot_general3A_666 {offsets = [36, 0], sizes = [1, 256], strides = [1, 1]} : vector<128x256xf32> to vector<1x256xf32>
    %mul3A_906 = vector.broadcast %slice3A_905 : vector<1x256xf32> to vector<256x256xf32>
    %mul3A_907 = arith.mulf %mul3A_906, %sub3A_685 : vector<256x256xf32>
    %add3A_908 = arith.addf %add3A_901, %mul3A_907 : vector<256x256xf32>
    %mul3A_909 = vector.broadcast %slice3A_905 : vector<1x256xf32> to vector<256x256xf32>
    %mul3A_910 = arith.mulf %mul3A_909, %add3A_688 : vector<256x256xf32>
    %add3A_911 = arith.addf %add3A_904, %mul3A_910 : vector<256x256xf32>
    %slice3A_912 = vector.extract_strided_slice %dot_general3A_666 {offsets = [37, 0], sizes = [1, 256], strides = [1, 1]} : vector<128x256xf32> to vector<1x256xf32>
    %mul3A_913 = vector.broadcast %slice3A_912 : vector<1x256xf32> to vector<256x256xf32>
    %mul3A_914 = arith.mulf %mul3A_913, %sub3A_691 : vector<256x256xf32>
    %add3A_915 = arith.addf %add3A_908, %mul3A_914 : vector<256x256xf32>
    %mul3A_916 = vector.broadcast %slice3A_912 : vector<1x256xf32> to vector<256x256xf32>
    %mul3A_917 = arith.mulf %mul3A_916, %add3A_694 : vector<256x256xf32>
    %add3A_918 = arith.addf %add3A_911, %mul3A_917 : vector<256x256xf32>
    %slice3A_919 = vector.extract_strided_slice %dot_general3A_666 {offsets = [38, 0], sizes = [1, 256], strides = [1, 1]} : vector<128x256xf32> to vector<1x256xf32>
    %mul3A_920 = vector.broadcast %slice3A_919 : vector<1x256xf32> to vector<256x256xf32>
    %mul3A_921 = arith.mulf %mul3A_920, %sub3A_697 : vector<256x256xf32>
    %add3A_922 = arith.addf %add3A_915, %mul3A_921 : vector<256x256xf32>
    %mul3A_923 = vector.broadcast %slice3A_919 : vector<1x256xf32> to vector<256x256xf32>
    %mul3A_924 = arith.mulf %mul3A_923, %add3A_700 : vector<256x256xf32>
    %add3A_925 = arith.addf %add3A_918, %mul3A_924 : vector<256x256xf32>
    %slice3A_926 = vector.extract_strided_slice %dot_general3A_666 {offsets = [39, 0], sizes = [1, 256], strides = [1, 1]} : vector<128x256xf32> to vector<1x256xf32>
    %mul3A_927 = vector.broadcast %slice3A_926 : vector<1x256xf32> to vector<256x256xf32>
    %mul3A_928 = arith.mulf %mul3A_927, %sub3A_703 : vector<256x256xf32>
    %add3A_929 = arith.addf %add3A_922, %mul3A_928 : vector<256x256xf32>
    %mul3A_930 = vector.broadcast %slice3A_926 : vector<1x256xf32> to vector<256x256xf32>
    %mul3A_931 = arith.mulf %mul3A_930, %add3A_706 : vector<256x256xf32>
    %add3A_932 = arith.addf %add3A_925, %mul3A_931 : vector<256x256xf32>
    %mul3A_933 = arith.mulf %add3A_877, %sub3A_709 : vector<256x256xf32>
    %mul3A_934 = arith.mulf %add3A_881, %add3A_712 : vector<256x256xf32>
    %sub3A_935 = arith.subf %mul3A_933, %mul3A_934 : vector<256x256xf32>
    %add3A_936 = arith.addf %sub3A_935, %add3A_929 : vector<256x256xf32>
    %mul3A_937 = arith.mulf %add3A_877, %add3A_712 : vector<256x256xf32>
    %mul3A_938 = arith.mulf %add3A_881, %sub3A_709 : vector<256x256xf32>
    %add3A_939 = arith.addf %mul3A_937, %mul3A_938 : vector<256x256xf32>
    %add3A_940 = arith.addf %add3A_939, %add3A_932 : vector<256x256xf32>
    %slice3A_941 = vector.extract_strided_slice %dot_general3A_666 {offsets = [24, 0], sizes = [1, 256], strides = [1, 1]} : vector<128x256xf32> to vector<1x256xf32>
    %slice3A_942 = vector.extract_strided_slice %dot_general3A_666 {offsets = [25, 0], sizes = [1, 256], strides = [1, 1]} : vector<128x256xf32> to vector<1x256xf32>
    %mul3A_943 = vector.broadcast %slice3A_942 : vector<1x256xf32> to vector<256x256xf32>
    %mul3A_944 = arith.mulf %mul3A_943, %cos3A : vector<256x256xf32>
    %add3A_945 = vector.broadcast %slice3A_941 : vector<1x256xf32> to vector<256x256xf32>
    %add3A_946 = arith.addf %add3A_945, %mul3A_944 : vector<256x256xf32>
    %slice3A_947 = vector.extract_strided_slice %dot_general3A_666 {offsets = [25, 0], sizes = [1, 256], strides = [1, 1]} : vector<128x256xf32> to vector<1x256xf32>
    %mul3A_948 = vector.broadcast %slice3A_947 : vector<1x256xf32> to vector<256x256xf32>
    %mul3A_949 = arith.mulf %mul3A_948, %sin3A_671 : vector<256x256xf32>
    %slice3A_950 = vector.extract_strided_slice %dot_general3A_666 {offsets = [26, 0], sizes = [1, 256], strides = [1, 1]} : vector<128x256xf32> to vector<1x256xf32>
    %mul3A_951 = vector.broadcast %slice3A_950 : vector<1x256xf32> to vector<256x256xf32>
    %mul3A_952 = arith.mulf %mul3A_951, %sub3A : vector<256x256xf32>
    %add3A_953 = arith.addf %add3A_946, %mul3A_952 : vector<256x256xf32>
    %mul3A_954 = vector.broadcast %slice3A_950 : vector<1x256xf32> to vector<256x256xf32>
    %mul3A_955 = arith.mulf %mul3A_954, %add3A_676 : vector<256x256xf32>
    %add3A_956 = arith.addf %mul3A_949, %mul3A_955 : vector<256x256xf32>
    %slice3A_957 = vector.extract_strided_slice %dot_general3A_666 {offsets = [27, 0], sizes = [1, 256], strides = [1, 1]} : vector<128x256xf32> to vector<1x256xf32>
    %mul3A_958 = vector.broadcast %slice3A_957 : vector<1x256xf32> to vector<256x256xf32>
    %mul3A_959 = arith.mulf %mul3A_958, %sub3A_679 : vector<256x256xf32>
    %add3A_960 = arith.addf %add3A_953, %mul3A_959 : vector<256x256xf32>
    %mul3A_961 = vector.broadcast %slice3A_957 : vector<1x256xf32> to vector<256x256xf32>
    %mul3A_962 = arith.mulf %mul3A_961, %add3A_682 : vector<256x256xf32>
    %add3A_963 = arith.addf %add3A_956, %mul3A_962 : vector<256x256xf32>
    %slice3A_964 = vector.extract_strided_slice %dot_general3A_666 {offsets = [28, 0], sizes = [1, 256], strides = [1, 1]} : vector<128x256xf32> to vector<1x256xf32>
    %mul3A_965 = vector.broadcast %slice3A_964 : vector<1x256xf32> to vector<256x256xf32>
    %mul3A_966 = arith.mulf %mul3A_965, %sub3A_685 : vector<256x256xf32>
    %add3A_967 = arith.addf %add3A_960, %mul3A_966 : vector<256x256xf32>
    %mul3A_968 = vector.broadcast %slice3A_964 : vector<1x256xf32> to vector<256x256xf32>
    %mul3A_969 = arith.mulf %mul3A_968, %add3A_688 : vector<256x256xf32>
    %add3A_970 = arith.addf %add3A_963, %mul3A_969 : vector<256x256xf32>
    %slice3A_971 = vector.extract_strided_slice %dot_general3A_666 {offsets = [29, 0], sizes = [1, 256], strides = [1, 1]} : vector<128x256xf32> to vector<1x256xf32>
    %mul3A_972 = vector.broadcast %slice3A_971 : vector<1x256xf32> to vector<256x256xf32>
    %mul3A_973 = arith.mulf %mul3A_972, %sub3A_691 : vector<256x256xf32>
    %add3A_974 = arith.addf %add3A_967, %mul3A_973 : vector<256x256xf32>
    %mul3A_975 = vector.broadcast %slice3A_971 : vector<1x256xf32> to vector<256x256xf32>
    %mul3A_976 = arith.mulf %mul3A_975, %add3A_694 : vector<256x256xf32>
    %add3A_977 = arith.addf %add3A_970, %mul3A_976 : vector<256x256xf32>
    %slice3A_978 = vector.extract_strided_slice %dot_general3A_666 {offsets = [30, 0], sizes = [1, 256], strides = [1, 1]} : vector<128x256xf32> to vector<1x256xf32>
    %mul3A_979 = vector.broadcast %slice3A_978 : vector<1x256xf32> to vector<256x256xf32>
    %mul3A_980 = arith.mulf %mul3A_979, %sub3A_697 : vector<256x256xf32>
    %add3A_981 = arith.addf %add3A_974, %mul3A_980 : vector<256x256xf32>
    %mul3A_982 = vector.broadcast %slice3A_978 : vector<1x256xf32> to vector<256x256xf32>
    %mul3A_983 = arith.mulf %mul3A_982, %add3A_700 : vector<256x256xf32>
    %add3A_984 = arith.addf %add3A_977, %mul3A_983 : vector<256x256xf32>
    %slice3A_985 = vector.extract_strided_slice %dot_general3A_666 {offsets = [31, 0], sizes = [1, 256], strides = [1, 1]} : vector<128x256xf32> to vector<1x256xf32>
    %mul3A_986 = vector.broadcast %slice3A_985 : vector<1x256xf32> to vector<256x256xf32>
    %mul3A_987 = arith.mulf %mul3A_986, %sub3A_703 : vector<256x256xf32>
    %add3A_988 = arith.addf %add3A_981, %mul3A_987 : vector<256x256xf32>
    %mul3A_989 = vector.broadcast %slice3A_985 : vector<1x256xf32> to vector<256x256xf32>
    %mul3A_990 = arith.mulf %mul3A_989, %add3A_706 : vector<256x256xf32>
    %add3A_991 = arith.addf %add3A_984, %mul3A_990 : vector<256x256xf32>
    %mul3A_992 = arith.mulf %add3A_936, %sub3A_709 : vector<256x256xf32>
    %mul3A_993 = arith.mulf %add3A_940, %add3A_712 : vector<256x256xf32>
    %sub3A_994 = arith.subf %mul3A_992, %mul3A_993 : vector<256x256xf32>
    %add3A_995 = arith.addf %sub3A_994, %add3A_988 : vector<256x256xf32>
    %mul3A_996 = arith.mulf %add3A_936, %add3A_712 : vector<256x256xf32>
    %mul3A_997 = arith.mulf %add3A_940, %sub3A_709 : vector<256x256xf32>
    %add3A_998 = arith.addf %mul3A_996, %mul3A_997 : vector<256x256xf32>
    %add3A_999 = arith.addf %add3A_998, %add3A_991 : vector<256x256xf32>
    %slice3A_1000 = vector.extract_strided_slice %dot_general3A_666 {offsets = [16, 0], sizes = [1, 256], strides = [1, 1]} : vector<128x256xf32> to vector<1x256xf32>
    %slice3A_1001 = vector.extract_strided_slice %dot_general3A_666 {offsets = [17, 0], sizes = [1, 256], strides = [1, 1]} : vector<128x256xf32> to vector<1x256xf32>
    %mul3A_1002 = vector.broadcast %slice3A_1001 : vector<1x256xf32> to vector<256x256xf32>
    %mul3A_1003 = arith.mulf %mul3A_1002, %cos3A : vector<256x256xf32>
    %add3A_1004 = vector.broadcast %slice3A_1000 : vector<1x256xf32> to vector<256x256xf32>
    %add3A_1005 = arith.addf %add3A_1004, %mul3A_1003 : vector<256x256xf32>
    %slice3A_1006 = vector.extract_strided_slice %dot_general3A_666 {offsets = [17, 0], sizes = [1, 256], strides = [1, 1]} : vector<128x256xf32> to vector<1x256xf32>
    %mul3A_1007 = vector.broadcast %slice3A_1006 : vector<1x256xf32> to vector<256x256xf32>
    %mul3A_1008 = arith.mulf %mul3A_1007, %sin3A_671 : vector<256x256xf32>
    %slice3A_1009 = vector.extract_strided_slice %dot_general3A_666 {offsets = [18, 0], sizes = [1, 256], strides = [1, 1]} : vector<128x256xf32> to vector<1x256xf32>
    %mul3A_1010 = vector.broadcast %slice3A_1009 : vector<1x256xf32> to vector<256x256xf32>
    %mul3A_1011 = arith.mulf %mul3A_1010, %sub3A : vector<256x256xf32>
    %add3A_1012 = arith.addf %add3A_1005, %mul3A_1011 : vector<256x256xf32>
    %mul3A_1013 = vector.broadcast %slice3A_1009 : vector<1x256xf32> to vector<256x256xf32>
    %mul3A_1014 = arith.mulf %mul3A_1013, %add3A_676 : vector<256x256xf32>
    %add3A_1015 = arith.addf %mul3A_1008, %mul3A_1014 : vector<256x256xf32>
    %slice3A_1016 = vector.extract_strided_slice %dot_general3A_666 {offsets = [19, 0], sizes = [1, 256], strides = [1, 1]} : vector<128x256xf32> to vector<1x256xf32>
    %mul3A_1017 = vector.broadcast %slice3A_1016 : vector<1x256xf32> to vector<256x256xf32>
    %mul3A_1018 = arith.mulf %mul3A_1017, %sub3A_679 : vector<256x256xf32>
    %add3A_1019 = arith.addf %add3A_1012, %mul3A_1018 : vector<256x256xf32>
    %mul3A_1020 = vector.broadcast %slice3A_1016 : vector<1x256xf32> to vector<256x256xf32>
    %mul3A_1021 = arith.mulf %mul3A_1020, %add3A_682 : vector<256x256xf32>
    %add3A_1022 = arith.addf %add3A_1015, %mul3A_1021 : vector<256x256xf32>
    %slice3A_1023 = vector.extract_strided_slice %dot_general3A_666 {offsets = [20, 0], sizes = [1, 256], strides = [1, 1]} : vector<128x256xf32> to vector<1x256xf32>
    %mul3A_1024 = vector.broadcast %slice3A_1023 : vector<1x256xf32> to vector<256x256xf32>
    %mul3A_1025 = arith.mulf %mul3A_1024, %sub3A_685 : vector<256x256xf32>
    %add3A_1026 = arith.addf %add3A_1019, %mul3A_1025 : vector<256x256xf32>
    %mul3A_1027 = vector.broadcast %slice3A_1023 : vector<1x256xf32> to vector<256x256xf32>
    %mul3A_1028 = arith.mulf %mul3A_1027, %add3A_688 : vector<256x256xf32>
    %add3A_1029 = arith.addf %add3A_1022, %mul3A_1028 : vector<256x256xf32>
    %slice3A_1030 = vector.extract_strided_slice %dot_general3A_666 {offsets = [21, 0], sizes = [1, 256], strides = [1, 1]} : vector<128x256xf32> to vector<1x256xf32>
    %mul3A_1031 = vector.broadcast %slice3A_1030 : vector<1x256xf32> to vector<256x256xf32>
    %mul3A_1032 = arith.mulf %mul3A_1031, %sub3A_691 : vector<256x256xf32>
    %add3A_1033 = arith.addf %add3A_1026, %mul3A_1032 : vector<256x256xf32>
    %mul3A_1034 = vector.broadcast %slice3A_1030 : vector<1x256xf32> to vector<256x256xf32>
    %mul3A_1035 = arith.mulf %mul3A_1034, %add3A_694 : vector<256x256xf32>
    %add3A_1036 = arith.addf %add3A_1029, %mul3A_1035 : vector<256x256xf32>
    %slice3A_1037 = vector.extract_strided_slice %dot_general3A_666 {offsets = [22, 0], sizes = [1, 256], strides = [1, 1]} : vector<128x256xf32> to vector<1x256xf32>
    %mul3A_1038 = vector.broadcast %slice3A_1037 : vector<1x256xf32> to vector<256x256xf32>
    %mul3A_1039 = arith.mulf %mul3A_1038, %sub3A_697 : vector<256x256xf32>
    %add3A_1040 = arith.addf %add3A_1033, %mul3A_1039 : vector<256x256xf32>
    %mul3A_1041 = vector.broadcast %slice3A_1037 : vector<1x256xf32> to vector<256x256xf32>
    %mul3A_1042 = arith.mulf %mul3A_1041, %add3A_700 : vector<256x256xf32>
    %add3A_1043 = arith.addf %add3A_1036, %mul3A_1042 : vector<256x256xf32>
    %slice3A_1044 = vector.extract_strided_slice %dot_general3A_666 {offsets = [23, 0], sizes = [1, 256], strides = [1, 1]} : vector<128x256xf32> to vector<1x256xf32>
    %mul3A_1045 = vector.broadcast %slice3A_1044 : vector<1x256xf32> to vector<256x256xf32>
    %mul3A_1046 = arith.mulf %mul3A_1045, %sub3A_703 : vector<256x256xf32>
    %add3A_1047 = arith.addf %add3A_1040, %mul3A_1046 : vector<256x256xf32>
    %mul3A_1048 = vector.broadcast %slice3A_1044 : vector<1x256xf32> to vector<256x256xf32>
    %mul3A_1049 = arith.mulf %mul3A_1048, %add3A_706 : vector<256x256xf32>
    %add3A_1050 = arith.addf %add3A_1043, %mul3A_1049 : vector<256x256xf32>
    %mul3A_1051 = arith.mulf %add3A_995, %sub3A_709 : vector<256x256xf32>
    %mul3A_1052 = arith.mulf %add3A_999, %add3A_712 : vector<256x256xf32>
    %sub3A_1053 = arith.subf %mul3A_1051, %mul3A_1052 : vector<256x256xf32>
    %add3A_1054 = arith.addf %sub3A_1053, %add3A_1047 : vector<256x256xf32>
    %mul3A_1055 = arith.mulf %add3A_995, %add3A_712 : vector<256x256xf32>
    %mul3A_1056 = arith.mulf %add3A_999, %sub3A_709 : vector<256x256xf32>
    %add3A_1057 = arith.addf %mul3A_1055, %mul3A_1056 : vector<256x256xf32>
    %add3A_1058 = arith.addf %add3A_1057, %add3A_1050 : vector<256x256xf32>
    %slice3A_1059 = vector.extract_strided_slice %dot_general3A_666 {offsets = [8, 0], sizes = [1, 256], strides = [1, 1]} : vector<128x256xf32> to vector<1x256xf32>
    %slice3A_1060 = vector.extract_strided_slice %dot_general3A_666 {offsets = [9, 0], sizes = [1, 256], strides = [1, 1]} : vector<128x256xf32> to vector<1x256xf32>
    %mul3A_1061 = vector.broadcast %slice3A_1060 : vector<1x256xf32> to vector<256x256xf32>
    %mul3A_1062 = arith.mulf %mul3A_1061, %cos3A : vector<256x256xf32>
    %add3A_1063 = vector.broadcast %slice3A_1059 : vector<1x256xf32> to vector<256x256xf32>
    %add3A_1064 = arith.addf %add3A_1063, %mul3A_1062 : vector<256x256xf32>
    %slice3A_1065 = vector.extract_strided_slice %dot_general3A_666 {offsets = [9, 0], sizes = [1, 256], strides = [1, 1]} : vector<128x256xf32> to vector<1x256xf32>
    %mul3A_1066 = vector.broadcast %slice3A_1065 : vector<1x256xf32> to vector<256x256xf32>
    %mul3A_1067 = arith.mulf %mul3A_1066, %sin3A_671 : vector<256x256xf32>
    %slice3A_1068 = vector.extract_strided_slice %dot_general3A_666 {offsets = [10, 0], sizes = [1, 256], strides = [1, 1]} : vector<128x256xf32> to vector<1x256xf32>
    %mul3A_1069 = vector.broadcast %slice3A_1068 : vector<1x256xf32> to vector<256x256xf32>
    %mul3A_1070 = arith.mulf %mul3A_1069, %sub3A : vector<256x256xf32>
    %add3A_1071 = arith.addf %add3A_1064, %mul3A_1070 : vector<256x256xf32>
    %mul3A_1072 = vector.broadcast %slice3A_1068 : vector<1x256xf32> to vector<256x256xf32>
    %mul3A_1073 = arith.mulf %mul3A_1072, %add3A_676 : vector<256x256xf32>
    %add3A_1074 = arith.addf %mul3A_1067, %mul3A_1073 : vector<256x256xf32>
    %slice3A_1075 = vector.extract_strided_slice %dot_general3A_666 {offsets = [11, 0], sizes = [1, 256], strides = [1, 1]} : vector<128x256xf32> to vector<1x256xf32>
    %mul3A_1076 = vector.broadcast %slice3A_1075 : vector<1x256xf32> to vector<256x256xf32>
    %mul3A_1077 = arith.mulf %mul3A_1076, %sub3A_679 : vector<256x256xf32>
    %add3A_1078 = arith.addf %add3A_1071, %mul3A_1077 : vector<256x256xf32>
    %mul3A_1079 = vector.broadcast %slice3A_1075 : vector<1x256xf32> to vector<256x256xf32>
    %mul3A_1080 = arith.mulf %mul3A_1079, %add3A_682 : vector<256x256xf32>
    %add3A_1081 = arith.addf %add3A_1074, %mul3A_1080 : vector<256x256xf32>
    %slice3A_1082 = vector.extract_strided_slice %dot_general3A_666 {offsets = [12, 0], sizes = [1, 256], strides = [1, 1]} : vector<128x256xf32> to vector<1x256xf32>
    %mul3A_1083 = vector.broadcast %slice3A_1082 : vector<1x256xf32> to vector<256x256xf32>
    %mul3A_1084 = arith.mulf %mul3A_1083, %sub3A_685 : vector<256x256xf32>
    %add3A_1085 = arith.addf %add3A_1078, %mul3A_1084 : vector<256x256xf32>
    %mul3A_1086 = vector.broadcast %slice3A_1082 : vector<1x256xf32> to vector<256x256xf32>
    %mul3A_1087 = arith.mulf %mul3A_1086, %add3A_688 : vector<256x256xf32>
    %add3A_1088 = arith.addf %add3A_1081, %mul3A_1087 : vector<256x256xf32>
    %slice3A_1089 = vector.extract_strided_slice %dot_general3A_666 {offsets = [13, 0], sizes = [1, 256], strides = [1, 1]} : vector<128x256xf32> to vector<1x256xf32>
    %mul3A_1090 = vector.broadcast %slice3A_1089 : vector<1x256xf32> to vector<256x256xf32>
    %mul3A_1091 = arith.mulf %mul3A_1090, %sub3A_691 : vector<256x256xf32>
    %add3A_1092 = arith.addf %add3A_1085, %mul3A_1091 : vector<256x256xf32>
    %mul3A_1093 = vector.broadcast %slice3A_1089 : vector<1x256xf32> to vector<256x256xf32>
    %mul3A_1094 = arith.mulf %mul3A_1093, %add3A_694 : vector<256x256xf32>
    %add3A_1095 = arith.addf %add3A_1088, %mul3A_1094 : vector<256x256xf32>
    %slice3A_1096 = vector.extract_strided_slice %dot_general3A_666 {offsets = [14, 0], sizes = [1, 256], strides = [1, 1]} : vector<128x256xf32> to vector<1x256xf32>
    %mul3A_1097 = vector.broadcast %slice3A_1096 : vector<1x256xf32> to vector<256x256xf32>
    %mul3A_1098 = arith.mulf %mul3A_1097, %sub3A_697 : vector<256x256xf32>
    %add3A_1099 = arith.addf %add3A_1092, %mul3A_1098 : vector<256x256xf32>
    %mul3A_1100 = vector.broadcast %slice3A_1096 : vector<1x256xf32> to vector<256x256xf32>
    %mul3A_1101 = arith.mulf %mul3A_1100, %add3A_700 : vector<256x256xf32>
    %add3A_1102 = arith.addf %add3A_1095, %mul3A_1101 : vector<256x256xf32>
    %slice3A_1103 = vector.extract_strided_slice %dot_general3A_666 {offsets = [15, 0], sizes = [1, 256], strides = [1, 1]} : vector<128x256xf32> to vector<1x256xf32>
    %mul3A_1104 = vector.broadcast %slice3A_1103 : vector<1x256xf32> to vector<256x256xf32>
    %mul3A_1105 = arith.mulf %mul3A_1104, %sub3A_703 : vector<256x256xf32>
    %add3A_1106 = arith.addf %add3A_1099, %mul3A_1105 : vector<256x256xf32>
    %mul3A_1107 = vector.broadcast %slice3A_1103 : vector<1x256xf32> to vector<256x256xf32>
    %mul3A_1108 = arith.mulf %mul3A_1107, %add3A_706 : vector<256x256xf32>
    %add3A_1109 = arith.addf %add3A_1102, %mul3A_1108 : vector<256x256xf32>
    %mul3A_1110 = arith.mulf %add3A_1054, %sub3A_709 : vector<256x256xf32>
    %mul3A_1111 = arith.mulf %add3A_1058, %add3A_712 : vector<256x256xf32>
    %sub3A_1112 = arith.subf %mul3A_1110, %mul3A_1111 : vector<256x256xf32>
    %add3A_1113 = arith.addf %sub3A_1112, %add3A_1106 : vector<256x256xf32>
    %mul3A_1114 = arith.mulf %add3A_1054, %add3A_712 : vector<256x256xf32>
    %mul3A_1115 = arith.mulf %add3A_1058, %sub3A_709 : vector<256x256xf32>
    %add3A_1116 = arith.addf %mul3A_1114, %mul3A_1115 : vector<256x256xf32>
    %add3A_1117 = arith.addf %add3A_1116, %add3A_1109 : vector<256x256xf32>
    %slice3A_1118 = vector.extract_strided_slice %dot_general3A_666 {offsets = [0, 0], sizes = [1, 256], strides = [1, 1]} : vector<128x256xf32> to vector<1x256xf32>
    %slice3A_1119 = vector.extract_strided_slice %dot_general3A_666 {offsets = [1, 0], sizes = [1, 256], strides = [1, 1]} : vector<128x256xf32> to vector<1x256xf32>
    %mul3A_1120 = vector.broadcast %slice3A_1119 : vector<1x256xf32> to vector<256x256xf32>
    %mul3A_1121 = arith.mulf %mul3A_1120, %cos3A : vector<256x256xf32>
    %add3A_1122 = vector.broadcast %slice3A_1118 : vector<1x256xf32> to vector<256x256xf32>
    %add3A_1123 = arith.addf %add3A_1122, %mul3A_1121 : vector<256x256xf32>
    %slice3A_1124 = vector.extract_strided_slice %dot_general3A_666 {offsets = [1, 0], sizes = [1, 256], strides = [1, 1]} : vector<128x256xf32> to vector<1x256xf32>
    %mul3A_1125 = vector.broadcast %slice3A_1124 : vector<1x256xf32> to vector<256x256xf32>
    %mul3A_1126 = arith.mulf %mul3A_1125, %sin3A_671 : vector<256x256xf32>
    %slice3A_1127 = vector.extract_strided_slice %dot_general3A_666 {offsets = [2, 0], sizes = [1, 256], strides = [1, 1]} : vector<128x256xf32> to vector<1x256xf32>
    %mul3A_1128 = vector.broadcast %slice3A_1127 : vector<1x256xf32> to vector<256x256xf32>
    %mul3A_1129 = arith.mulf %mul3A_1128, %sub3A : vector<256x256xf32>
    %add3A_1130 = arith.addf %add3A_1123, %mul3A_1129 : vector<256x256xf32>
    %mul3A_1131 = vector.broadcast %slice3A_1127 : vector<1x256xf32> to vector<256x256xf32>
    %mul3A_1132 = arith.mulf %mul3A_1131, %add3A_676 : vector<256x256xf32>
    %add3A_1133 = arith.addf %mul3A_1126, %mul3A_1132 : vector<256x256xf32>
    %slice3A_1134 = vector.extract_strided_slice %dot_general3A_666 {offsets = [3, 0], sizes = [1, 256], strides = [1, 1]} : vector<128x256xf32> to vector<1x256xf32>
    %mul3A_1135 = vector.broadcast %slice3A_1134 : vector<1x256xf32> to vector<256x256xf32>
    %mul3A_1136 = arith.mulf %mul3A_1135, %sub3A_679 : vector<256x256xf32>
    %add3A_1137 = arith.addf %add3A_1130, %mul3A_1136 : vector<256x256xf32>
    %mul3A_1138 = vector.broadcast %slice3A_1134 : vector<1x256xf32> to vector<256x256xf32>
    %mul3A_1139 = arith.mulf %mul3A_1138, %add3A_682 : vector<256x256xf32>
    %add3A_1140 = arith.addf %add3A_1133, %mul3A_1139 : vector<256x256xf32>
    %slice3A_1141 = vector.extract_strided_slice %dot_general3A_666 {offsets = [4, 0], sizes = [1, 256], strides = [1, 1]} : vector<128x256xf32> to vector<1x256xf32>
    %mul3A_1142 = vector.broadcast %slice3A_1141 : vector<1x256xf32> to vector<256x256xf32>
    %mul3A_1143 = arith.mulf %mul3A_1142, %sub3A_685 : vector<256x256xf32>
    %add3A_1144 = arith.addf %add3A_1137, %mul3A_1143 : vector<256x256xf32>
    %mul3A_1145 = vector.broadcast %slice3A_1141 : vector<1x256xf32> to vector<256x256xf32>
    %mul3A_1146 = arith.mulf %mul3A_1145, %add3A_688 : vector<256x256xf32>
    %add3A_1147 = arith.addf %add3A_1140, %mul3A_1146 : vector<256x256xf32>
    %slice3A_1148 = vector.extract_strided_slice %dot_general3A_666 {offsets = [5, 0], sizes = [1, 256], strides = [1, 1]} : vector<128x256xf32> to vector<1x256xf32>
    %mul3A_1149 = vector.broadcast %slice3A_1148 : vector<1x256xf32> to vector<256x256xf32>
    %mul3A_1150 = arith.mulf %mul3A_1149, %sub3A_691 : vector<256x256xf32>
    %add3A_1151 = arith.addf %add3A_1144, %mul3A_1150 : vector<256x256xf32>
    %mul3A_1152 = vector.broadcast %slice3A_1148 : vector<1x256xf32> to vector<256x256xf32>
    %mul3A_1153 = arith.mulf %mul3A_1152, %add3A_694 : vector<256x256xf32>
    %add3A_1154 = arith.addf %add3A_1147, %mul3A_1153 : vector<256x256xf32>
    %slice3A_1155 = vector.extract_strided_slice %dot_general3A_666 {offsets = [6, 0], sizes = [1, 256], strides = [1, 1]} : vector<128x256xf32> to vector<1x256xf32>
    %mul3A_1156 = vector.broadcast %slice3A_1155 : vector<1x256xf32> to vector<256x256xf32>
    %mul3A_1157 = arith.mulf %mul3A_1156, %sub3A_697 : vector<256x256xf32>
    %add3A_1158 = arith.addf %add3A_1151, %mul3A_1157 : vector<256x256xf32>
    %mul3A_1159 = vector.broadcast %slice3A_1155 : vector<1x256xf32> to vector<256x256xf32>
    %mul3A_1160 = arith.mulf %mul3A_1159, %add3A_700 : vector<256x256xf32>
    %add3A_1161 = arith.addf %add3A_1154, %mul3A_1160 : vector<256x256xf32>
    %slice3A_1162 = vector.extract_strided_slice %dot_general3A_666 {offsets = [7, 0], sizes = [1, 256], strides = [1, 1]} : vector<128x256xf32> to vector<1x256xf32>
    %mul3A_1163 = vector.broadcast %slice3A_1162 : vector<1x256xf32> to vector<256x256xf32>
    %mul3A_1164 = arith.mulf %mul3A_1163, %sub3A_703 : vector<256x256xf32>
    %add3A_1165 = arith.addf %add3A_1158, %mul3A_1164 : vector<256x256xf32>
    %mul3A_1166 = vector.broadcast %slice3A_1162 : vector<1x256xf32> to vector<256x256xf32>
    %mul3A_1167 = arith.mulf %mul3A_1166, %add3A_706 : vector<256x256xf32>
    %add3A_1168 = arith.addf %add3A_1161, %mul3A_1167 : vector<256x256xf32>
    %mul3A_1169 = arith.mulf %add3A_1113, %sub3A_709 : vector<256x256xf32>
    %mul3A_1170 = arith.mulf %add3A_1117, %add3A_712 : vector<256x256xf32>
    %sub3A_1171 = arith.subf %mul3A_1169, %mul3A_1170 : vector<256x256xf32>
    %add3A_1172 = arith.addf %sub3A_1171, %add3A_1165 : vector<256x256xf32>
    %mul3A_1173 = arith.mulf %add3A_1113, %add3A_712 : vector<256x256xf32>
    %mul3A_1174 = arith.mulf %add3A_1117, %sub3A_709 : vector<256x256xf32>
    %add3A_1175 = arith.addf %mul3A_1173, %mul3A_1174 : vector<256x256xf32>
    %add3A_1176 = arith.addf %add3A_1175, %add3A_1168 : vector<256x256xf32>
    %cos3A_1177 = math.cos %dot_general3A_670 : vector<256x256xf32>
    %mul3A_1178 = arith.mulf %add3A_1176, %cos3A_1177 : vector<256x256xf32>
    %sin3A_1179 = math.sin %dot_general3A_670 : vector<256x256xf32>
    %mul3A_1180 = arith.mulf %add3A_1172, %sin3A_1179 : vector<256x256xf32>
    %add3A_1181 = arith.addf %mul3A_1178, %mul3A_1180 : vector<256x256xf32>
    %dot_general3A_1182 = arith.constant dense<0.000000e+00> : vector<256x256xf32>
    %dot_general3A_1183 = tpu.matmul %max3A_294, %get3A_331, %dot_general3A_1182 {dimension_numbers = #tpu.dot_dimension_numbers<[0], [0], [1], [1], [0, 1, 1, 1], [], []>, transpose_lhs_hint = false} : vector<256x256xf32>, vector<256x256xf32>, vector<256x256xf32> -> vector<256x256xf32>
    %dot_general3A_1184 = arith.constant dense<0.000000e+00> : vector<256x256xf32>
    %dot_general3A_1185 = tpu.matmul %max3A_328, %get3A_331, %dot_general3A_1184 {dimension_numbers = #tpu.dot_dimension_numbers<[0], [0], [1], [1], [0, 1, 1, 1], [], []>, transpose_lhs_hint = false} : vector<256x256xf32>, vector<256x256xf32>, vector<256x256xf32> -> vector<256x256xf32>
    %cos3A_1186 = math.cos %dot_general3A_1183 : vector<256x256xf32>
    %sin3A_1187 = math.sin %dot_general3A_1183 : vector<256x256xf32>
    %mul3A_1188 = arith.mulf %cos3A_1186, %cos3A_1186 : vector<256x256xf32>
    %mul3A_1189 = arith.mulf %sin3A_1187, %sin3A_1187 : vector<256x256xf32>
    %sub3A_1190 = arith.subf %mul3A_1188, %mul3A_1189 : vector<256x256xf32>
    %mul3A_1191 = arith.mulf %cos3A_1186, %sin3A_1187 : vector<256x256xf32>
    %mul3A_1192 = arith.mulf %sin3A_1187, %cos3A_1186 : vector<256x256xf32>
    %add3A_1193 = arith.addf %mul3A_1191, %mul3A_1192 : vector<256x256xf32>
    %mul3A_1194 = arith.mulf %sub3A_1190, %cos3A_1186 : vector<256x256xf32>
    %mul3A_1195 = arith.mulf %add3A_1193, %sin3A_1187 : vector<256x256xf32>
    %sub3A_1196 = arith.subf %mul3A_1194, %mul3A_1195 : vector<256x256xf32>
    %mul3A_1197 = arith.mulf %sub3A_1190, %sin3A_1187 : vector<256x256xf32>
    %mul3A_1198 = arith.mulf %add3A_1193, %cos3A_1186 : vector<256x256xf32>
    %add3A_1199 = arith.addf %mul3A_1197, %mul3A_1198 : vector<256x256xf32>
    %mul3A_1200 = arith.mulf %sub3A_1196, %cos3A_1186 : vector<256x256xf32>
    %mul3A_1201 = arith.mulf %add3A_1199, %sin3A_1187 : vector<256x256xf32>
    %sub3A_1202 = arith.subf %mul3A_1200, %mul3A_1201 : vector<256x256xf32>
    %mul3A_1203 = arith.mulf %sub3A_1196, %sin3A_1187 : vector<256x256xf32>
    %mul3A_1204 = arith.mulf %add3A_1199, %cos3A_1186 : vector<256x256xf32>
    %add3A_1205 = arith.addf %mul3A_1203, %mul3A_1204 : vector<256x256xf32>
    %mul3A_1206 = arith.mulf %sub3A_1202, %cos3A_1186 : vector<256x256xf32>
    %mul3A_1207 = arith.mulf %add3A_1205, %sin3A_1187 : vector<256x256xf32>
    %sub3A_1208 = arith.subf %mul3A_1206, %mul3A_1207 : vector<256x256xf32>
    %mul3A_1209 = arith.mulf %sub3A_1202, %sin3A_1187 : vector<256x256xf32>
    %mul3A_1210 = arith.mulf %add3A_1205, %cos3A_1186 : vector<256x256xf32>
    %add3A_1211 = arith.addf %mul3A_1209, %mul3A_1210 : vector<256x256xf32>
    %mul3A_1212 = arith.mulf %sub3A_1208, %cos3A_1186 : vector<256x256xf32>
    %mul3A_1213 = arith.mulf %add3A_1211, %sin3A_1187 : vector<256x256xf32>
    %sub3A_1214 = arith.subf %mul3A_1212, %mul3A_1213 : vector<256x256xf32>
    %mul3A_1215 = arith.mulf %sub3A_1208, %sin3A_1187 : vector<256x256xf32>
    %mul3A_1216 = arith.mulf %add3A_1211, %cos3A_1186 : vector<256x256xf32>
    %add3A_1217 = arith.addf %mul3A_1215, %mul3A_1216 : vector<256x256xf32>
    %mul3A_1218 = arith.mulf %sub3A_1214, %cos3A_1186 : vector<256x256xf32>
    %mul3A_1219 = arith.mulf %add3A_1217, %sin3A_1187 : vector<256x256xf32>
    %sub3A_1220 = arith.subf %mul3A_1218, %mul3A_1219 : vector<256x256xf32>
    %mul3A_1221 = arith.mulf %sub3A_1214, %sin3A_1187 : vector<256x256xf32>
    %mul3A_1222 = arith.mulf %add3A_1217, %cos3A_1186 : vector<256x256xf32>
    %add3A_1223 = arith.addf %mul3A_1221, %mul3A_1222 : vector<256x256xf32>
    %mul3A_1224 = arith.mulf %sub3A_1220, %cos3A_1186 : vector<256x256xf32>
    %mul3A_1225 = arith.mulf %add3A_1223, %sin3A_1187 : vector<256x256xf32>
    %sub3A_1226 = arith.subf %mul3A_1224, %mul3A_1225 : vector<256x256xf32>
    %mul3A_1227 = arith.mulf %sub3A_1220, %sin3A_1187 : vector<256x256xf32>
    %mul3A_1228 = arith.mulf %add3A_1223, %cos3A_1186 : vector<256x256xf32>
    %add3A_1229 = arith.addf %mul3A_1227, %mul3A_1228 : vector<256x256xf32>
    %slice3A_1230 = vector.extract_strided_slice %dot_general3A_666 {offsets = [120, 0], sizes = [1, 256], strides = [1, 1]} : vector<128x256xf32> to vector<1x256xf32>
    %slice3A_1231 = vector.extract_strided_slice %dot_general3A_666 {offsets = [121, 0], sizes = [1, 256], strides = [1, 1]} : vector<128x256xf32> to vector<1x256xf32>
    %mul3A_1232 = vector.broadcast %slice3A_1231 : vector<1x256xf32> to vector<256x256xf32>
    %mul3A_1233 = arith.mulf %mul3A_1232, %cos3A_1186 : vector<256x256xf32>
    %add3A_1234 = vector.broadcast %slice3A_1230 : vector<1x256xf32> to vector<256x256xf32>
    %add3A_1235 = arith.addf %add3A_1234, %mul3A_1233 : vector<256x256xf32>
    %slice3A_1236 = vector.extract_strided_slice %dot_general3A_666 {offsets = [121, 0], sizes = [1, 256], strides = [1, 1]} : vector<128x256xf32> to vector<1x256xf32>
    %mul3A_1237 = vector.broadcast %slice3A_1236 : vector<1x256xf32> to vector<256x256xf32>
    %mul3A_1238 = arith.mulf %mul3A_1237, %sin3A_1187 : vector<256x256xf32>
    %slice3A_1239 = vector.extract_strided_slice %dot_general3A_666 {offsets = [122, 0], sizes = [1, 256], strides = [1, 1]} : vector<128x256xf32> to vector<1x256xf32>
    %mul3A_1240 = vector.broadcast %slice3A_1239 : vector<1x256xf32> to vector<256x256xf32>
    %mul3A_1241 = arith.mulf %mul3A_1240, %sub3A_1190 : vector<256x256xf32>
    %add3A_1242 = arith.addf %add3A_1235, %mul3A_1241 : vector<256x256xf32>
    %mul3A_1243 = vector.broadcast %slice3A_1239 : vector<1x256xf32> to vector<256x256xf32>
    %mul3A_1244 = arith.mulf %mul3A_1243, %add3A_1193 : vector<256x256xf32>
    %add3A_1245 = arith.addf %mul3A_1238, %mul3A_1244 : vector<256x256xf32>
    %slice3A_1246 = vector.extract_strided_slice %dot_general3A_666 {offsets = [123, 0], sizes = [1, 256], strides = [1, 1]} : vector<128x256xf32> to vector<1x256xf32>
    %mul3A_1247 = vector.broadcast %slice3A_1246 : vector<1x256xf32> to vector<256x256xf32>
    %mul3A_1248 = arith.mulf %mul3A_1247, %sub3A_1196 : vector<256x256xf32>
    %add3A_1249 = arith.addf %add3A_1242, %mul3A_1248 : vector<256x256xf32>
    %mul3A_1250 = vector.broadcast %slice3A_1246 : vector<1x256xf32> to vector<256x256xf32>
    %mul3A_1251 = arith.mulf %mul3A_1250, %add3A_1199 : vector<256x256xf32>
    %add3A_1252 = arith.addf %add3A_1245, %mul3A_1251 : vector<256x256xf32>
    %slice3A_1253 = vector.extract_strided_slice %dot_general3A_666 {offsets = [124, 0], sizes = [1, 256], strides = [1, 1]} : vector<128x256xf32> to vector<1x256xf32>
    %mul3A_1254 = vector.broadcast %slice3A_1253 : vector<1x256xf32> to vector<256x256xf32>
    %mul3A_1255 = arith.mulf %mul3A_1254, %sub3A_1202 : vector<256x256xf32>
    %add3A_1256 = arith.addf %add3A_1249, %mul3A_1255 : vector<256x256xf32>
    %mul3A_1257 = vector.broadcast %slice3A_1253 : vector<1x256xf32> to vector<256x256xf32>
    %mul3A_1258 = arith.mulf %mul3A_1257, %add3A_1205 : vector<256x256xf32>
    %add3A_1259 = arith.addf %add3A_1252, %mul3A_1258 : vector<256x256xf32>
    %slice3A_1260 = vector.extract_strided_slice %dot_general3A_666 {offsets = [125, 0], sizes = [1, 256], strides = [1, 1]} : vector<128x256xf32> to vector<1x256xf32>
    %mul3A_1261 = vector.broadcast %slice3A_1260 : vector<1x256xf32> to vector<256x256xf32>
    %mul3A_1262 = arith.mulf %mul3A_1261, %sub3A_1208 : vector<256x256xf32>
    %add3A_1263 = arith.addf %add3A_1256, %mul3A_1262 : vector<256x256xf32>
    %mul3A_1264 = vector.broadcast %slice3A_1260 : vector<1x256xf32> to vector<256x256xf32>
    %mul3A_1265 = arith.mulf %mul3A_1264, %add3A_1211 : vector<256x256xf32>
    %add3A_1266 = arith.addf %add3A_1259, %mul3A_1265 : vector<256x256xf32>
    %slice3A_1267 = vector.extract_strided_slice %dot_general3A_666 {offsets = [126, 0], sizes = [1, 256], strides = [1, 1]} : vector<128x256xf32> to vector<1x256xf32>
    %mul3A_1268 = vector.broadcast %slice3A_1267 : vector<1x256xf32> to vector<256x256xf32>
    %mul3A_1269 = arith.mulf %mul3A_1268, %sub3A_1214 : vector<256x256xf32>
    %add3A_1270 = arith.addf %add3A_1263, %mul3A_1269 : vector<256x256xf32>
    %mul3A_1271 = vector.broadcast %slice3A_1267 : vector<1x256xf32> to vector<256x256xf32>
    %mul3A_1272 = arith.mulf %mul3A_1271, %add3A_1217 : vector<256x256xf32>
    %add3A_1273 = arith.addf %add3A_1266, %mul3A_1272 : vector<256x256xf32>
    %slice3A_1274 = vector.extract_strided_slice %dot_general3A_666 {offsets = [127, 0], sizes = [1, 256], strides = [1, 1]} : vector<128x256xf32> to vector<1x256xf32>
    %mul3A_1275 = vector.broadcast %slice3A_1274 : vector<1x256xf32> to vector<256x256xf32>
    %mul3A_1276 = arith.mulf %mul3A_1275, %sub3A_1220 : vector<256x256xf32>
    %add3A_1277 = arith.addf %add3A_1270, %mul3A_1276 : vector<256x256xf32>
    %mul3A_1278 = vector.broadcast %slice3A_1274 : vector<1x256xf32> to vector<256x256xf32>
    %mul3A_1279 = arith.mulf %mul3A_1278, %add3A_1223 : vector<256x256xf32>
    %add3A_1280 = arith.addf %add3A_1273, %mul3A_1279 : vector<256x256xf32>
    %slice3A_1281 = vector.extract_strided_slice %dot_general3A_666 {offsets = [112, 0], sizes = [1, 256], strides = [1, 1]} : vector<128x256xf32> to vector<1x256xf32>
    %slice3A_1282 = vector.extract_strided_slice %dot_general3A_666 {offsets = [113, 0], sizes = [1, 256], strides = [1, 1]} : vector<128x256xf32> to vector<1x256xf32>
    %mul3A_1283 = vector.broadcast %slice3A_1282 : vector<1x256xf32> to vector<256x256xf32>
    %mul3A_1284 = arith.mulf %mul3A_1283, %cos3A_1186 : vector<256x256xf32>
    %add3A_1285 = vector.broadcast %slice3A_1281 : vector<1x256xf32> to vector<256x256xf32>
    %add3A_1286 = arith.addf %add3A_1285, %mul3A_1284 : vector<256x256xf32>
    %slice3A_1287 = vector.extract_strided_slice %dot_general3A_666 {offsets = [113, 0], sizes = [1, 256], strides = [1, 1]} : vector<128x256xf32> to vector<1x256xf32>
    %mul3A_1288 = vector.broadcast %slice3A_1287 : vector<1x256xf32> to vector<256x256xf32>
    %mul3A_1289 = arith.mulf %mul3A_1288, %sin3A_1187 : vector<256x256xf32>
    %slice3A_1290 = vector.extract_strided_slice %dot_general3A_666 {offsets = [114, 0], sizes = [1, 256], strides = [1, 1]} : vector<128x256xf32> to vector<1x256xf32>
    %mul3A_1291 = vector.broadcast %slice3A_1290 : vector<1x256xf32> to vector<256x256xf32>
    %mul3A_1292 = arith.mulf %mul3A_1291, %sub3A_1190 : vector<256x256xf32>
    %add3A_1293 = arith.addf %add3A_1286, %mul3A_1292 : vector<256x256xf32>
    %mul3A_1294 = vector.broadcast %slice3A_1290 : vector<1x256xf32> to vector<256x256xf32>
    %mul3A_1295 = arith.mulf %mul3A_1294, %add3A_1193 : vector<256x256xf32>
    %add3A_1296 = arith.addf %mul3A_1289, %mul3A_1295 : vector<256x256xf32>
    %slice3A_1297 = vector.extract_strided_slice %dot_general3A_666 {offsets = [115, 0], sizes = [1, 256], strides = [1, 1]} : vector<128x256xf32> to vector<1x256xf32>
    %mul3A_1298 = vector.broadcast %slice3A_1297 : vector<1x256xf32> to vector<256x256xf32>
    %mul3A_1299 = arith.mulf %mul3A_1298, %sub3A_1196 : vector<256x256xf32>
    %add3A_1300 = arith.addf %add3A_1293, %mul3A_1299 : vector<256x256xf32>
    %mul3A_1301 = vector.broadcast %slice3A_1297 : vector<1x256xf32> to vector<256x256xf32>
    %mul3A_1302 = arith.mulf %mul3A_1301, %add3A_1199 : vector<256x256xf32>
    %add3A_1303 = arith.addf %add3A_1296, %mul3A_1302 : vector<256x256xf32>
    %slice3A_1304 = vector.extract_strided_slice %dot_general3A_666 {offsets = [116, 0], sizes = [1, 256], strides = [1, 1]} : vector<128x256xf32> to vector<1x256xf32>
    %mul3A_1305 = vector.broadcast %slice3A_1304 : vector<1x256xf32> to vector<256x256xf32>
    %mul3A_1306 = arith.mulf %mul3A_1305, %sub3A_1202 : vector<256x256xf32>
    %add3A_1307 = arith.addf %add3A_1300, %mul3A_1306 : vector<256x256xf32>
    %mul3A_1308 = vector.broadcast %slice3A_1304 : vector<1x256xf32> to vector<256x256xf32>
    %mul3A_1309 = arith.mulf %mul3A_1308, %add3A_1205 : vector<256x256xf32>
    %add3A_1310 = arith.addf %add3A_1303, %mul3A_1309 : vector<256x256xf32>
    %slice3A_1311 = vector.extract_strided_slice %dot_general3A_666 {offsets = [117, 0], sizes = [1, 256], strides = [1, 1]} : vector<128x256xf32> to vector<1x256xf32>
    %mul3A_1312 = vector.broadcast %slice3A_1311 : vector<1x256xf32> to vector<256x256xf32>
    %mul3A_1313 = arith.mulf %mul3A_1312, %sub3A_1208 : vector<256x256xf32>
    %add3A_1314 = arith.addf %add3A_1307, %mul3A_1313 : vector<256x256xf32>
    %mul3A_1315 = vector.broadcast %slice3A_1311 : vector<1x256xf32> to vector<256x256xf32>
    %mul3A_1316 = arith.mulf %mul3A_1315, %add3A_1211 : vector<256x256xf32>
    %add3A_1317 = arith.addf %add3A_1310, %mul3A_1316 : vector<256x256xf32>
    %slice3A_1318 = vector.extract_strided_slice %dot_general3A_666 {offsets = [118, 0], sizes = [1, 256], strides = [1, 1]} : vector<128x256xf32> to vector<1x256xf32>
    %mul3A_1319 = vector.broadcast %slice3A_1318 : vector<1x256xf32> to vector<256x256xf32>
    %mul3A_1320 = arith.mulf %mul3A_1319, %sub3A_1214 : vector<256x256xf32>
    %add3A_1321 = arith.addf %add3A_1314, %mul3A_1320 : vector<256x256xf32>
    %mul3A_1322 = vector.broadcast %slice3A_1318 : vector<1x256xf32> to vector<256x256xf32>
    %mul3A_1323 = arith.mulf %mul3A_1322, %add3A_1217 : vector<256x256xf32>
    %add3A_1324 = arith.addf %add3A_1317, %mul3A_1323 : vector<256x256xf32>
    %slice3A_1325 = vector.extract_strided_slice %dot_general3A_666 {offsets = [119, 0], sizes = [1, 256], strides = [1, 1]} : vector<128x256xf32> to vector<1x256xf32>
    %mul3A_1326 = vector.broadcast %slice3A_1325 : vector<1x256xf32> to vector<256x256xf32>
    %mul3A_1327 = arith.mulf %mul3A_1326, %sub3A_1220 : vector<256x256xf32>
    %add3A_1328 = arith.addf %add3A_1321, %mul3A_1327 : vector<256x256xf32>
    %mul3A_1329 = vector.broadcast %slice3A_1325 : vector<1x256xf32> to vector<256x256xf32>
    %mul3A_1330 = arith.mulf %mul3A_1329, %add3A_1223 : vector<256x256xf32>
    %add3A_1331 = arith.addf %add3A_1324, %mul3A_1330 : vector<256x256xf32>
    %mul3A_1332 = arith.mulf %add3A_1277, %sub3A_1226 : vector<256x256xf32>
    %mul3A_1333 = arith.mulf %add3A_1280, %add3A_1229 : vector<256x256xf32>
    %sub3A_1334 = arith.subf %mul3A_1332, %mul3A_1333 : vector<256x256xf32>
    %add3A_1335 = arith.addf %sub3A_1334, %add3A_1328 : vector<256x256xf32>
    %mul3A_1336 = arith.mulf %add3A_1277, %add3A_1229 : vector<256x256xf32>
    %mul3A_1337 = arith.mulf %add3A_1280, %sub3A_1226 : vector<256x256xf32>
    %add3A_1338 = arith.addf %mul3A_1336, %mul3A_1337 : vector<256x256xf32>
    %add3A_1339 = arith.addf %add3A_1338, %add3A_1331 : vector<256x256xf32>
    %slice3A_1340 = vector.extract_strided_slice %dot_general3A_666 {offsets = [104, 0], sizes = [1, 256], strides = [1, 1]} : vector<128x256xf32> to vector<1x256xf32>
    %slice3A_1341 = vector.extract_strided_slice %dot_general3A_666 {offsets = [105, 0], sizes = [1, 256], strides = [1, 1]} : vector<128x256xf32> to vector<1x256xf32>
    %mul3A_1342 = vector.broadcast %slice3A_1341 : vector<1x256xf32> to vector<256x256xf32>
    %mul3A_1343 = arith.mulf %mul3A_1342, %cos3A_1186 : vector<256x256xf32>
    %add3A_1344 = vector.broadcast %slice3A_1340 : vector<1x256xf32> to vector<256x256xf32>
    %add3A_1345 = arith.addf %add3A_1344, %mul3A_1343 : vector<256x256xf32>
    %slice3A_1346 = vector.extract_strided_slice %dot_general3A_666 {offsets = [105, 0], sizes = [1, 256], strides = [1, 1]} : vector<128x256xf32> to vector<1x256xf32>
    %mul3A_1347 = vector.broadcast %slice3A_1346 : vector<1x256xf32> to vector<256x256xf32>
    %mul3A_1348 = arith.mulf %mul3A_1347, %sin3A_1187 : vector<256x256xf32>
    %slice3A_1349 = vector.extract_strided_slice %dot_general3A_666 {offsets = [106, 0], sizes = [1, 256], strides = [1, 1]} : vector<128x256xf32> to vector<1x256xf32>
    %mul3A_1350 = vector.broadcast %slice3A_1349 : vector<1x256xf32> to vector<256x256xf32>
    %mul3A_1351 = arith.mulf %mul3A_1350, %sub3A_1190 : vector<256x256xf32>
    %add3A_1352 = arith.addf %add3A_1345, %mul3A_1351 : vector<256x256xf32>
    %mul3A_1353 = vector.broadcast %slice3A_1349 : vector<1x256xf32> to vector<256x256xf32>
    %mul3A_1354 = arith.mulf %mul3A_1353, %add3A_1193 : vector<256x256xf32>
    %add3A_1355 = arith.addf %mul3A_1348, %mul3A_1354 : vector<256x256xf32>
    %slice3A_1356 = vector.extract_strided_slice %dot_general3A_666 {offsets = [107, 0], sizes = [1, 256], strides = [1, 1]} : vector<128x256xf32> to vector<1x256xf32>
    %mul3A_1357 = vector.broadcast %slice3A_1356 : vector<1x256xf32> to vector<256x256xf32>
    %mul3A_1358 = arith.mulf %mul3A_1357, %sub3A_1196 : vector<256x256xf32>
    %add3A_1359 = arith.addf %add3A_1352, %mul3A_1358 : vector<256x256xf32>
    %mul3A_1360 = vector.broadcast %slice3A_1356 : vector<1x256xf32> to vector<256x256xf32>
    %mul3A_1361 = arith.mulf %mul3A_1360, %add3A_1199 : vector<256x256xf32>
    %add3A_1362 = arith.addf %add3A_1355, %mul3A_1361 : vector<256x256xf32>
    %slice3A_1363 = vector.extract_strided_slice %dot_general3A_666 {offsets = [108, 0], sizes = [1, 256], strides = [1, 1]} : vector<128x256xf32> to vector<1x256xf32>
    %mul3A_1364 = vector.broadcast %slice3A_1363 : vector<1x256xf32> to vector<256x256xf32>
    %mul3A_1365 = arith.mulf %mul3A_1364, %sub3A_1202 : vector<256x256xf32>
    %add3A_1366 = arith.addf %add3A_1359, %mul3A_1365 : vector<256x256xf32>
    %mul3A_1367 = vector.broadcast %slice3A_1363 : vector<1x256xf32> to vector<256x256xf32>
    %mul3A_1368 = arith.mulf %mul3A_1367, %add3A_1205 : vector<256x256xf32>
    %add3A_1369 = arith.addf %add3A_1362, %mul3A_1368 : vector<256x256xf32>
    %slice3A_1370 = vector.extract_strided_slice %dot_general3A_666 {offsets = [109, 0], sizes = [1, 256], strides = [1, 1]} : vector<128x256xf32> to vector<1x256xf32>
    %mul3A_1371 = vector.broadcast %slice3A_1370 : vector<1x256xf32> to vector<256x256xf32>
    %mul3A_1372 = arith.mulf %mul3A_1371, %sub3A_1208 : vector<256x256xf32>
    %add3A_1373 = arith.addf %add3A_1366, %mul3A_1372 : vector<256x256xf32>
    %mul3A_1374 = vector.broadcast %slice3A_1370 : vector<1x256xf32> to vector<256x256xf32>
    %mul3A_1375 = arith.mulf %mul3A_1374, %add3A_1211 : vector<256x256xf32>
    %add3A_1376 = arith.addf %add3A_1369, %mul3A_1375 : vector<256x256xf32>
    %slice3A_1377 = vector.extract_strided_slice %dot_general3A_666 {offsets = [110, 0], sizes = [1, 256], strides = [1, 1]} : vector<128x256xf32> to vector<1x256xf32>
    %mul3A_1378 = vector.broadcast %slice3A_1377 : vector<1x256xf32> to vector<256x256xf32>
    %mul3A_1379 = arith.mulf %mul3A_1378, %sub3A_1214 : vector<256x256xf32>
    %add3A_1380 = arith.addf %add3A_1373, %mul3A_1379 : vector<256x256xf32>
    %mul3A_1381 = vector.broadcast %slice3A_1377 : vector<1x256xf32> to vector<256x256xf32>
    %mul3A_1382 = arith.mulf %mul3A_1381, %add3A_1217 : vector<256x256xf32>
    %add3A_1383 = arith.addf %add3A_1376, %mul3A_1382 : vector<256x256xf32>
    %slice3A_1384 = vector.extract_strided_slice %dot_general3A_666 {offsets = [111, 0], sizes = [1, 256], strides = [1, 1]} : vector<128x256xf32> to vector<1x256xf32>
    %mul3A_1385 = vector.broadcast %slice3A_1384 : vector<1x256xf32> to vector<256x256xf32>
    %mul3A_1386 = arith.mulf %mul3A_1385, %sub3A_1220 : vector<256x256xf32>
    %add3A_1387 = arith.addf %add3A_1380, %mul3A_1386 : vector<256x256xf32>
    %mul3A_1388 = vector.broadcast %slice3A_1384 : vector<1x256xf32> to vector<256x256xf32>
    %mul3A_1389 = arith.mulf %mul3A_1388, %add3A_1223 : vector<256x256xf32>
    %add3A_1390 = arith.addf %add3A_1383, %mul3A_1389 : vector<256x256xf32>
    %mul3A_1391 = arith.mulf %add3A_1335, %sub3A_1226 : vector<256x256xf32>
    %mul3A_1392 = arith.mulf %add3A_1339, %add3A_1229 : vector<256x256xf32>
    %sub3A_1393 = arith.subf %mul3A_1391, %mul3A_1392 : vector<256x256xf32>
    %add3A_1394 = arith.addf %sub3A_1393, %add3A_1387 : vector<256x256xf32>
    %mul3A_1395 = arith.mulf %add3A_1335, %add3A_1229 : vector<256x256xf32>
    %mul3A_1396 = arith.mulf %add3A_1339, %sub3A_1226 : vector<256x256xf32>
    %add3A_1397 = arith.addf %mul3A_1395, %mul3A_1396 : vector<256x256xf32>
    %add3A_1398 = arith.addf %add3A_1397, %add3A_1390 : vector<256x256xf32>
    %slice3A_1399 = vector.extract_strided_slice %dot_general3A_666 {offsets = [96, 0], sizes = [1, 256], strides = [1, 1]} : vector<128x256xf32> to vector<1x256xf32>
    %slice3A_1400 = vector.extract_strided_slice %dot_general3A_666 {offsets = [97, 0], sizes = [1, 256], strides = [1, 1]} : vector<128x256xf32> to vector<1x256xf32>
    %mul3A_1401 = vector.broadcast %slice3A_1400 : vector<1x256xf32> to vector<256x256xf32>
    %mul3A_1402 = arith.mulf %mul3A_1401, %cos3A_1186 : vector<256x256xf32>
    %add3A_1403 = vector.broadcast %slice3A_1399 : vector<1x256xf32> to vector<256x256xf32>
    %add3A_1404 = arith.addf %add3A_1403, %mul3A_1402 : vector<256x256xf32>
    %slice3A_1405 = vector.extract_strided_slice %dot_general3A_666 {offsets = [97, 0], sizes = [1, 256], strides = [1, 1]} : vector<128x256xf32> to vector<1x256xf32>
    %mul3A_1406 = vector.broadcast %slice3A_1405 : vector<1x256xf32> to vector<256x256xf32>
    %mul3A_1407 = arith.mulf %mul3A_1406, %sin3A_1187 : vector<256x256xf32>
    %slice3A_1408 = vector.extract_strided_slice %dot_general3A_666 {offsets = [98, 0], sizes = [1, 256], strides = [1, 1]} : vector<128x256xf32> to vector<1x256xf32>
    %mul3A_1409 = vector.broadcast %slice3A_1408 : vector<1x256xf32> to vector<256x256xf32>
    %mul3A_1410 = arith.mulf %mul3A_1409, %sub3A_1190 : vector<256x256xf32>
    %add3A_1411 = arith.addf %add3A_1404, %mul3A_1410 : vector<256x256xf32>
    %mul3A_1412 = vector.broadcast %slice3A_1408 : vector<1x256xf32> to vector<256x256xf32>
    %mul3A_1413 = arith.mulf %mul3A_1412, %add3A_1193 : vector<256x256xf32>
    %add3A_1414 = arith.addf %mul3A_1407, %mul3A_1413 : vector<256x256xf32>
    %slice3A_1415 = vector.extract_strided_slice %dot_general3A_666 {offsets = [99, 0], sizes = [1, 256], strides = [1, 1]} : vector<128x256xf32> to vector<1x256xf32>
    %mul3A_1416 = vector.broadcast %slice3A_1415 : vector<1x256xf32> to vector<256x256xf32>
    %mul3A_1417 = arith.mulf %mul3A_1416, %sub3A_1196 : vector<256x256xf32>
    %add3A_1418 = arith.addf %add3A_1411, %mul3A_1417 : vector<256x256xf32>
    %mul3A_1419 = vector.broadcast %slice3A_1415 : vector<1x256xf32> to vector<256x256xf32>
    %mul3A_1420 = arith.mulf %mul3A_1419, %add3A_1199 : vector<256x256xf32>
    %add3A_1421 = arith.addf %add3A_1414, %mul3A_1420 : vector<256x256xf32>
    %slice3A_1422 = vector.extract_strided_slice %dot_general3A_666 {offsets = [100, 0], sizes = [1, 256], strides = [1, 1]} : vector<128x256xf32> to vector<1x256xf32>
    %mul3A_1423 = vector.broadcast %slice3A_1422 : vector<1x256xf32> to vector<256x256xf32>
    %mul3A_1424 = arith.mulf %mul3A_1423, %sub3A_1202 : vector<256x256xf32>
    %add3A_1425 = arith.addf %add3A_1418, %mul3A_1424 : vector<256x256xf32>
    %mul3A_1426 = vector.broadcast %slice3A_1422 : vector<1x256xf32> to vector<256x256xf32>
    %mul3A_1427 = arith.mulf %mul3A_1426, %add3A_1205 : vector<256x256xf32>
    %add3A_1428 = arith.addf %add3A_1421, %mul3A_1427 : vector<256x256xf32>
    %slice3A_1429 = vector.extract_strided_slice %dot_general3A_666 {offsets = [101, 0], sizes = [1, 256], strides = [1, 1]} : vector<128x256xf32> to vector<1x256xf32>
    %mul3A_1430 = vector.broadcast %slice3A_1429 : vector<1x256xf32> to vector<256x256xf32>
    %mul3A_1431 = arith.mulf %mul3A_1430, %sub3A_1208 : vector<256x256xf32>
    %add3A_1432 = arith.addf %add3A_1425, %mul3A_1431 : vector<256x256xf32>
    %mul3A_1433 = vector.broadcast %slice3A_1429 : vector<1x256xf32> to vector<256x256xf32>
    %mul3A_1434 = arith.mulf %mul3A_1433, %add3A_1211 : vector<256x256xf32>
    %add3A_1435 = arith.addf %add3A_1428, %mul3A_1434 : vector<256x256xf32>
    %slice3A_1436 = vector.extract_strided_slice %dot_general3A_666 {offsets = [102, 0], sizes = [1, 256], strides = [1, 1]} : vector<128x256xf32> to vector<1x256xf32>
    %mul3A_1437 = vector.broadcast %slice3A_1436 : vector<1x256xf32> to vector<256x256xf32>
    %mul3A_1438 = arith.mulf %mul3A_1437, %sub3A_1214 : vector<256x256xf32>
    %add3A_1439 = arith.addf %add3A_1432, %mul3A_1438 : vector<256x256xf32>
    %mul3A_1440 = vector.broadcast %slice3A_1436 : vector<1x256xf32> to vector<256x256xf32>
    %mul3A_1441 = arith.mulf %mul3A_1440, %add3A_1217 : vector<256x256xf32>
    %add3A_1442 = arith.addf %add3A_1435, %mul3A_1441 : vector<256x256xf32>
    %slice3A_1443 = vector.extract_strided_slice %dot_general3A_666 {offsets = [103, 0], sizes = [1, 256], strides = [1, 1]} : vector<128x256xf32> to vector<1x256xf32>
    %mul3A_1444 = vector.broadcast %slice3A_1443 : vector<1x256xf32> to vector<256x256xf32>
    %mul3A_1445 = arith.mulf %mul3A_1444, %sub3A_1220 : vector<256x256xf32>
    %add3A_1446 = arith.addf %add3A_1439, %mul3A_1445 : vector<256x256xf32>
    %mul3A_1447 = vector.broadcast %slice3A_1443 : vector<1x256xf32> to vector<256x256xf32>
    %mul3A_1448 = arith.mulf %mul3A_1447, %add3A_1223 : vector<256x256xf32>
    %add3A_1449 = arith.addf %add3A_1442, %mul3A_1448 : vector<256x256xf32>
    %mul3A_1450 = arith.mulf %add3A_1394, %sub3A_1226 : vector<256x256xf32>
    %mul3A_1451 = arith.mulf %add3A_1398, %add3A_1229 : vector<256x256xf32>
    %sub3A_1452 = arith.subf %mul3A_1450, %mul3A_1451 : vector<256x256xf32>
    %add3A_1453 = arith.addf %sub3A_1452, %add3A_1446 : vector<256x256xf32>
    %mul3A_1454 = arith.mulf %add3A_1394, %add3A_1229 : vector<256x256xf32>
    %mul3A_1455 = arith.mulf %add3A_1398, %sub3A_1226 : vector<256x256xf32>
    %add3A_1456 = arith.addf %mul3A_1454, %mul3A_1455 : vector<256x256xf32>
    %add3A_1457 = arith.addf %add3A_1456, %add3A_1449 : vector<256x256xf32>
    %slice3A_1458 = vector.extract_strided_slice %dot_general3A_666 {offsets = [88, 0], sizes = [1, 256], strides = [1, 1]} : vector<128x256xf32> to vector<1x256xf32>
    %slice3A_1459 = vector.extract_strided_slice %dot_general3A_666 {offsets = [89, 0], sizes = [1, 256], strides = [1, 1]} : vector<128x256xf32> to vector<1x256xf32>
    %mul3A_1460 = vector.broadcast %slice3A_1459 : vector<1x256xf32> to vector<256x256xf32>
    %mul3A_1461 = arith.mulf %mul3A_1460, %cos3A_1186 : vector<256x256xf32>
    %add3A_1462 = vector.broadcast %slice3A_1458 : vector<1x256xf32> to vector<256x256xf32>
    %add3A_1463 = arith.addf %add3A_1462, %mul3A_1461 : vector<256x256xf32>
    %slice3A_1464 = vector.extract_strided_slice %dot_general3A_666 {offsets = [89, 0], sizes = [1, 256], strides = [1, 1]} : vector<128x256xf32> to vector<1x256xf32>
    %mul3A_1465 = vector.broadcast %slice3A_1464 : vector<1x256xf32> to vector<256x256xf32>
    %mul3A_1466 = arith.mulf %mul3A_1465, %sin3A_1187 : vector<256x256xf32>
    %slice3A_1467 = vector.extract_strided_slice %dot_general3A_666 {offsets = [90, 0], sizes = [1, 256], strides = [1, 1]} : vector<128x256xf32> to vector<1x256xf32>
    %mul3A_1468 = vector.broadcast %slice3A_1467 : vector<1x256xf32> to vector<256x256xf32>
    %mul3A_1469 = arith.mulf %mul3A_1468, %sub3A_1190 : vector<256x256xf32>
    %add3A_1470 = arith.addf %add3A_1463, %mul3A_1469 : vector<256x256xf32>
    %mul3A_1471 = vector.broadcast %slice3A_1467 : vector<1x256xf32> to vector<256x256xf32>
    %mul3A_1472 = arith.mulf %mul3A_1471, %add3A_1193 : vector<256x256xf32>
    %add3A_1473 = arith.addf %mul3A_1466, %mul3A_1472 : vector<256x256xf32>
    %slice3A_1474 = vector.extract_strided_slice %dot_general3A_666 {offsets = [91, 0], sizes = [1, 256], strides = [1, 1]} : vector<128x256xf32> to vector<1x256xf32>
    %mul3A_1475 = vector.broadcast %slice3A_1474 : vector<1x256xf32> to vector<256x256xf32>
    %mul3A_1476 = arith.mulf %mul3A_1475, %sub3A_1196 : vector<256x256xf32>
    %add3A_1477 = arith.addf %add3A_1470, %mul3A_1476 : vector<256x256xf32>
    %mul3A_1478 = vector.broadcast %slice3A_1474 : vector<1x256xf32> to vector<256x256xf32>
    %mul3A_1479 = arith.mulf %mul3A_1478, %add3A_1199 : vector<256x256xf32>
    %add3A_1480 = arith.addf %add3A_1473, %mul3A_1479 : vector<256x256xf32>
    %slice3A_1481 = vector.extract_strided_slice %dot_general3A_666 {offsets = [92, 0], sizes = [1, 256], strides = [1, 1]} : vector<128x256xf32> to vector<1x256xf32>
    %mul3A_1482 = vector.broadcast %slice3A_1481 : vector<1x256xf32> to vector<256x256xf32>
    %mul3A_1483 = arith.mulf %mul3A_1482, %sub3A_1202 : vector<256x256xf32>
    %add3A_1484 = arith.addf %add3A_1477, %mul3A_1483 : vector<256x256xf32>
    %mul3A_1485 = vector.broadcast %slice3A_1481 : vector<1x256xf32> to vector<256x256xf32>
    %mul3A_1486 = arith.mulf %mul3A_1485, %add3A_1205 : vector<256x256xf32>
    %add3A_1487 = arith.addf %add3A_1480, %mul3A_1486 : vector<256x256xf32>
    %slice3A_1488 = vector.extract_strided_slice %dot_general3A_666 {offsets = [93, 0], sizes = [1, 256], strides = [1, 1]} : vector<128x256xf32> to vector<1x256xf32>
    %mul3A_1489 = vector.broadcast %slice3A_1488 : vector<1x256xf32> to vector<256x256xf32>
    %mul3A_1490 = arith.mulf %mul3A_1489, %sub3A_1208 : vector<256x256xf32>
    %add3A_1491 = arith.addf %add3A_1484, %mul3A_1490 : vector<256x256xf32>
    %mul3A_1492 = vector.broadcast %slice3A_1488 : vector<1x256xf32> to vector<256x256xf32>
    %mul3A_1493 = arith.mulf %mul3A_1492, %add3A_1211 : vector<256x256xf32>
    %add3A_1494 = arith.addf %add3A_1487, %mul3A_1493 : vector<256x256xf32>
    %slice3A_1495 = vector.extract_strided_slice %dot_general3A_666 {offsets = [94, 0], sizes = [1, 256], strides = [1, 1]} : vector<128x256xf32> to vector<1x256xf32>
    %mul3A_1496 = vector.broadcast %slice3A_1495 : vector<1x256xf32> to vector<256x256xf32>
    %mul3A_1497 = arith.mulf %mul3A_1496, %sub3A_1214 : vector<256x256xf32>
    %add3A_1498 = arith.addf %add3A_1491, %mul3A_1497 : vector<256x256xf32>
    %mul3A_1499 = vector.broadcast %slice3A_1495 : vector<1x256xf32> to vector<256x256xf32>
    %mul3A_1500 = arith.mulf %mul3A_1499, %add3A_1217 : vector<256x256xf32>
    %add3A_1501 = arith.addf %add3A_1494, %mul3A_1500 : vector<256x256xf32>
    %slice3A_1502 = vector.extract_strided_slice %dot_general3A_666 {offsets = [95, 0], sizes = [1, 256], strides = [1, 1]} : vector<128x256xf32> to vector<1x256xf32>
    %mul3A_1503 = vector.broadcast %slice3A_1502 : vector<1x256xf32> to vector<256x256xf32>
    %mul3A_1504 = arith.mulf %mul3A_1503, %sub3A_1220 : vector<256x256xf32>
    %add3A_1505 = arith.addf %add3A_1498, %mul3A_1504 : vector<256x256xf32>
    %mul3A_1506 = vector.broadcast %slice3A_1502 : vector<1x256xf32> to vector<256x256xf32>
    %mul3A_1507 = arith.mulf %mul3A_1506, %add3A_1223 : vector<256x256xf32>
    %add3A_1508 = arith.addf %add3A_1501, %mul3A_1507 : vector<256x256xf32>
    %mul3A_1509 = arith.mulf %add3A_1453, %sub3A_1226 : vector<256x256xf32>
    %mul3A_1510 = arith.mulf %add3A_1457, %add3A_1229 : vector<256x256xf32>
    %sub3A_1511 = arith.subf %mul3A_1509, %mul3A_1510 : vector<256x256xf32>
    %add3A_1512 = arith.addf %sub3A_1511, %add3A_1505 : vector<256x256xf32>
    %mul3A_1513 = arith.mulf %add3A_1453, %add3A_1229 : vector<256x256xf32>
    %mul3A_1514 = arith.mulf %add3A_1457, %sub3A_1226 : vector<256x256xf32>
    %add3A_1515 = arith.addf %mul3A_1513, %mul3A_1514 : vector<256x256xf32>
    %add3A_1516 = arith.addf %add3A_1515, %add3A_1508 : vector<256x256xf32>
    %slice3A_1517 = vector.extract_strided_slice %dot_general3A_666 {offsets = [80, 0], sizes = [1, 256], strides = [1, 1]} : vector<128x256xf32> to vector<1x256xf32>
    %slice3A_1518 = vector.extract_strided_slice %dot_general3A_666 {offsets = [81, 0], sizes = [1, 256], strides = [1, 1]} : vector<128x256xf32> to vector<1x256xf32>
    %mul3A_1519 = vector.broadcast %slice3A_1518 : vector<1x256xf32> to vector<256x256xf32>
    %mul3A_1520 = arith.mulf %mul3A_1519, %cos3A_1186 : vector<256x256xf32>
    %add3A_1521 = vector.broadcast %slice3A_1517 : vector<1x256xf32> to vector<256x256xf32>
    %add3A_1522 = arith.addf %add3A_1521, %mul3A_1520 : vector<256x256xf32>
    %slice3A_1523 = vector.extract_strided_slice %dot_general3A_666 {offsets = [81, 0], sizes = [1, 256], strides = [1, 1]} : vector<128x256xf32> to vector<1x256xf32>
    %mul3A_1524 = vector.broadcast %slice3A_1523 : vector<1x256xf32> to vector<256x256xf32>
    %mul3A_1525 = arith.mulf %mul3A_1524, %sin3A_1187 : vector<256x256xf32>
    %slice3A_1526 = vector.extract_strided_slice %dot_general3A_666 {offsets = [82, 0], sizes = [1, 256], strides = [1, 1]} : vector<128x256xf32> to vector<1x256xf32>
    %mul3A_1527 = vector.broadcast %slice3A_1526 : vector<1x256xf32> to vector<256x256xf32>
    %mul3A_1528 = arith.mulf %mul3A_1527, %sub3A_1190 : vector<256x256xf32>
    %add3A_1529 = arith.addf %add3A_1522, %mul3A_1528 : vector<256x256xf32>
    %mul3A_1530 = vector.broadcast %slice3A_1526 : vector<1x256xf32> to vector<256x256xf32>
    %mul3A_1531 = arith.mulf %mul3A_1530, %add3A_1193 : vector<256x256xf32>
    %add3A_1532 = arith.addf %mul3A_1525, %mul3A_1531 : vector<256x256xf32>
    %slice3A_1533 = vector.extract_strided_slice %dot_general3A_666 {offsets = [83, 0], sizes = [1, 256], strides = [1, 1]} : vector<128x256xf32> to vector<1x256xf32>
    %mul3A_1534 = vector.broadcast %slice3A_1533 : vector<1x256xf32> to vector<256x256xf32>
    %mul3A_1535 = arith.mulf %mul3A_1534, %sub3A_1196 : vector<256x256xf32>
    %add3A_1536 = arith.addf %add3A_1529, %mul3A_1535 : vector<256x256xf32>
    %mul3A_1537 = vector.broadcast %slice3A_1533 : vector<1x256xf32> to vector<256x256xf32>
    %mul3A_1538 = arith.mulf %mul3A_1537, %add3A_1199 : vector<256x256xf32>
    %add3A_1539 = arith.addf %add3A_1532, %mul3A_1538 : vector<256x256xf32>
    %slice3A_1540 = vector.extract_strided_slice %dot_general3A_666 {offsets = [84, 0], sizes = [1, 256], strides = [1, 1]} : vector<128x256xf32> to vector<1x256xf32>
    %mul3A_1541 = vector.broadcast %slice3A_1540 : vector<1x256xf32> to vector<256x256xf32>
    %mul3A_1542 = arith.mulf %mul3A_1541, %sub3A_1202 : vector<256x256xf32>
    %add3A_1543 = arith.addf %add3A_1536, %mul3A_1542 : vector<256x256xf32>
    %mul3A_1544 = vector.broadcast %slice3A_1540 : vector<1x256xf32> to vector<256x256xf32>
    %mul3A_1545 = arith.mulf %mul3A_1544, %add3A_1205 : vector<256x256xf32>
    %add3A_1546 = arith.addf %add3A_1539, %mul3A_1545 : vector<256x256xf32>
    %slice3A_1547 = vector.extract_strided_slice %dot_general3A_666 {offsets = [85, 0], sizes = [1, 256], strides = [1, 1]} : vector<128x256xf32> to vector<1x256xf32>
    %mul3A_1548 = vector.broadcast %slice3A_1547 : vector<1x256xf32> to vector<256x256xf32>
    %mul3A_1549 = arith.mulf %mul3A_1548, %sub3A_1208 : vector<256x256xf32>
    %add3A_1550 = arith.addf %add3A_1543, %mul3A_1549 : vector<256x256xf32>
    %mul3A_1551 = vector.broadcast %slice3A_1547 : vector<1x256xf32> to vector<256x256xf32>
    %mul3A_1552 = arith.mulf %mul3A_1551, %add3A_1211 : vector<256x256xf32>
    %add3A_1553 = arith.addf %add3A_1546, %mul3A_1552 : vector<256x256xf32>
    %slice3A_1554 = vector.extract_strided_slice %dot_general3A_666 {offsets = [86, 0], sizes = [1, 256], strides = [1, 1]} : vector<128x256xf32> to vector<1x256xf32>
    %mul3A_1555 = vector.broadcast %slice3A_1554 : vector<1x256xf32> to vector<256x256xf32>
    %mul3A_1556 = arith.mulf %mul3A_1555, %sub3A_1214 : vector<256x256xf32>
    %add3A_1557 = arith.addf %add3A_1550, %mul3A_1556 : vector<256x256xf32>
    %mul3A_1558 = vector.broadcast %slice3A_1554 : vector<1x256xf32> to vector<256x256xf32>
    %mul3A_1559 = arith.mulf %mul3A_1558, %add3A_1217 : vector<256x256xf32>
    %add3A_1560 = arith.addf %add3A_1553, %mul3A_1559 : vector<256x256xf32>
    %slice3A_1561 = vector.extract_strided_slice %dot_general3A_666 {offsets = [87, 0], sizes = [1, 256], strides = [1, 1]} : vector<128x256xf32> to vector<1x256xf32>
    %mul3A_1562 = vector.broadcast %slice3A_1561 : vector<1x256xf32> to vector<256x256xf32>
    %mul3A_1563 = arith.mulf %mul3A_1562, %sub3A_1220 : vector<256x256xf32>
    %add3A_1564 = arith.addf %add3A_1557, %mul3A_1563 : vector<256x256xf32>
    %mul3A_1565 = vector.broadcast %slice3A_1561 : vector<1x256xf32> to vector<256x256xf32>
    %mul3A_1566 = arith.mulf %mul3A_1565, %add3A_1223 : vector<256x256xf32>
    %add3A_1567 = arith.addf %add3A_1560, %mul3A_1566 : vector<256x256xf32>
    %mul3A_1568 = arith.mulf %add3A_1512, %sub3A_1226 : vector<256x256xf32>
    %mul3A_1569 = arith.mulf %add3A_1516, %add3A_1229 : vector<256x256xf32>
    %sub3A_1570 = arith.subf %mul3A_1568, %mul3A_1569 : vector<256x256xf32>
    %add3A_1571 = arith.addf %sub3A_1570, %add3A_1564 : vector<256x256xf32>
    %mul3A_1572 = arith.mulf %add3A_1512, %add3A_1229 : vector<256x256xf32>
    %mul3A_1573 = arith.mulf %add3A_1516, %sub3A_1226 : vector<256x256xf32>
    %add3A_1574 = arith.addf %mul3A_1572, %mul3A_1573 : vector<256x256xf32>
    %add3A_1575 = arith.addf %add3A_1574, %add3A_1567 : vector<256x256xf32>
    %slice3A_1576 = vector.extract_strided_slice %dot_general3A_666 {offsets = [72, 0], sizes = [1, 256], strides = [1, 1]} : vector<128x256xf32> to vector<1x256xf32>
    %slice3A_1577 = vector.extract_strided_slice %dot_general3A_666 {offsets = [73, 0], sizes = [1, 256], strides = [1, 1]} : vector<128x256xf32> to vector<1x256xf32>
    %mul3A_1578 = vector.broadcast %slice3A_1577 : vector<1x256xf32> to vector<256x256xf32>
    %mul3A_1579 = arith.mulf %mul3A_1578, %cos3A_1186 : vector<256x256xf32>
    %add3A_1580 = vector.broadcast %slice3A_1576 : vector<1x256xf32> to vector<256x256xf32>
    %add3A_1581 = arith.addf %add3A_1580, %mul3A_1579 : vector<256x256xf32>
    %slice3A_1582 = vector.extract_strided_slice %dot_general3A_666 {offsets = [73, 0], sizes = [1, 256], strides = [1, 1]} : vector<128x256xf32> to vector<1x256xf32>
    %mul3A_1583 = vector.broadcast %slice3A_1582 : vector<1x256xf32> to vector<256x256xf32>
    %mul3A_1584 = arith.mulf %mul3A_1583, %sin3A_1187 : vector<256x256xf32>
    %slice3A_1585 = vector.extract_strided_slice %dot_general3A_666 {offsets = [74, 0], sizes = [1, 256], strides = [1, 1]} : vector<128x256xf32> to vector<1x256xf32>
    %mul3A_1586 = vector.broadcast %slice3A_1585 : vector<1x256xf32> to vector<256x256xf32>
    %mul3A_1587 = arith.mulf %mul3A_1586, %sub3A_1190 : vector<256x256xf32>
    %add3A_1588 = arith.addf %add3A_1581, %mul3A_1587 : vector<256x256xf32>
    %mul3A_1589 = vector.broadcast %slice3A_1585 : vector<1x256xf32> to vector<256x256xf32>
    %mul3A_1590 = arith.mulf %mul3A_1589, %add3A_1193 : vector<256x256xf32>
    %add3A_1591 = arith.addf %mul3A_1584, %mul3A_1590 : vector<256x256xf32>
    %slice3A_1592 = vector.extract_strided_slice %dot_general3A_666 {offsets = [75, 0], sizes = [1, 256], strides = [1, 1]} : vector<128x256xf32> to vector<1x256xf32>
    %mul3A_1593 = vector.broadcast %slice3A_1592 : vector<1x256xf32> to vector<256x256xf32>
    %mul3A_1594 = arith.mulf %mul3A_1593, %sub3A_1196 : vector<256x256xf32>
    %add3A_1595 = arith.addf %add3A_1588, %mul3A_1594 : vector<256x256xf32>
    %mul3A_1596 = vector.broadcast %slice3A_1592 : vector<1x256xf32> to vector<256x256xf32>
    %mul3A_1597 = arith.mulf %mul3A_1596, %add3A_1199 : vector<256x256xf32>
    %add3A_1598 = arith.addf %add3A_1591, %mul3A_1597 : vector<256x256xf32>
    %slice3A_1599 = vector.extract_strided_slice %dot_general3A_666 {offsets = [76, 0], sizes = [1, 256], strides = [1, 1]} : vector<128x256xf32> to vector<1x256xf32>
    %mul3A_1600 = vector.broadcast %slice3A_1599 : vector<1x256xf32> to vector<256x256xf32>
    %mul3A_1601 = arith.mulf %mul3A_1600, %sub3A_1202 : vector<256x256xf32>
    %add3A_1602 = arith.addf %add3A_1595, %mul3A_1601 : vector<256x256xf32>
    %mul3A_1603 = vector.broadcast %slice3A_1599 : vector<1x256xf32> to vector<256x256xf32>
    %mul3A_1604 = arith.mulf %mul3A_1603, %add3A_1205 : vector<256x256xf32>
    %add3A_1605 = arith.addf %add3A_1598, %mul3A_1604 : vector<256x256xf32>
    %slice3A_1606 = vector.extract_strided_slice %dot_general3A_666 {offsets = [77, 0], sizes = [1, 256], strides = [1, 1]} : vector<128x256xf32> to vector<1x256xf32>
    %mul3A_1607 = vector.broadcast %slice3A_1606 : vector<1x256xf32> to vector<256x256xf32>
    %mul3A_1608 = arith.mulf %mul3A_1607, %sub3A_1208 : vector<256x256xf32>
    %add3A_1609 = arith.addf %add3A_1602, %mul3A_1608 : vector<256x256xf32>
    %mul3A_1610 = vector.broadcast %slice3A_1606 : vector<1x256xf32> to vector<256x256xf32>
    %mul3A_1611 = arith.mulf %mul3A_1610, %add3A_1211 : vector<256x256xf32>
    %add3A_1612 = arith.addf %add3A_1605, %mul3A_1611 : vector<256x256xf32>
    %slice3A_1613 = vector.extract_strided_slice %dot_general3A_666 {offsets = [78, 0], sizes = [1, 256], strides = [1, 1]} : vector<128x256xf32> to vector<1x256xf32>
    %mul3A_1614 = vector.broadcast %slice3A_1613 : vector<1x256xf32> to vector<256x256xf32>
    %mul3A_1615 = arith.mulf %mul3A_1614, %sub3A_1214 : vector<256x256xf32>
    %add3A_1616 = arith.addf %add3A_1609, %mul3A_1615 : vector<256x256xf32>
    %mul3A_1617 = vector.broadcast %slice3A_1613 : vector<1x256xf32> to vector<256x256xf32>
    %mul3A_1618 = arith.mulf %mul3A_1617, %add3A_1217 : vector<256x256xf32>
    %add3A_1619 = arith.addf %add3A_1612, %mul3A_1618 : vector<256x256xf32>
    %slice3A_1620 = vector.extract_strided_slice %dot_general3A_666 {offsets = [79, 0], sizes = [1, 256], strides = [1, 1]} : vector<128x256xf32> to vector<1x256xf32>
    %mul3A_1621 = vector.broadcast %slice3A_1620 : vector<1x256xf32> to vector<256x256xf32>
    %mul3A_1622 = arith.mulf %mul3A_1621, %sub3A_1220 : vector<256x256xf32>
    %add3A_1623 = arith.addf %add3A_1616, %mul3A_1622 : vector<256x256xf32>
    %mul3A_1624 = vector.broadcast %slice3A_1620 : vector<1x256xf32> to vector<256x256xf32>
    %mul3A_1625 = arith.mulf %mul3A_1624, %add3A_1223 : vector<256x256xf32>
    %add3A_1626 = arith.addf %add3A_1619, %mul3A_1625 : vector<256x256xf32>
    %mul3A_1627 = arith.mulf %add3A_1571, %sub3A_1226 : vector<256x256xf32>
    %mul3A_1628 = arith.mulf %add3A_1575, %add3A_1229 : vector<256x256xf32>
    %sub3A_1629 = arith.subf %mul3A_1627, %mul3A_1628 : vector<256x256xf32>
    %add3A_1630 = arith.addf %sub3A_1629, %add3A_1623 : vector<256x256xf32>
    %mul3A_1631 = arith.mulf %add3A_1571, %add3A_1229 : vector<256x256xf32>
    %mul3A_1632 = arith.mulf %add3A_1575, %sub3A_1226 : vector<256x256xf32>
    %add3A_1633 = arith.addf %mul3A_1631, %mul3A_1632 : vector<256x256xf32>
    %add3A_1634 = arith.addf %add3A_1633, %add3A_1626 : vector<256x256xf32>
    %slice3A_1635 = vector.extract_strided_slice %dot_general3A_666 {offsets = [64, 0], sizes = [1, 256], strides = [1, 1]} : vector<128x256xf32> to vector<1x256xf32>
    %slice3A_1636 = vector.extract_strided_slice %dot_general3A_666 {offsets = [65, 0], sizes = [1, 256], strides = [1, 1]} : vector<128x256xf32> to vector<1x256xf32>
    %mul3A_1637 = vector.broadcast %slice3A_1636 : vector<1x256xf32> to vector<256x256xf32>
    %mul3A_1638 = arith.mulf %mul3A_1637, %cos3A_1186 : vector<256x256xf32>
    %add3A_1639 = vector.broadcast %slice3A_1635 : vector<1x256xf32> to vector<256x256xf32>
    %add3A_1640 = arith.addf %add3A_1639, %mul3A_1638 : vector<256x256xf32>
    %slice3A_1641 = vector.extract_strided_slice %dot_general3A_666 {offsets = [65, 0], sizes = [1, 256], strides = [1, 1]} : vector<128x256xf32> to vector<1x256xf32>
    %mul3A_1642 = vector.broadcast %slice3A_1641 : vector<1x256xf32> to vector<256x256xf32>
    %mul3A_1643 = arith.mulf %mul3A_1642, %sin3A_1187 : vector<256x256xf32>
    %slice3A_1644 = vector.extract_strided_slice %dot_general3A_666 {offsets = [66, 0], sizes = [1, 256], strides = [1, 1]} : vector<128x256xf32> to vector<1x256xf32>
    %mul3A_1645 = vector.broadcast %slice3A_1644 : vector<1x256xf32> to vector<256x256xf32>
    %mul3A_1646 = arith.mulf %mul3A_1645, %sub3A_1190 : vector<256x256xf32>
    %add3A_1647 = arith.addf %add3A_1640, %mul3A_1646 : vector<256x256xf32>
    %mul3A_1648 = vector.broadcast %slice3A_1644 : vector<1x256xf32> to vector<256x256xf32>
    %mul3A_1649 = arith.mulf %mul3A_1648, %add3A_1193 : vector<256x256xf32>
    %add3A_1650 = arith.addf %mul3A_1643, %mul3A_1649 : vector<256x256xf32>
    %slice3A_1651 = vector.extract_strided_slice %dot_general3A_666 {offsets = [67, 0], sizes = [1, 256], strides = [1, 1]} : vector<128x256xf32> to vector<1x256xf32>
    %mul3A_1652 = vector.broadcast %slice3A_1651 : vector<1x256xf32> to vector<256x256xf32>
    %mul3A_1653 = arith.mulf %mul3A_1652, %sub3A_1196 : vector<256x256xf32>
    %add3A_1654 = arith.addf %add3A_1647, %mul3A_1653 : vector<256x256xf32>
    %mul3A_1655 = vector.broadcast %slice3A_1651 : vector<1x256xf32> to vector<256x256xf32>
    %mul3A_1656 = arith.mulf %mul3A_1655, %add3A_1199 : vector<256x256xf32>
    %add3A_1657 = arith.addf %add3A_1650, %mul3A_1656 : vector<256x256xf32>
    %slice3A_1658 = vector.extract_strided_slice %dot_general3A_666 {offsets = [68, 0], sizes = [1, 256], strides = [1, 1]} : vector<128x256xf32> to vector<1x256xf32>
    %mul3A_1659 = vector.broadcast %slice3A_1658 : vector<1x256xf32> to vector<256x256xf32>
    %mul3A_1660 = arith.mulf %mul3A_1659, %sub3A_1202 : vector<256x256xf32>
    %add3A_1661 = arith.addf %add3A_1654, %mul3A_1660 : vector<256x256xf32>
    %mul3A_1662 = vector.broadcast %slice3A_1658 : vector<1x256xf32> to vector<256x256xf32>
    %mul3A_1663 = arith.mulf %mul3A_1662, %add3A_1205 : vector<256x256xf32>
    %add3A_1664 = arith.addf %add3A_1657, %mul3A_1663 : vector<256x256xf32>
    %slice3A_1665 = vector.extract_strided_slice %dot_general3A_666 {offsets = [69, 0], sizes = [1, 256], strides = [1, 1]} : vector<128x256xf32> to vector<1x256xf32>
    %mul3A_1666 = vector.broadcast %slice3A_1665 : vector<1x256xf32> to vector<256x256xf32>
    %mul3A_1667 = arith.mulf %mul3A_1666, %sub3A_1208 : vector<256x256xf32>
    %add3A_1668 = arith.addf %add3A_1661, %mul3A_1667 : vector<256x256xf32>
    %mul3A_1669 = vector.broadcast %slice3A_1665 : vector<1x256xf32> to vector<256x256xf32>
    %mul3A_1670 = arith.mulf %mul3A_1669, %add3A_1211 : vector<256x256xf32>
    %add3A_1671 = arith.addf %add3A_1664, %mul3A_1670 : vector<256x256xf32>
    %slice3A_1672 = vector.extract_strided_slice %dot_general3A_666 {offsets = [70, 0], sizes = [1, 256], strides = [1, 1]} : vector<128x256xf32> to vector<1x256xf32>
    %mul3A_1673 = vector.broadcast %slice3A_1672 : vector<1x256xf32> to vector<256x256xf32>
    %mul3A_1674 = arith.mulf %mul3A_1673, %sub3A_1214 : vector<256x256xf32>
    %add3A_1675 = arith.addf %add3A_1668, %mul3A_1674 : vector<256x256xf32>
    %mul3A_1676 = vector.broadcast %slice3A_1672 : vector<1x256xf32> to vector<256x256xf32>
    %mul3A_1677 = arith.mulf %mul3A_1676, %add3A_1217 : vector<256x256xf32>
    %add3A_1678 = arith.addf %add3A_1671, %mul3A_1677 : vector<256x256xf32>
    %slice3A_1679 = vector.extract_strided_slice %dot_general3A_666 {offsets = [71, 0], sizes = [1, 256], strides = [1, 1]} : vector<128x256xf32> to vector<1x256xf32>
    %mul3A_1680 = vector.broadcast %slice3A_1679 : vector<1x256xf32> to vector<256x256xf32>
    %mul3A_1681 = arith.mulf %mul3A_1680, %sub3A_1220 : vector<256x256xf32>
    %add3A_1682 = arith.addf %add3A_1675, %mul3A_1681 : vector<256x256xf32>
    %mul3A_1683 = vector.broadcast %slice3A_1679 : vector<1x256xf32> to vector<256x256xf32>
    %mul3A_1684 = arith.mulf %mul3A_1683, %add3A_1223 : vector<256x256xf32>
    %add3A_1685 = arith.addf %add3A_1678, %mul3A_1684 : vector<256x256xf32>
    %mul3A_1686 = arith.mulf %add3A_1630, %sub3A_1226 : vector<256x256xf32>
    %mul3A_1687 = arith.mulf %add3A_1634, %add3A_1229 : vector<256x256xf32>
    %sub3A_1688 = arith.subf %mul3A_1686, %mul3A_1687 : vector<256x256xf32>
    %add3A_1689 = arith.addf %sub3A_1688, %add3A_1682 : vector<256x256xf32>
    %mul3A_1690 = arith.mulf %add3A_1630, %add3A_1229 : vector<256x256xf32>
    %mul3A_1691 = arith.mulf %add3A_1634, %sub3A_1226 : vector<256x256xf32>
    %add3A_1692 = arith.addf %mul3A_1690, %mul3A_1691 : vector<256x256xf32>
    %add3A_1693 = arith.addf %add3A_1692, %add3A_1685 : vector<256x256xf32>
    %cos3A_1694 = math.cos %dot_general3A_1185 : vector<256x256xf32>
    %mul3A_1695 = arith.mulf %add3A_1693, %cos3A_1694 : vector<256x256xf32>
    %sin3A_1696 = math.sin %dot_general3A_1185 : vector<256x256xf32>
    %mul3A_1697 = arith.mulf %add3A_1689, %sin3A_1696 : vector<256x256xf32>
    %add3A_1698 = arith.addf %mul3A_1695, %mul3A_1697 : vector<256x256xf32>
    %dot_general3A_1699 = arith.constant dense<0.000000e+00> : vector<256x256xf32>
    %dot_general3A_1700 = tpu.matmul %add3A_1181, %get3A_331, %dot_general3A_1699 {dimension_numbers = #tpu.dot_dimension_numbers<[0], [0], [1], [1], [0, 1, 1, 1], [], []>, transpose_lhs_hint = false} : vector<256x256xf32>, vector<256x256xf32>, vector<256x256xf32> -> vector<256x256xf32>
    %mul3A_1701 = arith.mulf %max3A_158, %dot_general3A_1700 : vector<256x256xf32>
    %dot_general3A_1702 = arith.constant dense<0.000000e+00> : vector<256x256xf32>
    %dot_general3A_1703 = tpu.matmul %add3A_1698, %get3A_331, %dot_general3A_1702 {dimension_numbers = #tpu.dot_dimension_numbers<[0], [0], [1], [1], [0, 1, 1, 1], [], []>, transpose_lhs_hint = false} : vector<256x256xf32>, vector<256x256xf32>, vector<256x256xf32> -> vector<256x256xf32>
    %mul3A_1704 = arith.mulf %max3A_260, %dot_general3A_1703 : vector<256x256xf32>
    %slice3A_1705 = vector.extract_strided_slice %dot_general3A_7 {offsets = [0, 0], sizes = [256, 256], strides = [1, 1]} : vector<256x640xf32> to vector<256x256xf32>
    %add3A_1706 = arith.addf %get3A_10, %slice3A_1705 : vector<256x256xf32>
    %sub3A_1707 = arith.subf %add3A_1706, %get3A_13 : vector<256x256xf32>
    %slice3A_1708 = vector.extract_strided_slice %dot_general3A_7 {offsets = [0, 256], sizes = [256, 128], strides = [1, 1]} : vector<256x640xf32> to vector<256x128xf32>
    %add3A_1709 = arith.addf %add3A_62, %slice3A_1708 : vector<256x128xf32>
    %sub3A_1710 = arith.subf %add3A_1709, %add3A_109 : vector<256x128xf32>
    %slice3A_1711 = vector.extract_strided_slice %dot_general3A_7 {offsets = [0, 384], sizes = [256, 256], strides = [1, 1]} : vector<256x640xf32> to vector<256x256xf32>
    %add3A_1712 = arith.addf %mul3A_1701, %slice3A_1711 : vector<256x256xf32>
    %sub3A_1713 = arith.subf %add3A_1712, %mul3A_1704 : vector<256x256xf32>
    %abs3A = math.absf %sub3A_1707 : vector<256x256xf32>
    %reduce_sum3A = arith.constant dense<0.000000e+00> : vector<256xf32>
    %reduce_sum3A_1714 = vector.multi_reduction <add>, %abs3A, %reduce_sum3A [1] : vector<256x256xf32> to vector<256xf32>
    %broadcast_in_dim3A_1715 = vector.shape_cast %reduce_sum3A_1714 : vector<256xf32> to vector<256x1xf32>
    %abs3A_1716 = math.absf %sub3A_1710 : vector<256x128xf32>
    %reduce_sum3A_1717 = arith.constant dense<0.000000e+00> : vector<256xf32>
    %reduce_sum3A_1718 = vector.multi_reduction <add>, %abs3A_1716, %reduce_sum3A_1717 [1] : vector<256x128xf32> to vector<256xf32>
    %broadcast_in_dim3A_1719 = vector.shape_cast %reduce_sum3A_1718 : vector<256xf32> to vector<256x1xf32>
    %add3A_1720 = arith.addf %broadcast_in_dim3A_1715, %broadcast_in_dim3A_1719 : vector<256x1xf32>
    %abs3A_1721 = math.absf %sub3A_1713 : vector<256x256xf32>
    %reduce_sum3A_1722 = arith.constant dense<0.000000e+00> : vector<256xf32>
    %reduce_sum3A_1723 = vector.multi_reduction <add>, %abs3A_1721, %reduce_sum3A_1722 [1] : vector<256x256xf32> to vector<256xf32>
    %broadcast_in_dim3A_1724 = vector.shape_cast %reduce_sum3A_1723 : vector<256xf32> to vector<256x1xf32>
    %add3A_1725 = arith.addf %add3A_1720, %broadcast_in_dim3A_1724 : vector<256x1xf32>
    %sub3A_1726 = arith.constant 1.200000e+01 : f32
    %sub3A_1727 = vector.broadcast %sub3A_1726 : f32 to vector<256x1xf32>
    %sub3A_1728 = arith.subf %sub3A_1727, %add3A_1725 : vector<256x1xf32>
    %swap3A = arith.constant 0 : index
    %swap3A_1729 = arith.constant 0 : index
    %swap3A_1730 = vector.load %arg38[%swap3A, %swap3A_1729] : memref<256x1xf32, #tpu.memory_space<vmem>>, vector<256x1xf32>
    tpu.vector_store %arg38[%swap3A, %swap3A_1729], %sub3A_1728 {strides = array<i32>} : memref<256x1xf32, #tpu.memory_space<vmem>>, vector<256x1xf32>,
    return
  }
  func.func @transform_0(%arg0: i32) -> (i32, i32) {
    %c0_i32 = arith.constant 0 : i32
    %c0_i32_0 = arith.constant 0 : i32
    return %arg0, %c0_i32 : i32, i32
  }
  func.func @transform_1(%arg0: i32) -> (i32, i32) {
    %c0_i32 = arith.constant 0 : i32
    %c0_i32_0 = arith.constant 0 : i32
    return %arg0, %c0_i32 : i32, i32
  }
  func.func @transform_2(%arg0: i32) -> (i32, i32) {
    %c0_i32 = arith.constant 0 : i32
    %c0_i32_0 = arith.constant 0 : i32
    return %arg0, %c0_i32 : i32, i32
  }
  func.func @transform_3(%arg0: i32) -> (i32, i32) {
    %c0_i32 = arith.constant 0 : i32
    %c0_i32_0 = arith.constant 0 : i32
    return %arg0, %c0_i32 : i32, i32
  }
  func.func @transform_4(%arg0: i32) -> (i32, i32) {
    %c0_i32 = arith.constant 0 : i32
    %c0_i32_0 = arith.constant 0 : i32
    return %arg0, %c0_i32 : i32, i32
  }
  func.func @transform_5(%arg0: i32) -> (i32, i32) {
    %c0_i32 = arith.constant 0 : i32
    %c0_i32_0 = arith.constant 0 : i32
    return %arg0, %c0_i32 : i32, i32
  }
  func.func @transform_6(%arg0: i32) -> (i32, i32) {
    %c0_i32 = arith.constant 0 : i32
    %c0_i32_0 = arith.constant 0 : i32
    return %arg0, %c0_i32 : i32, i32
  }
  func.func @transform_7(%arg0: i32) -> (i32, i32) {
    %c0_i32 = arith.constant 0 : i32
    %c0_i32_0 = arith.constant 0 : i32
    return %arg0, %c0_i32 : i32, i32
  }
  func.func @transform_8(%arg0: i32) -> (i32, i32) {
    %c0_i32 = arith.constant 0 : i32
    %c0_i32_0 = arith.constant 0 : i32
    return %arg0, %c0_i32 : i32, i32
  }
  func.func @transform_9(%arg0: i32) -> (i32, i32) {
    %c0_i32 = arith.constant 0 : i32
    %c0_i32_0 = arith.constant 0 : i32
    return %arg0, %c0_i32 : i32, i32
  }
  func.func @transform_10(%arg0: i32) -> (i32, i32) {
    %c0_i32 = arith.constant 0 : i32
    %c0_i32_0 = arith.constant 0 : i32
    return %arg0, %c0_i32 : i32, i32
  }
  func.func @transform_11(%arg0: i32) -> (i32, i32) {
    %c0_i32 = arith.constant 0 : i32
    %c0_i32_0 = arith.constant 0 : i32
    return %arg0, %c0_i32 : i32, i32
  }
  func.func @transform_12(%arg0: i32) -> (i32, i32) {
    %c0_i32 = arith.constant 0 : i32
    %c0_i32_0 = arith.constant 0 : i32
    return %arg0, %c0_i32 : i32, i32
  }
  func.func @transform_13(%arg0: i32) -> (i32, i32) {
    %c0_i32 = arith.constant 0 : i32
    %c0_i32_0 = arith.constant 0 : i32
    return %arg0, %c0_i32 : i32, i32
  }
  func.func @transform_14(%arg0: i32) -> (i32, i32) {
    %c0_i32 = arith.constant 0 : i32
    %c0_i32_0 = arith.constant 0 : i32
    return %arg0, %c0_i32 : i32, i32
  }
  func.func @transform_15(%arg0: i32) -> (i32, i32) {
    %c0_i32 = arith.constant 0 : i32
    %c0_i32_0 = arith.constant 0 : i32
    return %arg0, %c0_i32 : i32, i32
  }
  func.func @transform_16(%arg0: i32) -> (i32, i32) {
    %c0_i32 = arith.constant 0 : i32
    %c0_i32_0 = arith.constant 0 : i32
    return %arg0, %c0_i32 : i32, i32
  }
  func.func @transform_17(%arg0: i32) -> (i32, i32) {
    %c0_i32 = arith.constant 0 : i32
    %c0_i32_0 = arith.constant 0 : i32
    return %arg0, %c0_i32 : i32, i32
  }
  func.func @transform_18(%arg0: i32) -> (i32, i32) {
    %c0_i32 = arith.constant 0 : i32
    %c0_i32_0 = arith.constant 0 : i32
    return %arg0, %c0_i32 : i32, i32
  }
  func.func @transform_19(%arg0: i32) -> (i32, i32) {
    %c0_i32 = arith.constant 0 : i32
    %c0_i32_0 = arith.constant 0 : i32
    return %arg0, %c0_i32 : i32, i32
  }
  func.func @transform_20(%arg0: i32) -> (i32, i32) {
    %c0_i32 = arith.constant 0 : i32
    %c0_i32_0 = arith.constant 0 : i32
    return %arg0, %c0_i32 : i32, i32
  }
  func.func @transform_21(%arg0: i32) -> (i32, i32) {
    %c0_i32 = arith.constant 0 : i32
    %c0_i32_0 = arith.constant 0 : i32
    %c0_i32_1 = arith.constant 0 : i32
    return %c0_i32, %c0_i32_0 : i32, i32
  }
  func.func @transform_22(%arg0: i32) -> (i32, i32) {
    %c0_i32 = arith.constant 0 : i32
    %c0_i32_0 = arith.constant 0 : i32
    %c0_i32_1 = arith.constant 0 : i32
    return %c0_i32, %c0_i32_0 : i32, i32
  }
  func.func @transform_23(%arg0: i32) -> (i32, i32) {
    %c0_i32 = arith.constant 0 : i32
    %c0_i32_0 = arith.constant 0 : i32
    %c0_i32_1 = arith.constant 0 : i32
    return %c0_i32, %c0_i32_0 : i32, i32
  }
  func.func @transform_24(%arg0: i32) -> (i32, i32) {
    %c0_i32 = arith.constant 0 : i32
    %c0_i32_0 = arith.constant 0 : i32
    %c0_i32_1 = arith.constant 0 : i32
    return %c0_i32, %c0_i32_0 : i32, i32
  }
  func.func @transform_25(%arg0: i32) -> (i32, i32) {
    %c0_i32 = arith.constant 0 : i32
    %c0_i32_0 = arith.constant 0 : i32
    %c0_i32_1 = arith.constant 0 : i32
    return %c0_i32, %c0_i32_0 : i32, i32
  }
  func.func @transform_26(%arg0: i32) -> (i32, i32) {
    %c0_i32 = arith.constant 0 : i32
    %c0_i32_0 = arith.constant 0 : i32
    %c0_i32_1 = arith.constant 0 : i32
    return %c0_i32, %c0_i32_0 : i32, i32
  }
  func.func @transform_27(%arg0: i32) -> (i32, i32) {
    %c0_i32 = arith.constant 0 : i32
    %c0_i32_0 = arith.constant 0 : i32
    %c0_i32_1 = arith.constant 0 : i32
    return %c0_i32, %c0_i32_0 : i32, i32
  }
  func.func @transform_28(%arg0: i32) -> (i32, i32) {
    %c0_i32 = arith.constant 0 : i32
    %c0_i32_0 = arith.constant 0 : i32
    %c0_i32_1 = arith.constant 0 : i32
    return %c0_i32, %c0_i32_0 : i32, i32
  }
  func.func @transform_29(%arg0: i32) -> (i32, i32) {
    %c0_i32 = arith.constant 0 : i32
    %c0_i32_0 = arith.constant 0 : i32
    %c0_i32_1 = arith.constant 0 : i32
    return %c0_i32, %c0_i32_0 : i32, i32
  }
  func.func @transform_30(%arg0: i32) -> (i32, i32) {
    %c0_i32 = arith.constant 0 : i32
    %c0_i32_0 = arith.constant 0 : i32
    %c0_i32_1 = arith.constant 0 : i32
    return %c0_i32, %c0_i32_0 : i32, i32
  }
  func.func @transform_31(%arg0: i32) -> (i32, i32) {
    %c0_i32 = arith.constant 0 : i32
    %c0_i32_0 = arith.constant 0 : i32
    %c0_i32_1 = arith.constant 0 : i32
    return %c0_i32, %c0_i32_0 : i32, i32
  }
  func.func @transform_32(%arg0: i32) -> (i32, i32) {
    %c0_i32 = arith.constant 0 : i32
    %c0_i32_0 = arith.constant 0 : i32
    %c0_i32_1 = arith.constant 0 : i32
    return %c0_i32, %c0_i32_0 : i32, i32
  }
  func.func @transform_33(%arg0: i32) -> (i32, i32) {
    %c0_i32 = arith.constant 0 : i32
    %c0_i32_0 = arith.constant 0 : i32
    %c0_i32_1 = arith.constant 0 : i32
    return %c0_i32, %c0_i32_0 : i32, i32
  }
  func.func @transform_34(%arg0: i32) -> (i32, i32) {
    %c0_i32 = arith.constant 0 : i32
    %c0_i32_0 = arith.constant 0 : i32
    %c0_i32_1 = arith.constant 0 : i32
    return %c0_i32, %c0_i32_0 : i32, i32
  }
  func.func @transform_35(%arg0: i32) -> (i32, i32) {
    %c0_i32 = arith.constant 0 : i32
    %c0_i32_0 = arith.constant 0 : i32
    %c0_i32_1 = arith.constant 0 : i32
    return %c0_i32, %c0_i32_0 : i32, i32
  }
  func.func @transform_36(%arg0: i32) -> (i32, i32) {
    %c0_i32 = arith.constant 0 : i32
    %c0_i32_0 = arith.constant 0 : i32
    %c0_i32_1 = arith.constant 0 : i32
    return %c0_i32, %c0_i32_0 : i32, i32
  }
  func.func @transform_37(%arg0: i32) -> (i32, i32) {
    %c0_i32 = arith.constant 0 : i32
    %c0_i32_0 = arith.constant 0 : i32
    return %arg0, %c0_i32 : i32, i32
  }
}

</mosaic_0001>

<sc_bundles>
// kernel: kernel.4.cloned.1.call-start
scs
__scs_entry_jumppad:
0x0: {  	(pc) =	sbr.rel $0x88, $3  }
0x1: {  	(tag) =	ssettag $0x0;
	lr =	simm.s32 $0x1  }
0x2: {  	[smem:$0x3F86] =	sst lr;
	_ =	strace $0xD0000000  }
0x3: {  	_ = 	snop  }
0x4: {  	_ = 	snop  }
0x5: {  	_ = 	snop  }
0x6: {  	_ = 	snop  }
0x7: {  	_ = 	snop  }
__scs_overlays_trampoline_lowered:
0x8: {  	[smem:$0x3F95] =	sst s0  }
0x9: {  	[smem:$0x3F96] =	sst s1  }
0xa: {  	[smem:$0x3F97] =	sst s2  }
0xb: {  	[smem:$0x3F98] =	sst s3  }
0xc: {  	[smem:$0x3F99] =	sst s4  }
0xd: {  	[smem:$0x3F9A] =	sst s5  }
0xe: {  	[smem:$0x3F9B] =	sst s6  }
0xf: {  	[smem:$0x3F9C] =	sst s7  }
0x10: {  	[smem:$0x3F9D] =	sst s8  }
0x11: {  	[smem:$0x3F9E] =	sst s9;
	s0 =	simm.s32 @!p0 $0x0  }
0x12: {  	s1 =	sld [smem:$0x3F84];
	s0 =	simm.s32 @p0 $0x1  }
0x13: {  	[smem:$0x3F9F] =	sst s0;
	s0 =	simm.s32 @!p1 $0x0  }
0x14: {  	s2 =	sld [smem:$0x3F83];
	s0 =	simm.s32 @p1 $0x1  }
0x15: {  	[smem:$0x3FA0] =	sst s0;
	s0 =	simm.s32 @!p2 $0x0  }
0x16: {  	s3 =	sld [smem:$0x3FDB];
	s0 =	simm.s32 @p2 $0x1  }
0x17: {  	s4 =	simm.s32 $0x1BF5;
	[smem:$0x3FA2] =	sst s0  }
0x18: {  	s0 =	sld [smem:$0x3F85];
	_ =	swait.ge [sflag:s4], $0x0  }
0x19: {  	s7 =	sld [smem:$0x3F86]  }
0x1a: {  	s8 =	sadd.s32 $0xFFFFE003, lr  }
0x1b: {  	s9 =	sadd.s32 $0xFFFFFEF7, lr;
	s5 =	simm.s32 $0xFFFFFFFF;
	p2 =	slt.u32 s8, $0xFFFFF086  }
0x1c: {  	p1 =	slt.u32 s9, $0xF7A;
	s5 =	simm.s32 @!p2 $0x0  }
0x1d: {  	s5 =	simm.s32 @p1 $0x1;
	p0 =	seq.s32 s7, s2  }
0x1e: {  	s7 =	smul.u32 @!p0 $0xF7A, s2;
	p2 =	seq.s32 @!p0 s5, $0x0  }
0x1f: {  	s9 =	smul.u32 $0xF7A, s1;
	s8 =	simm.s32 @!p0 $0x1BF5;
	p2 =	por !p2, p0  }
0x20: {  	[sflag:s8] =	ssyncset.s32 @!p0 $0xFFFFF086;
	s6 =	sadd.s32 @!p0 s3, s7;
	s7 =	simm.s32 @!p0 $0x108  }
0x21: {  	s3 =	sadd.s32 s3, s9;
	s6 =	sadd.s32 @!p0 $0x88, s6;
	s7 =	simm.s32 @p2 $0x1082  }
0x22: {  	[simem:s7], [sflag:s8] =	dma.local @!p0 [hbm:s6], $0xF7A  }
0x23: {  	s9 =	sor.u32 $0xD0000000, s2;
	s6 =	simm.s32 $0x108;
	_ =	swait.ge @!p0 [sflag:s8], $0x0  }
0x24: {  	s3 =	sadd.s32 $0x88, s3;
	s6 =	simm.s32 @!p1 $0x1082;
	[sflag:s4] =	ssyncset.s32 $0xFFFFF086  }
0x25: {  	[simem:s6], [sflag:s4] =	dma.local [hbm:s3], $0xF7A  }
0x26: {  	[smem:$0x3F86] =	sst s1;
	(tag) =	ssettag s2;
	_ =	strace s9  }
0x27: {  	s1 =	sld [smem:$0x3F96]  }
0x28: {  	s2 =	sld [smem:$0x3F97]  }
0x29: {  	s4 =	sld [smem:$0x3F99]  }
0x2a: {  	p0 =	seq.s32 s5, $0x0;
	s5 =	sld [smem:$0x3F9A]  }
0x2b: {  	s6 =	sld [smem:$0x3F9B]  }
0x2c: {  	s7 =	sld [smem:$0x3F9C]  }
0x2d: {  	s3 =	simm.s32 $0x108;
	s8 =	sld [smem:$0x3F9D]  }
0x2e: {  	s3 =	simm.s32 @!p0 $0x1082;
	s9 =	sld [smem:$0x3F9E]  }
0x2f: {  	lr =	sadd.s32 s0, s3;
	s0 =	sld [smem:$0x3F95]  }
0x30: {  	s3 =	sld [smem:$0x3F98]  }
0x31: {  	[smem:$0x3FA1] =	sst s10  }
0x32: {  	s10 =	sld [smem:$0x3F9F];
	_ =	sdelay $0x3  }
0x33: {  	p0 =	seq.s32 s10, $0x1;
	s10 =	sld [smem:$0x3FA1];
	_ =	sdelay $0x3  }
0x34: {  	[smem:$0x3FA1] =	sst s10  }
0x35: {  	s10 =	sld [smem:$0x3FA0];
	_ =	sdelay $0x3  }
0x36: {  	p1 =	seq.s32 s10, $0x1;
	s10 =	sld [smem:$0x3FA1];
	_ =	sdelay $0x3  }
0x37: {  	[smem:$0x3FA1] =	sst s10  }
0x38: {  	s10 =	sld [smem:$0x3FA2]  }
0x39: {  	_ = 	snop;
	(pc) =	sbr.ind lr, $3  }
0x3a: {  	_ = 	snop  }
0x3b: {  	_ = 	snop  }
0x3c: {  	p2 =	seq.s32 s10, $0x1;
	s10 =	sld [smem:$0x3FA1]  }
0x3d: {  	_ =	shalt  }
0x3e: {  	_ =	shalt  }
0x3f: {  	_ =	shalt  }
0x40: {  	_ =	shalt  }
0x41: {  	_ =	shalt  }
0x42: {  	_ =	shalt  }
0x43: {  	_ =	shalt  }
0x44: {  	_ =	shalt  }
0x45: {  	_ =	shalt  }
0x46: {  	_ =	shalt  }
0x47: {  	_ =	shalt  }
0x48: {  	_ =	shalt  }
0x49: {  	_ =	shalt  }
0x4a: {  	_ =	shalt  }
0x4b: {  	_ =	shalt  }
0x4c: {  	_ =	shalt  }
0x4d: {  	_ =	shalt  }
0x4e: {  	_ =	shalt  }
0x4f: {  	_ =	shalt  }
0x50: {  	_ =	shalt  }
0x51: {  	_ =	shalt  }
0x52: {  	_ =	shalt  }
0x53: {  	_ =	shalt  }
0x54: {  	_ =	shalt  }
0x55: {  	_ =	shalt  }
0x56: {  	_ =	shalt  }
0x57: {  	_ =	shalt  }
0x58: {  	_ =	shalt  }
0x59: {  	_ =	shalt  }
0x5a: {  	_ =	shalt  }
0x5b: {  	_ =	shalt  }
0x5c: {  	_ =	shalt  }
0x5d: {  	_ =	shalt  }
0x5e: {  	_ =	shalt  }
0x5f: {  	_ =	shalt  }
0x60: {  	_ =	shalt  }
0x61: {  	_ =	shalt  }
0x62: {  	_ =	shalt  }
0x63: {  	_ =	shalt  }
0x64: {  	_ =	shalt  }
0x65: {  	_ =	shalt  }
0x66: {  	_ =	shalt  }
0x67: {  	_ =	shalt  }
0x68: {  	_ =	shalt  }
0x69: {  	_ =	shalt  }
0x6a: {  	_ =	shalt  }
0x6b: {  	_ =	shalt  }
0x6c: {  	_ =	shalt  }
0x6d: {  	_ =	shalt  }
0x6e: {  	_ =	shalt  }
0x6f: {  	_ =	shalt  }
0x70: {  	_ =	shalt  }
0x71: {  	_ =	shalt  }
0x72: {  	_ =	shalt  }
0x73: {  	_ =	shalt  }
0x74: {  	_ =	shalt  }
0x75: {  	_ =	shalt  }
0x76: {  	_ =	shalt  }
0x77: {  	_ =	shalt  }
0x78: {  	_ =	shalt  }
0x79: {  	_ =	shalt  }
0x7a: {  	_ =	shalt  }
0x7b: {  	_ =	shalt  }
0x7c: {  	_ =	shalt  }
0x7d: {  	_ =	shalt  }
0x7e: {  	_ =	shalt  }
0x7f: {  	_ =	shalt  }
0x80: {  	_ =	shalt  }
0x81: {  	_ =	shalt  }
0x82: {  	_ =	shalt  }
0x83: {  	_ =	shalt  }
0x84: {  	_ =	shalt  }
0x85: {  	_ =	shalt  }
0x86: {  	_ =	shalt  }
0x87: {  	_ =	shalt  }
.Lfunc_end0:
.L_simem_size_0:
called_computation_lowered:
.L_overlay_start_0:
0x88: {  	s2 =	sld [smem:$0x3FD9]  }
0x89: {  	s3 =	sld [smem:$0x3FFE];
	_ =	sdelay $0x1  }
0x8a: {  	s1 =	srdreg.scid  }
0x8b: {  	s0 =	sand.u32 $0x1, s1  }
0x8c: {  	s17 =	sshll.u32 s0, $0xA;
	s2 =	sadd.s32 s3, s2  }
0x8d: {  	s2 =	sadd.s32 s2, s17  }
0x8e: {  	[smem:$0x3FAD] =	sst s2  }
0x8f: {  	_ = 	snop  }
0x90: {  	s2 =	sld [smem:$0x3FC8]  }
0x91: {  	s18 =	sld [smem:$0x3FC6]  }
0x92: {  	s4 =	sld [smem:$0x3FC5]  }
0x93: {  	s5 =	sld [smem:$0x3FC4]  }
0x94: {  	s6 =	sld [smem:$0x3FC3]  }
0x95: {  	s7 =	sld [smem:$0x3FC2]  }
0x96: {  	s8 =	sld [smem:$0x3FC1]  }
0x97: {  	s9 =	sld [smem:$0x3FC0]  }
0x98: {  	s10 =	sld [smem:$0x3FBF]  }
0x99: {  	s11 =	sld [smem:$0x3FBE]  }
0x9a: {  	s12 =	sld [smem:$0x3FD0];
	(tm) =	ssettm $0x1  }
0x9b: {  	s13 =	sld [smem:$0x3FFB];
	_ =	sdelay $0x3  }
0x9c: {  	_ =	strace s13  }
0x9d: {  	s13 =	sld [smem:$0x3FFC];
	_ =	sdelay $0x3  }
0x9e: {  	_ =	strace s13  }
0x9f: {  	s13 =	sld [smem:$0x3FFD];
	_ =	sdelay $0x3  }
0xa0: {  	_ =	strace s13  }
0xa1: {  	_ =	strace $0x8FFFFFFF  }
0xa2: {  	s19 =	sld [smem:$0x3FDB];
	_ =	sdelay $0x1  }
0xa3: {  	s14 =	simm.s32 $_scs_section_size  }
0xa4: {  	s15 =	simm.s32 $_size__tile_overlayer_lowered;
	s16 =	simm.s32 $_tile_overlayer_lowered  }
0xa5: {  	s22 =	simm.s32 $0x1BFF;
	s21 =	sshll.u32 s16, $0x1;
	s13 =	sadd.s32 s14, s19  }
0xa6: {  	s20 =	sshll.u32 s15, $0x1;
	s17 =	simm.s32 $0x0;
	s15 =	sadd.s32 s21, s13  }
0xa7: {  	[timem:s17], [sflag:s22] =	dma.local [hbm:s15], s20  }
0xa8: {  	_ =	swait.ge [sflag:s22], s20  }
0xa9: {  	s14 =	ssub.s32 $0x0, s20;
	[sflag:s22] =	ssyncset.done $0x0  }
0xaa: {  	[sflag:s22] =	ssyncadd.s32 s14;
	_ =	sdelay $0x1  }
0xab: {  	s23 =	simm.s32 $0x1B8B  }
0xac: {  	_ =	swait.ge [sflag:s23], $0x1  }
0xad: {  	[sflag:s23] =	ssyncset.done $0x0  }
0xae: {  	s25 =	simm.s32 $0x1B8E;
	s24 =	sld [smem:$0x3FFE];
	[sflag:s23] =	ssyncadd.s32 $0xFFFFFFFF  }
0xaf: {  	s26 =	simm.s32 $execute0_lowered;
	[smem:$0x3FD2] =	sst s25  }
0xb0: {  	s15 =	sshll.u32 s26, $0x1;
	_ =	strace $0x80000046;
	[dreg:$0x1] =	wrdreg $0xFFFFFFFF  }
0xb1: {  	s28 =	simm.s32 $_size_execute0_lowered;
	s13 =	sadd.s32 s13, s15;
	[dreg:$0x0] =	wrdreg $0x0  }
0xb2: {  	s15 =	sshll.u32 s28, $0x1;
	[dreg:$0x2] =	wrdreg s13  }
0xb3: {  	[dreg:$0x3] =	wrdreg s15  }
0xb4: {  	[dreg:$0x4] =	wrdreg $0xC0  }
0xb5: {  	_ =	task [dreg:s17], $0x5FFFF  }
0xb6: {  	[dreg:$0x1] =	wrdreg $0xFFFFFFFF  }
0xb7: {  	[dreg:$0x0] =	wrdreg $0x60  }
0xb8: {  	[dreg:$0x2] =	wrdreg s24  }
0xb9: {  	[dreg:$0x3] =	wrdreg s12  }
0xba: {  	[dreg:$0x4] =	wrdreg s2  }
0xbb: {  	[dreg:$0x5] =	wrdreg s18  }
0xbc: {  	[dreg:$0x6] =	wrdreg s4  }
0xbd: {  	[dreg:$0x7] =	wrdreg s5  }
0xbe: {  	[dreg:$0x8] =	wrdreg s6  }
0xbf: {  	[dreg:$0x9] =	wrdreg s7  }
0xc0: {  	[dreg:$0xa] =	wrdreg s8  }
0xc1: {  	[dreg:$0xb] =	wrdreg s9  }
0xc2: {  	[dreg:$0xc] =	wrdreg s10  }
0xc3: {  	[dreg:$0xd] =	wrdreg s11  }
0xc4: {  	[dreg:$0xe] =	wrdreg $0x9  }
0xc5: {  	_ =	task.clear_ibuf [dreg:s17], $0xFFFFF;
	_ =	strace $0x90000046  }
0xc6: {  	s29 =	simm.s32 $0x9;
	_ =	strace $0x80000048  }
0xc7: {  	_ =	swait.ge [sflag:s29], $0x1  }
0xc8: {  	[sflag:s29] =	ssyncadd.s32 $0xFFFFFFFF  }
0xc9: {  	_ =	strace $0x90000048  }
0xca: {  	_ =	sfence  }
0xcb: {  	s30 =	sld [smem:$0x0];
	_ =	sdelay $0x2  }
0xcc: {  	s31 =	sshll.u32 s1, $0xD;
	s1 =	sshrl.u32 s1, $0x2  }
0xcd: {  	s3 =	sand.u32 $0x4000, s31;
	s1 =	sadd.s32 s1, s30  }
0xce: {  	s0 =	sor.u32 s3, s0;
	s1 =	sshll.u32 s1, $0x11  }
0xcf: {  	s0 =	sor.u32 s1, s0  }
0xd0: {  	s0 =	sadd.s32 $0x8F2B, s0  }
0xd1: {  	[sflag:s0] =	ssyncadd.remote.s32 $0x1  }
0xd2: {  	_ =	sfence.sel $0xFFFF  }
0xd3: {  	[dreg:$0x0] =	wrdreg $0xFFFFFFFF;
	(pc) =	sbr.abs _section_cstart, $3  }
0xd4: {  	[dreg:$0x1] =	wrdreg $0xFFFFFFFF  }
0xd5: {  	_ =	task.clear_ibuf [dreg:s17], $0x2FFFF;
	_ =	strace $0x9FFFFFFF  }
0xd6: {  	(tm) =	ssettm $0x7FFFFFFF  }
0xd7: {  	_ =	shalt  }
tec
execute0_lowered:
.L_overlay_start_1:
0x0: {  	(tag) =	ssettag $0x1  }
0x1: {  	s1 =	rddreg [dreg:$0x0]  }
0x2: {  	s2 =	rddreg [dreg:$0x1]  }
0x3: {  	s0 =	rddreg [dreg:$0x2];
	s3 =	srdreg.scid  }
0x4: {  	s4 =	stileid.u32;
	s11 =	rddreg [dreg:$0xb];
	s3 =	sand.u32 $0x1, s3  }
0x5: {  	s12 =	simm.s32 $0x0;
	s4 =	sshll.u32 s4, $0x6;
	s5 =	sshll.u32 s3, $0x5  }
0x6: {  	s21 =	simm.s32 $0x900;
	[smem:$0x7FF] =	sst s12;
	s4 =	sor.u32 s5, s4  }
0x7: {  	_ =	strace $0x80000047;
	[smem:$0x7F8] =	sst s21;
	s5 =	sshrl.u32 s4, $0x3  }
0x8: {  	s7 =	sshll.u32 s4, $0x5;
	s6 =	sadd.s32 s5, s1;
	s2 =	sadd.s32 s2, s5  }
0x9: {  	s7 =	sadd.s32 s7, s1;
	s6 =	sadd.s32 $0x5800, s6;
	[dreg:$0xe] =	wrdreg s2  }
0xa: {  	s4 =	sshll.u32 s4, $0x4;
	s22 =	sadd.s32 $0x5A00, s7;
	[dreg:$0xd] =	wrdreg s6  }
0xb: {  	s1 =	sadd.s32 s4, s1;
	s23 =	sadd.s32 $0xDA00, s7;
	[dreg:$0xf] =	wrdreg s22  }
0xc: {  	s24 =	sadd.s32 $0x15A00, s1;
	[dreg:$0x10] =	wrdreg s23  }
0xd: {  	s25 =	sadd.s32 $0x19A00, s1;
	[dreg:$0x11] =	wrdreg s24  }
0xe: {  	s26 =	sadd.s32 $0x1DA00, s1;
	[dreg:$0x12] =	wrdreg s25  }
0xf: {  	s4 =	sadd.s32 $0x21A00, s1;
	[dreg:$0x13] =	wrdreg s26  }
0x10: {  	s5 =	sadd.s32 $0x25A00, s1;
	[dreg:$0x14] =	wrdreg s4  }
0x11: {  	s28 =	simm.s32 $0xC100;
	s7 =	sadd.s32 $0x2DA00, s1;
	[dreg:$0x15] =	wrdreg s5  }
0x12: {  	s29 =	simm.s32 $0xD100;
	s8 =	sadd.s32 $0x31A00, s1;
	[dreg:$0x17] =	wrdreg s7  }
0x13: {  	s30 =	simm.s32 $0xE100;
	s9 =	sadd.s32 $0x35A00, s1;
	[dreg:$0x18] =	wrdreg s8  }
0x14: {  	s31 =	simm.s32 $0xF100;
	s10 =	sadd.s32 $0x39A00, s1;
	[dreg:$0x19] =	wrdreg s9  }
0x15: {  	s20 =	ssub.s32 $0x2, s3;
	s13 =	sadd.s32 $0x3DA00, s1;
	[dreg:$0x1a] =	wrdreg s10  }
0x16: {  	s21 =	simm.s32 $0x6100;
	s14 =	sadd.s32 $0x41A00, s1;
	[dreg:$0x1b] =	wrdreg s13  }
0x17: {  	s3 =	sshrl.u32 s20, $0x1;
	s15 =	sadd.s32 $0x45A00, s1;
	[dreg:$0x1c] =	wrdreg s14  }
0x18: {  	s16 =	sadd.s32 $0x49A00, s1;
	s17 =	sadd.s32 $0x4DA00, s1;
	[dreg:$0x1d] =	wrdreg s15  }
0x19: {  	s18 =	sadd.s32 $0x51A00, s1;
	s19 =	sadd.s32 $0x55A00, s1;
	[dreg:$0x1e] =	wrdreg s16  }
0x1a: {  	s2 =	ssub.s32 s20, s3;
	s20 =	simm.s32 $0x5100;
	[dreg:$0x1f] =	wrdreg s17  }
0x1b: {  	s3 =	simm.s32 $0x14100;
	s6 =	sadd.s32 $0x29A00, s1;
	[smem:$0x7F5] =	sst s18  }
0x1c: {  	[smem:$0x7F6] =	sst s19;
	s1 =	sadd.s32 $0x59A00, s1;
	s22 =	simm.s32 $0x1100  }
0x1d: {  	s23 =	simm.s32 $0x1900;
	s13 =	smax.u32 s2, $0x1;
	s24 =	simm.s32 $0x2900  }
0x1e: {  	s14 =	simm.s32 $0x3;
	s25 =	simm.s32 $0x3100;
	[dreg:$0x16] =	wrdreg s6  }
0x1f: {  	s15 =	simm.s32 $0x80;
	s26 =	simm.s32 $0x3900;
	[smem:$0x7F7] =	sst s1  }
0x20: {  	s16 =	simm.s32 $0x100;
	s17 =	simm.s32 $0x2100;
	[smem:$0x7F9] =	sst s22  }
0x21: {  	s18 =	simm.s32 $0x20;
	s19 =	simm.s32 $0x4100;
	[smem:$0x7FA] =	sst s23  }
0x22: {  	s9 =	simm.s32 $0x10100;
	s5 =	simm.s32 $0x11100;
	[smem:$0x7FB] =	sst s24  }
0x23: {  	s2 =	simm.s32 $0x13100;
	s4 =	simm.s32 $0x15100;
	[smem:$0x7FC] =	sst s25  }
0x24: {  	v2 =	vlaneseq.u32;
	s7 =	simm.s32 $0x2;
	[smem:$0x7FD] =	sst s26;
	s22 =	simm.s32 $0x7100  }
0x25: {  	vm0 =	vmmov $0xffff;
	v1 =	vshrl.u32 v2, $0x3;
	s23 =	simm.s32 $0x8100;
	s24 =	simm.s32 $0x9100;
	s25 =	simm.s32 $0xA100  }
0x26: {  	v0 =	vand.u32 $0x7, v2;
	v2 =	vor.u32 $0x8, v2;
	v1 =	vmul.u32 $0x8, v1;
	s26 =	simm.s32 $0xB100;
	s1 =	simm.s32 $0x12100;
	s6 =	simm.s32 $0x1  }
.LBB2_1:
0x27: {  	s8 =	rddreg [dreg:$0xd]  }
0x28: {  	[tilespmem:s12], [sflag:$0x3] =	stream.linear.gather [hbm4b:s8+s12], $0x20, $0x38;
	[tilespmem:$0x16100] =	vst v63  }
0x29: {  	_ =	swait.ge [sflag:s14], $0x20  }
0x2a: {  	[sflag:s14] =	ssyncset.done $0x0  }
0x2b: {  	s10 =	rddreg [dreg:$0xe];
	[sflag:s14] =	ssyncadd.s32 $0xFFFFFFE0  }
0x2c: {  	[tilespmem:s15], [sflag:$0x3] =	stream.linear.gather [hbm4b:s10+s12], $0x20, $0x38;
	[tilespmem:$0x16100] =	vst v63  }
0x2d: {  	_ =	swait.ge [sflag:s14], $0x20  }
0x2e: {  	[sflag:s14] =	ssyncset.done $0x0  }
0x2f: {  	[sflag:s14] =	ssyncadd.s32 $0xFFFFFFE0  }
0x30: {  	v3 =	vld [tilespmem:$0x0];
	_ =	sdelay $0x4  }
0x31: {  	v4 =	vshll.u32 v3, $0x1  }
0x32: {  	v3 =	vand.u32 $0x7, v3;
	v4 =	vand.u32 $0xFFFFFFF0, v4  }
0x33: {  	v3 =	vor.u32 v3, v4  }
0x34: {  	v4 =	vperm.xlane v3, v0;
	_ =	sdelay $0x1  }
0x35: {  	v3 =	vperm.xlane v3, v2;
	v4 =	vadd.s32 v1, v4;
	_ =	sdelay $0x1  }
0x36: {  	v3 =	vadd.s32 v1, v3;
	_ =	sdelay $0x1  }
0x37: {  	s10 =	sld [smem:$0x7F8]  }
0x38: {  	[tilespmem:s16], [sflag:$0x1] =	stream.indirect_vreg.gather [hbm4b:s0+s12], $0x80, v4, vm0, $0xb8;
	[tilespmem:$0x16100] =	vst v63  }
0x39: {  	_ = 	snop  }
0x3a: {  	[tilespmem:s10], [sflag:$0x1] =	stream.indirect_vreg.gather [hbm4b:s0+s12], $0x80, v3, vm0, $0xb8;
	[tilespmem:$0x16100] =	vst v63  }
0x3b: {  	v3 =	vld [tilespmem:$0x10];
	_ =	sdelay $0x4  }
0x3c: {  	v61 =	vshll.u32 v3, $0x1  }
0x3d: {  	v3 =	vand.u32 $0x7, v3;
	v4 =	vand.u32 $0xFFFFFFF0, v61  }
0x3e: {  	v3 =	vor.u32 v3, v4  }
0x3f: {  	v4 =	vperm.xlane v3, v0;
	_ =	sdelay $0x1  }
0x40: {  	v3 =	vperm.xlane v3, v2;
	v4 =	vadd.s32 v1, v4;
	_ =	sdelay $0x1  }
0x41: {  	s8 =	sld [smem:$0x7F9];
	v3 =	vadd.s32 v1, v3;
	_ =	sdelay $0x1  }
0x42: {  	s10 =	sld [smem:$0x7FA]  }
0x43: {  	[tilespmem:s8], [sflag:$0x1] =	stream.indirect_vreg.gather [hbm4b:s0+s12], $0x80, v4, vm0, $0xb8;
	[tilespmem:$0x16100] =	vst v63  }
0x44: {  	_ = 	snop  }
0x45: {  	[tilespmem:s10], [sflag:$0x1] =	stream.indirect_vreg.gather [hbm4b:s0+s12], $0x80, v3, vm0, $0xb8;
	[tilespmem:$0x16100] =	vst v63  }
0x46: {  	v3 =	vld [tilespmem:$0x80];
	_ =	sdelay $0x4  }
0x47: {  	v62 =	vshll.u32 v3, $0x1  }
0x48: {  	v3 =	vand.u32 $0x7, v3;
	v4 =	vand.u32 $0xFFFFFFF0, v62  }
0x49: {  	v3 =	vor.u32 v3, v4  }
0x4a: {  	v4 =	vperm.xlane v3, v0;
	_ =	sdelay $0x1  }
0x4b: {  	v3 =	vperm.xlane v3, v2;
	v4 =	vadd.s32 v1, v4;
	_ =	sdelay $0x1  }
0x4c: {  	v3 =	vadd.s32 v1, v3;
	_ =	sdelay $0x1  }
0x4d: {  	s10 =	sld [smem:$0x7FB]  }
0x4e: {  	[tilespmem:s17], [sflag:$0x1] =	stream.indirect_vreg.gather [hbm4b:s0+s12], $0x80, v4, vm0, $0xb8;
	[tilespmem:$0x16100] =	vst v63  }
0x4f: {  	_ = 	snop  }
0x50: {  	[tilespmem:s10], [sflag:$0x1] =	stream.indirect_vreg.gather [hbm4b:s0+s12], $0x80, v3, vm0, $0xb8;
	[tilespmem:$0x16100] =	vst v63  }
0x51: {  	v3 =	vld [tilespmem:$0x90];
	_ =	sdelay $0x4  }
0x52: {  	v63 =	vshll.u32 v3, $0x1  }
0x53: {  	v3 =	vand.u32 $0x7, v3;
	v4 =	vand.u32 $0xFFFFFFF0, v63  }
0x54: {  	v3 =	vor.u32 v3, v4  }
0x55: {  	v4 =	vperm.xlane v3, v0;
	_ =	sdelay $0x1  }
0x56: {  	v3 =	vperm.xlane v3, v2;
	v4 =	vadd.s32 v1, v4;
	_ =	sdelay $0x1  }
0x57: {  	s8 =	sld [smem:$0x7FC];
	v3 =	vadd.s32 v1, v3;
	_ =	sdelay $0x1  }
0x58: {  	s10 =	sld [smem:$0x7FD]  }
0x59: {  	[tilespmem:s8], [sflag:$0x1] =	stream.indirect_vreg.gather [hbm4b:s0+s12], $0x80, v4, vm0, $0xb8;
	[tilespmem:$0x16100] =	vst v63  }
0x5a: {  	_ = 	snop  }
0x5b: {  	[tilespmem:s10], [sflag:$0x1] =	stream.indirect_vreg.gather [hbm4b:s0+s12], $0x80, v3, vm0, $0xb8;
	[tilespmem:$0x16100] =	vst v63  }
0x5c: {  	s10 =	rddreg [dreg:$0x3]  }
0x5d: {  	[tilespmem:s19], [sflag:$0x1] =	stream.indirect.gather [hbm4b:s10+s18], $0x80, s12, s18, $0xb8;
	[tilespmem:$0x16100] =	vst v63  }
0x5e: {  	_ = 	snop  }
0x5f: {  	[tilespmem:s20], [sflag:$0x1] =	stream.indirect.gather [hbm4b:s10+s18], $0x80, s15, s18, $0xb8;
	[tilespmem:$0x16100] =	vst v63  }
0x60: {  	s10 =	rddreg [dreg:$0x4]  }
0x61: {  	[tilespmem:s21], [sflag:$0x1] =	stream.indirect.gather [hbm4b:s10+s18], $0x80, s12, s18, $0xb8;
	[tilespmem:$0x16100] =	vst v63  }
0x62: {  	_ = 	snop  }
0x63: {  	[tilespmem:s22], [sflag:$0x1] =	stream.indirect.gather [hbm4b:s10+s18], $0x80, s15, s18, $0xb8;
	[tilespmem:$0x16100] =	vst v63  }
0x64: {  	s10 =	rddreg [dreg:$0x5]  }
0x65: {  	[tilespmem:s23], [sflag:$0x1] =	stream.indirect.gather [hbm4b:s10+s18], $0x80, s12, s18, $0xb8;
	[tilespmem:$0x16100] =	vst v63  }
0x66: {  	_ = 	snop  }
0x67: {  	[tilespmem:s24], [sflag:$0x1] =	stream.indirect.gather [hbm4b:s10+s18], $0x80, s15, s18, $0xb8;
	[tilespmem:$0x16100] =	vst v63  }
0x68: {  	s10 =	rddreg [dreg:$0x6]  }
0x69: {  	[tilespmem:s25], [sflag:$0x1] =	stream.indirect.gather [hbm4b:s10+s18], $0x80, s12, s18, $0xb8;
	[tilespmem:$0x16100] =	vst v63  }
0x6a: {  	_ = 	snop  }
0x6b: {  	[tilespmem:s26], [sflag:$0x1] =	stream.indirect.gather [hbm4b:s10+s18], $0x80, s15, s18, $0xb8;
	[tilespmem:$0x16100] =	vst v63  }
0x6c: {  	s10 =	rddreg [dreg:$0x7]  }
0x6d: {  	[tilespmem:s28], [sflag:$0x1] =	stream.indirect.gather [hbm4b:s10+s18], $0x80, s12, s18, $0xb8;
	[tilespmem:$0x16100] =	vst v63  }
0x6e: {  	_ = 	snop  }
0x6f: {  	[tilespmem:s29], [sflag:$0x1] =	stream.indirect.gather [hbm4b:s10+s18], $0x80, s15, s18, $0xb8;
	[tilespmem:$0x16100] =	vst v63  }
0x70: {  	s10 =	rddreg [dreg:$0x8]  }
0x71: {  	[tilespmem:s30], [sflag:$0x1] =	stream.indirect.gather [hbm4b:s10+s18], $0x80, s12, s18, $0xb8;
	[tilespmem:$0x16100] =	vst v63  }
0x72: {  	_ = 	snop  }
0x73: {  	[tilespmem:s31], [sflag:$0x1] =	stream.indirect.gather [hbm4b:s10+s18], $0x80, s15, s18, $0xb8;
	[tilespmem:$0x16100] =	vst v63  }
0x74: {  	s10 =	rddreg [dreg:$0x9]  }
0x75: {  	[tilespmem:s9], [sflag:$0x1] =	stream.indirect.gather [hbm4b:s10+s18], $0x80, s12, s18, $0xb8;
	[tilespmem:$0x16100] =	vst v63  }
0x76: {  	_ = 	snop  }
0x77: {  	[tilespmem:s5], [sflag:$0x1] =	stream.indirect.gather [hbm4b:s10+s18], $0x80, s15, s18, $0xb8;
	[tilespmem:$0x16100] =	vst v63  }
0x78: {  	s10 =	rddreg [dreg:$0xa]  }
0x79: {  	[tilespmem:s1], [sflag:$0x1] =	stream.indirect.gather [hbm4b:s10+s18], $0x80, s12, s18, $0xb8;
	[tilespmem:$0x16100] =	vst v63  }
0x7a: {  	_ = 	snop  }
0x7b: {  	[tilespmem:s2], [sflag:$0x1] =	stream.indirect.gather [hbm4b:s10+s18], $0x80, s15, s18, $0xb8;
	[tilespmem:$0x16100] =	vst v63  }
0x7c: {  	_ = 	snop  }
0x7d: {  	[tilespmem:s3], [sflag:$0x1] =	stream.indirect.gather [hbm4b:s11+s18], $0x80, s12, s18, $0xb8;
	[tilespmem:$0x16100] =	vst v63  }
0x7e: {  	_ = 	snop  }
0x7f: {  	[tilespmem:s4], [sflag:$0x1] =	stream.indirect.gather [hbm4b:s11+s18], $0x80, s15, s18, $0xb8;
	[tilespmem:$0x16100] =	vst v63  }
0x80: {  	_ =	swait.ge [sflag:s6], $0x2000  }
0x81: {  	[sflag:s6] =	ssyncset.done $0x0  }
0x82: {  	[sflag:s6] =	ssyncadd.s32 $0xFFFFE000  }
0x83: {  	_ =	swait.ge [sflag:s6], $0x2000  }
0x84: {  	[sflag:s6] =	ssyncset.done $0x0  }
0x85: {  	[sflag:s6] =	ssyncadd.s32 $0xFFFFE000  }
0x86: {  	_ =	swait.ge [sflag:s6], $0x1000  }
0x87: {  	[sflag:s6] =	ssyncset.done $0x0  }
0x88: {  	[sflag:s6] =	ssyncadd.s32 $0xFFFFF000  }
0x89: {  	_ =	swait.ge [sflag:s6], $0x1000  }
0x8a: {  	[sflag:s6] =	ssyncset.done $0x0  }
0x8b: {  	[sflag:s6] =	ssyncadd.s32 $0xFFFFF000  }
0x8c: {  	_ =	swait.ge [sflag:s6], $0x1000  }
0x8d: {  	[sflag:s6] =	ssyncset.done $0x0  }
0x8e: {  	[sflag:s6] =	ssyncadd.s32 $0xFFFFF000  }
0x8f: {  	_ =	swait.ge [sflag:s6], $0x1000  }
0x90: {  	[sflag:s6] =	ssyncset.done $0x0  }
0x91: {  	[sflag:s6] =	ssyncadd.s32 $0xFFFFF000  }
0x92: {  	_ =	swait.ge [sflag:s6], $0x1000  }
0x93: {  	[sflag:s6] =	ssyncset.done $0x0  }
0x94: {  	[sflag:s6] =	ssyncadd.s32 $0xFFFFF000  }
0x95: {  	_ =	swait.ge [sflag:s6], $0x1000  }
0x96: {  	[sflag:s6] =	ssyncset.done $0x0  }
0x97: {  	[sflag:s6] =	ssyncadd.s32 $0xFFFFF000  }
0x98: {  	_ =	swait.ge [sflag:s6], $0x1000  }
0x99: {  	[sflag:s6] =	ssyncset.done $0x0  }
0x9a: {  	[sflag:s6] =	ssyncadd.s32 $0xFFFFF000  }
0x9b: {  	_ =	swait.ge [sflag:s6], $0x1000  }
0x9c: {  	[sflag:s6] =	ssyncset.done $0x0  }
0x9d: {  	[sflag:s6] =	ssyncadd.s32 $0xFFFFF000  }
0x9e: {  	_ =	swait.ge [sflag:s6], $0x1000  }
0x9f: {  	[sflag:s6] =	ssyncset.done $0x0  }
0xa0: {  	[sflag:s6] =	ssyncadd.s32 $0xFFFFF000  }
0xa1: {  	_ =	swait.ge [sflag:s6], $0x1000  }
0xa2: {  	[sflag:s6] =	ssyncset.done $0x0  }
0xa3: {  	[sflag:s6] =	ssyncadd.s32 $0xFFFFF000  }
0xa4: {  	_ =	swait.ge [sflag:s6], $0x1000  }
0xa5: {  	[sflag:s6] =	ssyncset.done $0x0  }
0xa6: {  	[sflag:s6] =	ssyncadd.s32 $0xFFFFF000  }
0xa7: {  	_ =	swait.ge [sflag:s6], $0x1000  }
0xa8: {  	[sflag:s6] =	ssyncset.done $0x0  }
0xa9: {  	[sflag:s6] =	ssyncadd.s32 $0xFFFFF000  }
0xaa: {  	_ =	swait.ge [sflag:s6], $0x1000  }
0xab: {  	[sflag:s6] =	ssyncset.done $0x0  }
0xac: {  	[sflag:s6] =	ssyncadd.s32 $0xFFFFF000  }
0xad: {  	_ =	swait.ge [sflag:s6], $0x1000  }
0xae: {  	[sflag:s6] =	ssyncset.done $0x0  }
0xaf: {  	[sflag:s6] =	ssyncadd.s32 $0xFFFFF000  }
0xb0: {  	_ =	swait.ge [sflag:s6], $0x1000  }
0xb1: {  	[sflag:s6] =	ssyncset.done $0x0  }
0xb2: {  	[sflag:s6] =	ssyncadd.s32 $0xFFFFF000  }
0xb3: {  	_ =	swait.ge [sflag:s6], $0x1000  }
0xb4: {  	[sflag:s6] =	ssyncset.done $0x0  }
0xb5: {  	[sflag:s6] =	ssyncadd.s32 $0xFFFFF000  }
0xb6: {  	_ =	swait.ge [sflag:s6], $0x1000  }
0xb7: {  	[sflag:s6] =	ssyncset.done $0x0  }
0xb8: {  	[sflag:s6] =	ssyncadd.s32 $0xFFFFF000  }
0xb9: {  	_ =	swait.ge [sflag:s6], $0x1000  }
0xba: {  	s8 =	rddreg [dreg:$0xf];
	[sflag:s6] =	ssyncset.done $0x0  }
0xbb: {  	s10 =	rddreg [dreg:$0x10];
	[sflag:s6] =	ssyncadd.s32 $0xFFFFF000  }
0xbc: {  	[hbm4b:s8+s12] =	stream.linear.scatter [tilespmem:s16], [sflag:$0x2], $0x2000, $0x38;
	[tilespmem:$0x16100] =	vst v63  }
0xbd: {  	s8 =	rddreg [dreg:$0x11]  }
0xbe: {  	[hbm4b:s10+s12] =	stream.linear.scatter [tilespmem:s17], [sflag:$0x2], $0x2000, $0x38;
	[tilespmem:$0x16100] =	vst v63  }
0xbf: {  	s10 =	rddreg [dreg:$0x12]  }
0xc0: {  	[hbm4b:s8+s12] =	stream.linear.scatter [tilespmem:s19], [sflag:$0x2], $0x1000, $0x38;
	[tilespmem:$0x16100] =	vst v63  }
0xc1: {  	s8 =	rddreg [dreg:$0x13]  }
0xc2: {  	[hbm4b:s10+s12] =	stream.linear.scatter [tilespmem:s20], [sflag:$0x2], $0x1000, $0x38;
	[tilespmem:$0x16100] =	vst v63  }
0xc3: {  	s10 =	rddreg [dreg:$0x14]  }
0xc4: {  	[hbm4b:s8+s12] =	stream.linear.scatter [tilespmem:s21], [sflag:$0x2], $0x1000, $0x38;
	[tilespmem:$0x16100] =	vst v63  }
0xc5: {  	s8 =	rddreg [dreg:$0x15]  }
0xc6: {  	[hbm4b:s10+s12] =	stream.linear.scatter [tilespmem:s22], [sflag:$0x2], $0x1000, $0x38;
	[tilespmem:$0x16100] =	vst v63  }
0xc7: {  	s10 =	rddreg [dreg:$0x16]  }
0xc8: {  	[hbm4b:s8+s12] =	stream.linear.scatter [tilespmem:s23], [sflag:$0x2], $0x1000, $0x38;
	[tilespmem:$0x16100] =	vst v63  }
0xc9: {  	s8 =	rddreg [dreg:$0x17]  }
0xca: {  	[hbm4b:s10+s12] =	stream.linear.scatter [tilespmem:s24], [sflag:$0x2], $0x1000, $0x38;
	[tilespmem:$0x16100] =	vst v63  }
0xcb: {  	s10 =	rddreg [dreg:$0x18]  }
0xcc: {  	[hbm4b:s8+s12] =	stream.linear.scatter [tilespmem:s25], [sflag:$0x2], $0x1000, $0x38;
	[tilespmem:$0x16100] =	vst v63  }
0xcd: {  	s8 =	rddreg [dreg:$0x19]  }
0xce: {  	[hbm4b:s10+s12] =	stream.linear.scatter [tilespmem:s26], [sflag:$0x2], $0x1000, $0x38;
	[tilespmem:$0x16100] =	vst v63  }
0xcf: {  	s10 =	rddreg [dreg:$0x1a]  }
0xd0: {  	[hbm4b:s8+s12] =	stream.linear.scatter [tilespmem:s28], [sflag:$0x2], $0x1000, $0x38;
	[tilespmem:$0x16100] =	vst v63  }
0xd1: {  	s8 =	rddreg [dreg:$0x1b]  }
0xd2: {  	[hbm4b:s10+s12] =	stream.linear.scatter [tilespmem:s29], [sflag:$0x2], $0x1000, $0x38;
	[tilespmem:$0x16100] =	vst v63  }
0xd3: {  	s10 =	rddreg [dreg:$0x1c]  }
0xd4: {  	[hbm4b:s8+s12] =	stream.linear.scatter [tilespmem:s30], [sflag:$0x2], $0x1000, $0x38;
	[tilespmem:$0x16100] =	vst v63  }
0xd5: {  	s8 =	rddreg [dreg:$0x1d]  }
0xd6: {  	[hbm4b:s10+s12] =	stream.linear.scatter [tilespmem:s31], [sflag:$0x2], $0x1000, $0x38;
	[tilespmem:$0x16100] =	vst v63  }
0xd7: {  	s10 =	rddreg [dreg:$0x1e]  }
0xd8: {  	[hbm4b:s8+s12] =	stream.linear.scatter [tilespmem:s9], [sflag:$0x2], $0x1000, $0x38;
	[tilespmem:$0x16100] =	vst v63  }
0xd9: {  	s8 =	rddreg [dreg:$0x1f]  }
0xda: {  	[hbm4b:s10+s12] =	stream.linear.scatter [tilespmem:s5], [sflag:$0x2], $0x1000, $0x38;
	[tilespmem:$0x16100] =	vst v63  }
0xdb: {  	s10 =	sld [smem:$0x7F5]  }
0xdc: {  	[hbm4b:s8+s12] =	stream.linear.scatter [tilespmem:s1], [sflag:$0x2], $0x1000, $0x38;
	[tilespmem:$0x16100] =	vst v63  }
0xdd: {  	s8 =	sld [smem:$0x7F6]  }
0xde: {  	[hbm4b:s10+s12] =	stream.linear.scatter [tilespmem:s2], [sflag:$0x2], $0x1000, $0x38;
	[tilespmem:$0x16100] =	vst v63  }
0xdf: {  	s10 =	sld [smem:$0x7F7]  }
0xe0: {  	[hbm4b:s8+s12] =	stream.linear.scatter [tilespmem:s3], [sflag:$0x2], $0x1000, $0x38;
	[tilespmem:$0x16100] =	vst v63  }
0xe1: {  	_ = 	snop  }
0xe2: {  	[hbm4b:s10+s12] =	stream.linear.scatter [tilespmem:s4], [sflag:$0x2], $0x1000, $0x38;
	[tilespmem:$0x16100] =	vst v63  }
0xe3: {  	_ =	swait.ge [sflag:s7], $0x2000  }
0xe4: {  	[sflag:s7] =	ssyncset.done $0x0  }
0xe5: {  	[sflag:s7] =	ssyncadd.s32 $0xFFFFE000  }
0xe6: {  	_ =	swait.ge [sflag:s7], $0x2000  }
0xe7: {  	[sflag:s7] =	ssyncset.done $0x0  }
0xe8: {  	[sflag:s7] =	ssyncadd.s32 $0xFFFFE000  }
0xe9: {  	_ =	swait.ge [sflag:s7], $0x1000  }
0xea: {  	[sflag:s7] =	ssyncset.done $0x0  }
0xeb: {  	[sflag:s7] =	ssyncadd.s32 $0xFFFFF000  }
0xec: {  	_ =	swait.ge [sflag:s7], $0x1000  }
0xed: {  	[sflag:s7] =	ssyncset.done $0x0  }
0xee: {  	[sflag:s7] =	ssyncadd.s32 $0xFFFFF000  }
0xef: {  	_ =	swait.ge [sflag:s7], $0x1000  }
0xf0: {  	[sflag:s7] =	ssyncset.done $0x0  }
0xf1: {  	[sflag:s7] =	ssyncadd.s32 $0xFFFFF000  }
0xf2: {  	_ =	swait.ge [sflag:s7], $0x1000  }
0xf3: {  	[sflag:s7] =	ssyncset.done $0x0  }
0xf4: {  	[sflag:s7] =	ssyncadd.s32 $0xFFFFF000  }
0xf5: {  	_ =	swait.ge [sflag:s7], $0x1000  }
0xf6: {  	[sflag:s7] =	ssyncset.done $0x0  }
0xf7: {  	[sflag:s7] =	ssyncadd.s32 $0xFFFFF000  }
0xf8: {  	_ =	swait.ge [sflag:s7], $0x1000  }
0xf9: {  	[sflag:s7] =	ssyncset.done $0x0  }
0xfa: {  	[sflag:s7] =	ssyncadd.s32 $0xFFFFF000  }
0xfb: {  	_ =	swait.ge [sflag:s7], $0x1000  }
0xfc: {  	[sflag:s7] =	ssyncset.done $0x0  }
0xfd: {  	[sflag:s7] =	ssyncadd.s32 $0xFFFFF000  }
0xfe: {  	_ =	swait.ge [sflag:s7], $0x1000  }
0xff: {  	[sflag:s7] =	ssyncset.done $0x0  }
0x100: {  	[sflag:s7] =	ssyncadd.s32 $0xFFFFF000  }
0x101: {  	_ =	swait.ge [sflag:s7], $0x1000  }
0x102: {  	[sflag:s7] =	ssyncset.done $0x0  }
0x103: {  	[sflag:s7] =	ssyncadd.s32 $0xFFFFF000  }
0x104: {  	_ =	swait.ge [sflag:s7], $0x1000  }
0x105: {  	[sflag:s7] =	ssyncset.done $0x0  }
0x106: {  	[sflag:s7] =	ssyncadd.s32 $0xFFFFF000  }
0x107: {  	_ =	swait.ge [sflag:s7], $0x1000  }
0x108: {  	[sflag:s7] =	ssyncset.done $0x0  }
0x109: {  	[sflag:s7] =	ssyncadd.s32 $0xFFFFF000  }
0x10a: {  	_ =	swait.ge [sflag:s7], $0x1000  }
0x10b: {  	[sflag:s7] =	ssyncset.done $0x0  }
0x10c: {  	[sflag:s7] =	ssyncadd.s32 $0xFFFFF000  }
0x10d: {  	_ =	swait.ge [sflag:s7], $0x1000  }
0x10e: {  	[sflag:s7] =	ssyncset.done $0x0  }
0x10f: {  	[sflag:s7] =	ssyncadd.s32 $0xFFFFF000  }
0x110: {  	_ =	swait.ge [sflag:s7], $0x1000  }
0x111: {  	[sflag:s7] =	ssyncset.done $0x0  }
0x112: {  	[sflag:s7] =	ssyncadd.s32 $0xFFFFF000  }
0x113: {  	_ =	swait.ge [sflag:s7], $0x1000  }
0x114: {  	[sflag:s7] =	ssyncset.done $0x0  }
0x115: {  	[sflag:s7] =	ssyncadd.s32 $0xFFFFF000  }
0x116: {  	_ =	swait.ge [sflag:s7], $0x1000  }
0x117: {  	[sflag:s7] =	ssyncset.done $0x0  }
0x118: {  	[sflag:s7] =	ssyncadd.s32 $0xFFFFF000  }
0x119: {  	p0 =	sne.s32 s13, $0x1;
	_ =	swait.ge [sflag:s7], $0x1000  }
.Ltmp0:
0x11a: {  	[sflag:s7] =	ssyncset.done $0x0;
	(pc) =	sbr.rel @p0 .LBB2_1-.Ltmp0, $4  }
0x11b: {  	[sflag:s7] =	ssyncadd.s32 $0xFFFFF000  }
0x11c: {  	_ =	swait.ge [sflag:s7], $0x1000  }
0x11d: {  	[sflag:s7] =	ssyncset.done $0x0  }
0x11e: {  	s13 =	sadd.s32 $0xFFFFFFFF, s13;
	[sflag:s7] =	ssyncadd.s32 $0xFFFFF000  }
0x11f: {  	_ =	sfence.sel $0x180000  }
0x120: {  	[bflag:$0x0] =	sbarrier.arrive $0xFFFF  }
0x121: {  	_ =	strace $0x90000047  }
0x122: {  	s0 =	stileid.u32;
	[bflag:$0x2] =	sbarrier.arrive $0xFFFF  }
0x123: {  	p0 =	sne.s32 s0, $0x0;
	s0 =	rddreg [dreg:$0xc]  }
0x124: {  	s0 =	sadd.s32 @!p0 $0x100000, s0  }
0x125: {  	[sflag:s0] =	ssyncadd.tile.s32 @!p0 $0x1;
	_ =	shalt  }
.Lfunc_end2:
_tile_overlayer_lowered:
.L_overlay_start_2:
0x126: {  	(tag) =	ssettag $0x2  }
0x127: {  	s0 =	rddreg [dreg:$0x0];
	s2 =	stileid.u32  }
0x128: {  	s1 =	rddreg [dreg:$0x1];
	p0 =	sne.s32 s2, $0x0  }
0x129: {  	s3 =	rddreg [dreg:$0x2];
	[bflag:$0x3] =	sbarrier.arrive $0xFFFF;
	s2 =	simm.s32 @!p0 $0x1C03  }
0x12a: {  	[timem:s3], [sflag:s2] =	dma.local @!p0 [hbm:s0], s1  }
0x12b: {  	s0 =	simm.s32 @!p0 $0x3  }
0x12c: {  	_ =	swait.ge @!p0 [sflag:s0], s1  }
0x12d: {  	s1 =	ssub.s32 @!p0 $0x0, s1;
	[sflag:s0] =	ssyncset.done @!p0 $0x0  }
0x12e: {  	[sflag:s0] =	ssyncadd.s32 @!p0 s1  }
0x12f: {  	[bflag:$0x3] =	sbarrier.arrive $0xFFFF  }
0x130: {  	_ =	shalt  }

</sc_bundles>
